<compile_context>
chip_gen: v7x
topology: tpu7x:2x2x1
jax: 0.10.2.dev20260603
libtpu: 0.0.44.dev20260713+nightly
codegen_flags: <defaults>
</compile_context>

<pallas_src>
import functools

import jax
import jax.numpy as jnp
from jax import lax
from jax.experimental import pallas as pl
from jax.experimental.pallas import tpu as pltpu
from jax.experimental.pallas import tpu_sc as plsc

NC = 2
NS = 16
L = 16
NW = NC * NS

B = 16384
BPW = B // NW
HALF = BPW // 2
NCHUNK_H = HALF // L

CONT_PARTS = ((13, 0), (3, 13), (13, 16))
EMB_PARTS = ((32, 29), (4, 61), (8, 65), (2, 73),
             (2, 75), (4, 77), (8, 81))
D_OUT = 89

_TABLE_SHAPES_T = ((32, 400), (4, 8), (8, 33), (2, 3), (2, 3), (4, 32), (8, 64))

_mesh = plsc.VectorSubcoreMesh(
    core_axis_name="c", subcore_axis_name="s", num_cores=NC, num_subcores=NS)


@functools.partial(
    pl.kernel,
    mesh=_mesh,
    compiler_params=pltpu.CompilerParams(
        needs_layout_passes=False, use_tc_tiling_on_sc=True),
    out_type=jax.ShapeDtypeStruct((D_OUT, B), jnp.float32),
    scratch_types=(
        [pltpu.VMEM((2, 13, HALF), jnp.float32),
         pltpu.VMEM((2, 3, HALF), jnp.float32),
         pltpu.VMEM((2, 13, HALF), jnp.float32)]
        + [pltpu.VMEM((BPW,), jnp.int32) for _ in range(7)]
        + [pltpu.VMEM(s, jnp.float32) for s in _TABLE_SHAPES_T]
        + [pltpu.VMEM((2, D_OUT, HALF), jnp.float32)]
        + [pltpu.SemaphoreType.DMA, pltpu.SemaphoreType.DMA,
           pltpu.SemaphoreType.DMA]
    ),
)
def _encode(cont_h, bin_h, ctrl_h,
            act_h, jmp_h, chr_h, lc_h, hb_h, gnd_h, la_h,
            wa_h, wj_h, wc_h, wl_h, wh_h, wg_h, wla_h,
            out_h,
            cont_v, bin_v, ctrl_v,
            act_v, jmp_v, chr_v, lc_v, hb_v, gnd_v, la_v,
            wa_v, wj_v, wc_v, wl_v, wh_v, wg_v, wla_v,
            out_v, sem_a, sem_b, sem_out):
  wid = lax.axis_index("s") * NC + lax.axis_index("c")
  base = wid * BPW

  idx_refs = (act_v, jmp_v, chr_v, lc_v, hb_v, gnd_v, la_v)
  tbl_refs = (wa_v, wj_v, wc_v, wl_v, wh_v, wg_v, wla_v)
  in_hbm = (cont_h, bin_h, ctrl_h)
  in_vmem = (cont_v, bin_v, ctrl_v)

  def fire_half(hh, sem):
    return [pltpu.async_copy(h.at[:, pl.ds(base + hh * HALF, HALF)],
                             v.at[hh], sem)
            for h, v in zip(in_hbm, in_vmem)]

  batch_a = fire_half(0, sem_a)
  for h, v in zip((act_h, jmp_h, chr_h, lc_h, hb_h, gnd_h, la_h), idx_refs):
    batch_a.append(pltpu.async_copy(h.at[pl.ds(base, BPW)], v, sem_a))
  for h, v in zip((wa_h, wj_h, wc_h, wl_h, wh_h, wg_h, wla_h), tbl_refs):
    batch_a.append(pltpu.async_copy(h, v, sem_a))
  batch_b = fire_half(1, sem_b)

  GRP = 8

  def compute_half(hh):
    def chunk(k, carry):
      cols = pl.ds(k * L, L)
      jobs = []
      for src, (w, off) in zip(in_vmem, CONT_PARTS):
        for r in range(w):
          jobs.append((src, r, None, off + r))
      for iv, tv, (w, off) in zip(idx_refs, tbl_refs, EMB_PARTS):
        idx = iv[pl.ds(hh * HALF + k * L, L)]
        for r in range(w):
          jobs.append((tv, r, idx, off + r))
      for g in range(0, len(jobs), GRP):
        grp = jobs[g:g + GRP]
        vals = []
        for src, r, idx, _ in grp:
          if idx is None:
            vals.append(src[hh, r, cols])
          else:
            vals.append(
                plsc.load_gather(src, [jnp.full((L,), r, jnp.int32), idx]))
        for (_, _, _, orow), v in zip(grp, vals):
          out_v[hh, orow, cols] = v
      return carry

    lax.fori_loop(0, NCHUNK_H, chunk, 0)

  for c in batch_a:
    c.wait()
  compute_half(0)
  out0 = pltpu.async_copy(
      out_v.at[0], out_h.at[:, pl.ds(base, HALF)], sem_out)
  for c in batch_b:
    c.wait()
  compute_half(1)
  out1 = pltpu.async_copy(
      out_v.at[1], out_h.at[:, pl.ds(base + HALF, HALF)], sem_out)
  out0.wait()
  out1.wait()


def kernel(continuous, binary, controller, action, jumps_left, character,
           l_cancel, hurtbox_state, ground, last_attack_landed,
           W_action, W_jumps, W_character, W_l_cancel, W_hurtbox, W_ground,
           W_last_attack):
  to_i32 = lambda x: x.astype(jnp.int32)
  out_t = _encode(continuous.T, binary.T, controller.T,
                  to_i32(action), to_i32(jumps_left), to_i32(character),
                  to_i32(l_cancel), to_i32(hurtbox_state), to_i32(ground),
                  to_i32(last_attack_landed),
                  W_action.T, W_jumps.T, W_character.T, W_l_cancel.T,
                  W_hurtbox.T, W_ground.T, W_last_attack.T)
  return out_t.T

# --- scband reference (transcript-rebuilt; emitter-appended) ---
"""Pipeline reference for scband-state-encoder-20753281974969 (READ-ONLY COPY).

The authoritative reference and input builder live on the scoring server;
editing this copy changes nothing except your own understanding.
"""

import jax, jax.numpy as jnp
import numpy as np

B = 16384

def setup_inputs(seed: int = 0) -> dict:
    key = jax.random.key(seed)
    ks = jax.random.split(key, 17)
    inp = {}
    inp["continuous"] = jax.random.normal(ks[0], (B, 13), dtype=jnp.float32)
    inp["binary"] = jax.random.uniform(ks[1], (B, 3), dtype=jnp.float32)
    inp["controller"] = jax.random.uniform(ks[2], (B, 13), dtype=jnp.float32)
    inp["action"] = jax.random.randint(ks[3], (B,), 0, 400)
    inp["jumps_left"] = jax.random.randint(ks[4], (B,), 0, 8)
    inp["character"] = jax.random.randint(ks[5], (B,), 0, 33)
    inp["l_cancel"] = jax.random.randint(ks[6], (B,), 0, 3)
    inp["hurtbox_state"] = jax.random.randint(ks[7], (B,), 0, 3)
    inp["ground"] = jax.random.randint(ks[8], (B,), 0, 32)
    inp["last_attack_landed"] = jax.random.randint(ks[9], (B,), 0, 64)
    inp["W_action"] = jax.random.normal(ks[10], (400, 32), dtype=jnp.float32) * 0.02
    inp["W_jumps"] = jax.random.normal(ks[11], (8, 4), dtype=jnp.float32) * 0.02
    inp["W_character"] = jax.random.normal(ks[12], (33, 8), dtype=jnp.float32) * 0.02
    inp["W_l_cancel"] = jax.random.normal(ks[13], (3, 2), dtype=jnp.float32) * 0.02
    inp["W_hurtbox"] = jax.random.normal(ks[14], (3, 2), dtype=jnp.float32) * 0.02
    inp["W_ground"] = jax.random.normal(ks[15], (32, 4), dtype=jnp.float32) * 0.02
    inp["W_last_attack"] = jax.random.normal(ks[16], (64, 8), dtype=jnp.float32) * 0.02
    return inp

def reference(continuous, binary, controller, action, jumps_left, character, l_cancel, hurtbox_state, ground, last_attack_landed, W_action, W_jumps, W_character, W_l_cancel, W_hurtbox, W_ground, W_last_attack):
    action_emb = jnp.take(W_action, action, axis=0)
    jumps_emb = jnp.take(W_jumps, jumps_left, axis=0)
    char_emb = jnp.take(W_character, character, axis=0)
    lc_emb = jnp.take(W_l_cancel, l_cancel, axis=0)
    hb_emb = jnp.take(W_hurtbox, hurtbox_state, axis=0)
    gnd_emb = jnp.take(W_ground, ground, axis=0)
    la_emb = jnp.take(W_last_attack, last_attack_landed, axis=0)
    parts = [continuous, binary, controller, action_emb, jumps_emb, char_emb, lc_emb, hb_emb, gnd_emb, la_emb]
    return jnp.concatenate(parts, axis=-1)

if __name__ == "__main__":
    import jax
    _d = setup_inputs()
    print(jax.jit(kernel)(*tuple(_d.values())))

</pallas_src>

<mosaic_0001>
#map = affine_map<(d0, d1) -> (0, 0)>
#map1 = affine_map<(d0, d1) -> (0)>
module attributes {stable_mosaic.version = 14 : i64} {
  func.func @_encode(%arg0: i32, %arg1: i32, %arg2: memref<13x16384xf32, #tpu.memory_space<hbm>>, %arg3: memref<3x16384xf32, #tpu.memory_space<hbm>>, %arg4: memref<13x16384xf32, #tpu.memory_space<hbm>>, %arg5: memref<16384xi32, #tpu.memory_space<hbm>>, %arg6: memref<16384xi32, #tpu.memory_space<hbm>>, %arg7: memref<16384xi32, #tpu.memory_space<hbm>>, %arg8: memref<16384xi32, #tpu.memory_space<hbm>>, %arg9: memref<16384xi32, #tpu.memory_space<hbm>>, %arg10: memref<16384xi32, #tpu.memory_space<hbm>>, %arg11: memref<16384xi32, #tpu.memory_space<hbm>>, %arg12: memref<32x400xf32, #tpu.memory_space<hbm>>, %arg13: memref<4x8xf32, #tpu.memory_space<hbm>>, %arg14: memref<8x33xf32, #tpu.memory_space<hbm>>, %arg15: memref<2x3xf32, #tpu.memory_space<hbm>>, %arg16: memref<2x3xf32, #tpu.memory_space<hbm>>, %arg17: memref<4x32xf32, #tpu.memory_space<hbm>>, %arg18: memref<8x64xf32, #tpu.memory_space<hbm>>, %arg19: memref<89x16384xf32, #tpu.memory_space<hbm>>, %arg20: memref<2x13x256xf32, #tpu.memory_space<vmem>>, %arg21: memref<2x3x256xf32, #tpu.memory_space<vmem>>, %arg22: memref<2x13x256xf32, #tpu.memory_space<vmem>>, %arg23: memref<512xi32, #tpu.memory_space<vmem>>, %arg24: memref<512xi32, #tpu.memory_space<vmem>>, %arg25: memref<512xi32, #tpu.memory_space<vmem>>, %arg26: memref<512xi32, #tpu.memory_space<vmem>>, %arg27: memref<512xi32, #tpu.memory_space<vmem>>, %arg28: memref<512xi32, #tpu.memory_space<vmem>>, %arg29: memref<512xi32, #tpu.memory_space<vmem>>, %arg30: memref<32x400xf32, #tpu.memory_space<vmem>>, %arg31: memref<4x8xf32, #tpu.memory_space<vmem>>, %arg32: memref<8x33xf32, #tpu.memory_space<vmem>>, %arg33: memref<2x3xf32, #tpu.memory_space<vmem>>, %arg34: memref<2x3xf32, #tpu.memory_space<vmem>>, %arg35: memref<4x32xf32, #tpu.memory_space<vmem>>, %arg36: memref<8x64xf32, #tpu.memory_space<vmem>>, %arg37: memref<2x89x256xf32, #tpu.memory_space<vmem>>, %arg38: memref<!tpu.dma_semaphore, #tpu.memory_space<semaphore_mem>>, %arg39: memref<!tpu.dma_semaphore, #tpu.memory_space<semaphore_mem>>, %arg40: memref<!tpu.dma_semaphore, #tpu.memory_space<semaphore_mem>>) attributes {dimension_semantics = [#tpu.dimension_semantics<core_parallel>, #tpu.dimension_semantics<subcore_parallel>], iteration_bounds = array<i64: 2, 16>, scalar_prefetch = 0 : i64, scratch_operands = 21 : i64, tpu.core_type = #tpu.core_type<sc_vector_subcore>, window_params = [{transform_indices = #map}, {transform_indices = #map}, {transform_indices = #map}, {transform_indices = #map1}, {transform_indices = #map1}, {transform_indices = #map1}, {transform_indices = #map1}, {transform_indices = #map1}, {transform_indices = #map1}, {transform_indices = #map1}, {transform_indices = #map}, {transform_indices = #map}, {transform_indices = #map}, {transform_indices = #map}, {transform_indices = #map}, {transform_indices = #map}, {transform_indices = #map}, {transform_indices = #map}]} {
    %mul3A = arith.constant 2 : i32
    %mul3A_0 = arith.muli %arg1, %mul3A : i32
    %add3A = arith.addi %mul3A_0, %arg0 : i32
    %mul3A_1 = arith.constant 512 : i32
    %mul3A_2 = arith.muli %add3A, %mul3A_1 : i32
    %add3A_3 = arith.constant 0 : i32
    %add3A_4 = arith.addi %mul3A_2, %add3A_3 : i32
    %dma_start3A = arith.constant 0 : i32
    %dma_start3A_5 = arith.constant 0 : i32
    %dma_start3A_6 = arith.constant 0 : i32
    %dma_start3A_7 = tpu.memref_slice %arg20[%dma_start3A, %dma_start3A_5, %dma_start3A_6] : memref<2x13x256xf32, #tpu.memory_space<vmem>> -> memref<1x13x256xf32, #tpu.memory_space<vmem>>
    %dma_start3A_8 = tpu.memref_squeeze %dma_start3A_7 : memref<1x13x256xf32, #tpu.memory_space<vmem>> -> memref<13x256xf32, #tpu.memory_space<vmem>>
    %dma_start3A_9 = arith.constant 0 : i32
    %dma_start3A_10 = tpu.memref_slice %arg2[%dma_start3A_9, %add3A_4] : memref<13x16384xf32, #tpu.memory_space<hbm>> -> memref<13x256xf32, #tpu.memory_space<hbm>>
    %dma_start3A_11 = arith.constant 0 : i32
    %dma_start3A_12 = arith.constant 0 : i32
    %dma_start3A_13 = tpu.memref_slice %arg20[%dma_start3A, %dma_start3A_11, %dma_start3A_12] : memref<2x13x256xf32, #tpu.memory_space<vmem>> -> memref<1x13x256xf32, #tpu.memory_space<vmem>>
    %dma_start3A_14 = tpu.memref_squeeze %dma_start3A_13 : memref<1x13x256xf32, #tpu.memory_space<vmem>> -> memref<13x256xf32, #tpu.memory_space<vmem>>
    %dma_start3A_15 = arith.constant 0 : i32
    %dma_start3A_16 = tpu.memref_slice %arg2[%dma_start3A_15, %add3A_4] : memref<13x16384xf32, #tpu.memory_space<hbm>> -> memref<13x256xf32, #tpu.memory_space<hbm>>
    tpu.enqueue_dma source(%dma_start3A_16 : memref<13x256xf32, #tpu.memory_space<hbm>>) target(%dma_start3A_14 : memref<13x256xf32, #tpu.memory_space<vmem>>) target_semaphore(%arg38 : memref<!tpu.dma_semaphore, #tpu.memory_space<semaphore_mem>>)
    %add3A_17 = arith.constant 0 : i32
    %add3A_18 = arith.addi %mul3A_2, %add3A_17 : i32
    %dma_start3A_19 = arith.constant 0 : i32
    %dma_start3A_20 = arith.constant 0 : i32
    %dma_start3A_21 = arith.constant 0 : i32
    %dma_start3A_22 = tpu.memref_slice %arg21[%dma_start3A_19, %dma_start3A_20, %dma_start3A_21] : memref<2x3x256xf32, #tpu.memory_space<vmem>> -> memref<1x3x256xf32, #tpu.memory_space<vmem>>
    %dma_start3A_23 = tpu.memref_squeeze %dma_start3A_22 : memref<1x3x256xf32, #tpu.memory_space<vmem>> -> memref<3x256xf32, #tpu.memory_space<vmem>>
    %dma_start3A_24 = arith.constant 0 : i32
    %dma_start3A_25 = tpu.memref_slice %arg3[%dma_start3A_24, %add3A_18] : memref<3x16384xf32, #tpu.memory_space<hbm>> -> memref<3x256xf32, #tpu.memory_space<hbm>>
    %dma_start3A_26 = arith.constant 0 : i32
    %dma_start3A_27 = arith.constant 0 : i32
    %dma_start3A_28 = tpu.memref_slice %arg21[%dma_start3A_19, %dma_start3A_26, %dma_start3A_27] : memref<2x3x256xf32, #tpu.memory_space<vmem>> -> memref<1x3x256xf32, #tpu.memory_space<vmem>>
    %dma_start3A_29 = tpu.memref_squeeze %dma_start3A_28 : memref<1x3x256xf32, #tpu.memory_space<vmem>> -> memref<3x256xf32, #tpu.memory_space<vmem>>
    %dma_start3A_30 = arith.constant 0 : i32
    %dma_start3A_31 = tpu.memref_slice %arg3[%dma_start3A_30, %add3A_18] : memref<3x16384xf32, #tpu.memory_space<hbm>> -> memref<3x256xf32, #tpu.memory_space<hbm>>
    tpu.enqueue_dma source(%dma_start3A_31 : memref<3x256xf32, #tpu.memory_space<hbm>>) target(%dma_start3A_29 : memref<3x256xf32, #tpu.memory_space<vmem>>) target_semaphore(%arg38 : memref<!tpu.dma_semaphore, #tpu.memory_space<semaphore_mem>>)
    %add3A_32 = arith.constant 0 : i32
    %add3A_33 = arith.addi %mul3A_2, %add3A_32 : i32
    %dma_start3A_34 = arith.constant 0 : i32
    %dma_start3A_35 = arith.constant 0 : i32
    %dma_start3A_36 = arith.constant 0 : i32
    %dma_start3A_37 = tpu.memref_slice %arg22[%dma_start3A_34, %dma_start3A_35, %dma_start3A_36] : memref<2x13x256xf32, #tpu.memory_space<vmem>> -> memref<1x13x256xf32, #tpu.memory_space<vmem>>
    %dma_start3A_38 = tpu.memref_squeeze %dma_start3A_37 : memref<1x13x256xf32, #tpu.memory_space<vmem>> -> memref<13x256xf32, #tpu.memory_space<vmem>>
    %dma_start3A_39 = arith.constant 0 : i32
    %dma_start3A_40 = tpu.memref_slice %arg4[%dma_start3A_39, %add3A_33] : memref<13x16384xf32, #tpu.memory_space<hbm>> -> memref<13x256xf32, #tpu.memory_space<hbm>>
    %dma_start3A_41 = arith.constant 0 : i32
    %dma_start3A_42 = arith.constant 0 : i32
    %dma_start3A_43 = tpu.memref_slice %arg22[%dma_start3A_34, %dma_start3A_41, %dma_start3A_42] : memref<2x13x256xf32, #tpu.memory_space<vmem>> -> memref<1x13x256xf32, #tpu.memory_space<vmem>>
    %dma_start3A_44 = tpu.memref_squeeze %dma_start3A_43 : memref<1x13x256xf32, #tpu.memory_space<vmem>> -> memref<13x256xf32, #tpu.memory_space<vmem>>
    %dma_start3A_45 = arith.constant 0 : i32
    %dma_start3A_46 = tpu.memref_slice %arg4[%dma_start3A_45, %add3A_33] : memref<13x16384xf32, #tpu.memory_space<hbm>> -> memref<13x256xf32, #tpu.memory_space<hbm>>
    tpu.enqueue_dma source(%dma_start3A_46 : memref<13x256xf32, #tpu.memory_space<hbm>>) target(%dma_start3A_44 : memref<13x256xf32, #tpu.memory_space<vmem>>) target_semaphore(%arg38 : memref<!tpu.dma_semaphore, #tpu.memory_space<semaphore_mem>>)
    %dma_start3A_47 = tpu.memref_slice %arg5[%mul3A_2] : memref<16384xi32, #tpu.memory_space<hbm>> -> memref<512xi32, #tpu.memory_space<hbm>>
    %dma_start3A_48 = tpu.memref_slice %arg5[%mul3A_2] : memref<16384xi32, #tpu.memory_space<hbm>> -> memref<512xi32, #tpu.memory_space<hbm>>
    tpu.enqueue_dma source(%dma_start3A_48 : memref<512xi32, #tpu.memory_space<hbm>>) target(%arg23 : memref<512xi32, #tpu.memory_space<vmem>>) target_semaphore(%arg38 : memref<!tpu.dma_semaphore, #tpu.memory_space<semaphore_mem>>)
    %dma_start3A_49 = tpu.memref_slice %arg6[%mul3A_2] : memref<16384xi32, #tpu.memory_space<hbm>> -> memref<512xi32, #tpu.memory_space<hbm>>
    %dma_start3A_50 = tpu.memref_slice %arg6[%mul3A_2] : memref<16384xi32, #tpu.memory_space<hbm>> -> memref<512xi32, #tpu.memory_space<hbm>>
    tpu.enqueue_dma source(%dma_start3A_50 : memref<512xi32, #tpu.memory_space<hbm>>) target(%arg24 : memref<512xi32, #tpu.memory_space<vmem>>) target_semaphore(%arg38 : memref<!tpu.dma_semaphore, #tpu.memory_space<semaphore_mem>>)
    %dma_start3A_51 = tpu.memref_slice %arg7[%mul3A_2] : memref<16384xi32, #tpu.memory_space<hbm>> -> memref<512xi32, #tpu.memory_space<hbm>>
    %dma_start3A_52 = tpu.memref_slice %arg7[%mul3A_2] : memref<16384xi32, #tpu.memory_space<hbm>> -> memref<512xi32, #tpu.memory_space<hbm>>
    tpu.enqueue_dma source(%dma_start3A_52 : memref<512xi32, #tpu.memory_space<hbm>>) target(%arg25 : memref<512xi32, #tpu.memory_space<vmem>>) target_semaphore(%arg38 : memref<!tpu.dma_semaphore, #tpu.memory_space<semaphore_mem>>)
    %dma_start3A_53 = tpu.memref_slice %arg8[%mul3A_2] : memref<16384xi32, #tpu.memory_space<hbm>> -> memref<512xi32, #tpu.memory_space<hbm>>
    %dma_start3A_54 = tpu.memref_slice %arg8[%mul3A_2] : memref<16384xi32, #tpu.memory_space<hbm>> -> memref<512xi32, #tpu.memory_space<hbm>>
    tpu.enqueue_dma source(%dma_start3A_54 : memref<512xi32, #tpu.memory_space<hbm>>) target(%arg26 : memref<512xi32, #tpu.memory_space<vmem>>) target_semaphore(%arg38 : memref<!tpu.dma_semaphore, #tpu.memory_space<semaphore_mem>>)
    %dma_start3A_55 = tpu.memref_slice %arg9[%mul3A_2] : memref<16384xi32, #tpu.memory_space<hbm>> -> memref<512xi32, #tpu.memory_space<hbm>>
    %dma_start3A_56 = tpu.memref_slice %arg9[%mul3A_2] : memref<16384xi32, #tpu.memory_space<hbm>> -> memref<512xi32, #tpu.memory_space<hbm>>
    tpu.enqueue_dma source(%dma_start3A_56 : memref<512xi32, #tpu.memory_space<hbm>>) target(%arg27 : memref<512xi32, #tpu.memory_space<vmem>>) target_semaphore(%arg38 : memref<!tpu.dma_semaphore, #tpu.memory_space<semaphore_mem>>)
    %dma_start3A_57 = tpu.memref_slice %arg10[%mul3A_2] : memref<16384xi32, #tpu.memory_space<hbm>> -> memref<512xi32, #tpu.memory_space<hbm>>
    %dma_start3A_58 = tpu.memref_slice %arg10[%mul3A_2] : memref<16384xi32, #tpu.memory_space<hbm>> -> memref<512xi32, #tpu.memory_space<hbm>>
    tpu.enqueue_dma source(%dma_start3A_58 : memref<512xi32, #tpu.memory_space<hbm>>) target(%arg28 : memref<512xi32, #tpu.memory_space<vmem>>) target_semaphore(%arg38 : memref<!tpu.dma_semaphore, #tpu.memory_space<semaphore_mem>>)
    %dma_start3A_59 = tpu.memref_slice %arg11[%mul3A_2] : memref<16384xi32, #tpu.memory_space<hbm>> -> memref<512xi32, #tpu.memory_space<hbm>>
    %dma_start3A_60 = tpu.memref_slice %arg11[%mul3A_2] : memref<16384xi32, #tpu.memory_space<hbm>> -> memref<512xi32, #tpu.memory_space<hbm>>
    tpu.enqueue_dma source(%dma_start3A_60 : memref<512xi32, #tpu.memory_space<hbm>>) target(%arg29 : memref<512xi32, #tpu.memory_space<vmem>>) target_semaphore(%arg38 : memref<!tpu.dma_semaphore, #tpu.memory_space<semaphore_mem>>)
    tpu.enqueue_dma source(%arg12 : memref<32x400xf32, #tpu.memory_space<hbm>>) target(%arg30 : memref<32x400xf32, #tpu.memory_space<vmem>>) target_semaphore(%arg38 : memref<!tpu.dma_semaphore, #tpu.memory_space<semaphore_mem>>)
    tpu.enqueue_dma source(%arg13 : memref<4x8xf32, #tpu.memory_space<hbm>>) target(%arg31 : memref<4x8xf32, #tpu.memory_space<vmem>>) target_semaphore(%arg38 : memref<!tpu.dma_semaphore, #tpu.memory_space<semaphore_mem>>)
    tpu.enqueue_dma source(%arg14 : memref<8x33xf32, #tpu.memory_space<hbm>>) target(%arg32 : memref<8x33xf32, #tpu.memory_space<vmem>>) target_semaphore(%arg38 : memref<!tpu.dma_semaphore, #tpu.memory_space<semaphore_mem>>)
    tpu.enqueue_dma source(%arg15 : memref<2x3xf32, #tpu.memory_space<hbm>>) target(%arg33 : memref<2x3xf32, #tpu.memory_space<vmem>>) target_semaphore(%arg38 : memref<!tpu.dma_semaphore, #tpu.memory_space<semaphore_mem>>)
    tpu.enqueue_dma source(%arg16 : memref<2x3xf32, #tpu.memory_space<hbm>>) target(%arg34 : memref<2x3xf32, #tpu.memory_space<vmem>>) target_semaphore(%arg38 : memref<!tpu.dma_semaphore, #tpu.memory_space<semaphore_mem>>)
    tpu.enqueue_dma source(%arg17 : memref<4x32xf32, #tpu.memory_space<hbm>>) target(%arg35 : memref<4x32xf32, #tpu.memory_space<vmem>>) target_semaphore(%arg38 : memref<!tpu.dma_semaphore, #tpu.memory_space<semaphore_mem>>)
    tpu.enqueue_dma source(%arg18 : memref<8x64xf32, #tpu.memory_space<hbm>>) target(%arg36 : memref<8x64xf32, #tpu.memory_space<vmem>>) target_semaphore(%arg38 : memref<!tpu.dma_semaphore, #tpu.memory_space<semaphore_mem>>)
    %add3A_61 = arith.constant 256 : i32
    %add3A_62 = arith.addi %mul3A_2, %add3A_61 : i32
    %dma_start3A_63 = arith.constant 1 : i32
    %dma_start3A_64 = arith.constant 0 : i32
    %dma_start3A_65 = arith.constant 0 : i32
    %dma_start3A_66 = tpu.memref_slice %arg20[%dma_start3A_63, %dma_start3A_64, %dma_start3A_65] : memref<2x13x256xf32, #tpu.memory_space<vmem>> -> memref<1x13x256xf32, #tpu.memory_space<vmem>>
    %dma_start3A_67 = tpu.memref_squeeze %dma_start3A_66 : memref<1x13x256xf32, #tpu.memory_space<vmem>> -> memref<13x256xf32, #tpu.memory_space<vmem>>
    %dma_start3A_68 = arith.constant 0 : i32
    %dma_start3A_69 = tpu.memref_slice %arg2[%dma_start3A_68, %add3A_62] : memref<13x16384xf32, #tpu.memory_space<hbm>> -> memref<13x256xf32, #tpu.memory_space<hbm>>
    %dma_start3A_70 = arith.constant 0 : i32
    %dma_start3A_71 = arith.constant 0 : i32
    %dma_start3A_72 = tpu.memref_slice %arg20[%dma_start3A_63, %dma_start3A_70, %dma_start3A_71] : memref<2x13x256xf32, #tpu.memory_space<vmem>> -> memref<1x13x256xf32, #tpu.memory_space<vmem>>
    %dma_start3A_73 = tpu.memref_squeeze %dma_start3A_72 : memref<1x13x256xf32, #tpu.memory_space<vmem>> -> memref<13x256xf32, #tpu.memory_space<vmem>>
    %dma_start3A_74 = arith.constant 0 : i32
    %dma_start3A_75 = tpu.memref_slice %arg2[%dma_start3A_74, %add3A_62] : memref<13x16384xf32, #tpu.memory_space<hbm>> -> memref<13x256xf32, #tpu.memory_space<hbm>>
    tpu.enqueue_dma source(%dma_start3A_75 : memref<13x256xf32, #tpu.memory_space<hbm>>) target(%dma_start3A_73 : memref<13x256xf32, #tpu.memory_space<vmem>>) target_semaphore(%arg39 : memref<!tpu.dma_semaphore, #tpu.memory_space<semaphore_mem>>)
    %add3A_76 = arith.constant 256 : i32
    %add3A_77 = arith.addi %mul3A_2, %add3A_76 : i32
    %dma_start3A_78 = arith.constant 1 : i32
    %dma_start3A_79 = arith.constant 0 : i32
    %dma_start3A_80 = arith.constant 0 : i32
    %dma_start3A_81 = tpu.memref_slice %arg21[%dma_start3A_78, %dma_start3A_79, %dma_start3A_80] : memref<2x3x256xf32, #tpu.memory_space<vmem>> -> memref<1x3x256xf32, #tpu.memory_space<vmem>>
    %dma_start3A_82 = tpu.memref_squeeze %dma_start3A_81 : memref<1x3x256xf32, #tpu.memory_space<vmem>> -> memref<3x256xf32, #tpu.memory_space<vmem>>
    %dma_start3A_83 = arith.constant 0 : i32
    %dma_start3A_84 = tpu.memref_slice %arg3[%dma_start3A_83, %add3A_77] : memref<3x16384xf32, #tpu.memory_space<hbm>> -> memref<3x256xf32, #tpu.memory_space<hbm>>
    %dma_start3A_85 = arith.constant 0 : i32
    %dma_start3A_86 = arith.constant 0 : i32
    %dma_start3A_87 = tpu.memref_slice %arg21[%dma_start3A_78, %dma_start3A_85, %dma_start3A_86] : memref<2x3x256xf32, #tpu.memory_space<vmem>> -> memref<1x3x256xf32, #tpu.memory_space<vmem>>
    %dma_start3A_88 = tpu.memref_squeeze %dma_start3A_87 : memref<1x3x256xf32, #tpu.memory_space<vmem>> -> memref<3x256xf32, #tpu.memory_space<vmem>>
    %dma_start3A_89 = arith.constant 0 : i32
    %dma_start3A_90 = tpu.memref_slice %arg3[%dma_start3A_89, %add3A_77] : memref<3x16384xf32, #tpu.memory_space<hbm>> -> memref<3x256xf32, #tpu.memory_space<hbm>>
    tpu.enqueue_dma source(%dma_start3A_90 : memref<3x256xf32, #tpu.memory_space<hbm>>) target(%dma_start3A_88 : memref<3x256xf32, #tpu.memory_space<vmem>>) target_semaphore(%arg39 : memref<!tpu.dma_semaphore, #tpu.memory_space<semaphore_mem>>)
    %add3A_91 = arith.constant 256 : i32
    %add3A_92 = arith.addi %mul3A_2, %add3A_91 : i32
    %dma_start3A_93 = arith.constant 1 : i32
    %dma_start3A_94 = arith.constant 0 : i32
    %dma_start3A_95 = arith.constant 0 : i32
    %dma_start3A_96 = tpu.memref_slice %arg22[%dma_start3A_93, %dma_start3A_94, %dma_start3A_95] : memref<2x13x256xf32, #tpu.memory_space<vmem>> -> memref<1x13x256xf32, #tpu.memory_space<vmem>>
    %dma_start3A_97 = tpu.memref_squeeze %dma_start3A_96 : memref<1x13x256xf32, #tpu.memory_space<vmem>> -> memref<13x256xf32, #tpu.memory_space<vmem>>
    %dma_start3A_98 = arith.constant 0 : i32
    %dma_start3A_99 = tpu.memref_slice %arg4[%dma_start3A_98, %add3A_92] : memref<13x16384xf32, #tpu.memory_space<hbm>> -> memref<13x256xf32, #tpu.memory_space<hbm>>
    %dma_start3A_100 = arith.constant 0 : i32
    %dma_start3A_101 = arith.constant 0 : i32
    %dma_start3A_102 = tpu.memref_slice %arg22[%dma_start3A_93, %dma_start3A_100, %dma_start3A_101] : memref<2x13x256xf32, #tpu.memory_space<vmem>> -> memref<1x13x256xf32, #tpu.memory_space<vmem>>
    %dma_start3A_103 = tpu.memref_squeeze %dma_start3A_102 : memref<1x13x256xf32, #tpu.memory_space<vmem>> -> memref<13x256xf32, #tpu.memory_space<vmem>>
    %dma_start3A_104 = arith.constant 0 : i32
    %dma_start3A_105 = tpu.memref_slice %arg4[%dma_start3A_104, %add3A_92] : memref<13x16384xf32, #tpu.memory_space<hbm>> -> memref<13x256xf32, #tpu.memory_space<hbm>>
    tpu.enqueue_dma source(%dma_start3A_105 : memref<13x256xf32, #tpu.memory_space<hbm>>) target(%dma_start3A_103 : memref<13x256xf32, #tpu.memory_space<vmem>>) target_semaphore(%arg39 : memref<!tpu.dma_semaphore, #tpu.memory_space<semaphore_mem>>)
    %dma_wait3A = arith.constant 0 : i32
    %dma_wait3A_106 = arith.constant 0 : i32
    %dma_wait3A_107 = arith.constant 0 : i32
    %dma_wait3A_108 = tpu.memref_slice %arg20[%dma_wait3A, %dma_wait3A_106, %dma_wait3A_107] : memref<2x13x256xf32, #tpu.memory_space<vmem>> -> memref<1x13x256xf32, #tpu.memory_space<vmem>>
    %dma_wait3A_109 = tpu.memref_squeeze %dma_wait3A_108 : memref<1x13x256xf32, #tpu.memory_space<vmem>> -> memref<13x256xf32, #tpu.memory_space<vmem>>
    %dma_wait3A_110 = arith.constant 0 : i32
    %dma_wait3A_111 = tpu.memref_slice %arg2[%dma_wait3A_110, %add3A_4] : memref<13x16384xf32, #tpu.memory_space<hbm>> -> memref<13x256xf32, #tpu.memory_space<hbm>>
    %dma_wait3A_112 = arith.constant 0 : i32
    %dma_wait3A_113 = arith.constant 0 : i32
    %dma_wait3A_114 = tpu.memref_slice %arg20[%dma_wait3A, %dma_wait3A_112, %dma_wait3A_113] : memref<2x13x256xf32, #tpu.memory_space<vmem>> -> memref<1x13x256xf32, #tpu.memory_space<vmem>>
    %dma_wait3A_115 = tpu.memref_squeeze %dma_wait3A_114 : memref<1x13x256xf32, #tpu.memory_space<vmem>> -> memref<13x256xf32, #tpu.memory_space<vmem>>
    %dma_wait3A_116 = arith.constant 0 : i32
    %dma_wait3A_117 = tpu.memref_slice %arg2[%dma_wait3A_116, %add3A_4] : memref<13x16384xf32, #tpu.memory_space<hbm>> -> memref<13x256xf32, #tpu.memory_space<hbm>>
    tpu.wait_dma2 semaphore(%arg38 : memref<!tpu.dma_semaphore, #tpu.memory_space<semaphore_mem>>) src(%dma_wait3A_117 : memref<13x256xf32, #tpu.memory_space<hbm>>) dst(%dma_wait3A_115 : memref<13x256xf32, #tpu.memory_space<vmem>>)
    %dma_wait3A_118 = arith.constant 0 : i32
    %dma_wait3A_119 = arith.constant 0 : i32
    %dma_wait3A_120 = arith.constant 0 : i32
    %dma_wait3A_121 = tpu.memref_slice %arg21[%dma_wait3A_118, %dma_wait3A_119, %dma_wait3A_120] : memref<2x3x256xf32, #tpu.memory_space<vmem>> -> memref<1x3x256xf32, #tpu.memory_space<vmem>>
    %dma_wait3A_122 = tpu.memref_squeeze %dma_wait3A_121 : memref<1x3x256xf32, #tpu.memory_space<vmem>> -> memref<3x256xf32, #tpu.memory_space<vmem>>
    %dma_wait3A_123 = arith.constant 0 : i32
    %dma_wait3A_124 = tpu.memref_slice %arg3[%dma_wait3A_123, %add3A_18] : memref<3x16384xf32, #tpu.memory_space<hbm>> -> memref<3x256xf32, #tpu.memory_space<hbm>>
    %dma_wait3A_125 = arith.constant 0 : i32
    %dma_wait3A_126 = arith.constant 0 : i32
    %dma_wait3A_127 = tpu.memref_slice %arg21[%dma_wait3A_118, %dma_wait3A_125, %dma_wait3A_126] : memref<2x3x256xf32, #tpu.memory_space<vmem>> -> memref<1x3x256xf32, #tpu.memory_space<vmem>>
    %dma_wait3A_128 = tpu.memref_squeeze %dma_wait3A_127 : memref<1x3x256xf32, #tpu.memory_space<vmem>> -> memref<3x256xf32, #tpu.memory_space<vmem>>
    %dma_wait3A_129 = arith.constant 0 : i32
    %dma_wait3A_130 = tpu.memref_slice %arg3[%dma_wait3A_129, %add3A_18] : memref<3x16384xf32, #tpu.memory_space<hbm>> -> memref<3x256xf32, #tpu.memory_space<hbm>>
    tpu.wait_dma2 semaphore(%arg38 : memref<!tpu.dma_semaphore, #tpu.memory_space<semaphore_mem>>) src(%dma_wait3A_130 : memref<3x256xf32, #tpu.memory_space<hbm>>) dst(%dma_wait3A_128 : memref<3x256xf32, #tpu.memory_space<vmem>>)
    %dma_wait3A_131 = arith.constant 0 : i32
    %dma_wait3A_132 = arith.constant 0 : i32
    %dma_wait3A_133 = arith.constant 0 : i32
    %dma_wait3A_134 = tpu.memref_slice %arg22[%dma_wait3A_131, %dma_wait3A_132, %dma_wait3A_133] : memref<2x13x256xf32, #tpu.memory_space<vmem>> -> memref<1x13x256xf32, #tpu.memory_space<vmem>>
    %dma_wait3A_135 = tpu.memref_squeeze %dma_wait3A_134 : memref<1x13x256xf32, #tpu.memory_space<vmem>> -> memref<13x256xf32, #tpu.memory_space<vmem>>
    %dma_wait3A_136 = arith.constant 0 : i32
    %dma_wait3A_137 = tpu.memref_slice %arg4[%dma_wait3A_136, %add3A_33] : memref<13x16384xf32, #tpu.memory_space<hbm>> -> memref<13x256xf32, #tpu.memory_space<hbm>>
    %dma_wait3A_138 = arith.constant 0 : i32
    %dma_wait3A_139 = arith.constant 0 : i32
    %dma_wait3A_140 = tpu.memref_slice %arg22[%dma_wait3A_131, %dma_wait3A_138, %dma_wait3A_139] : memref<2x13x256xf32, #tpu.memory_space<vmem>> -> memref<1x13x256xf32, #tpu.memory_space<vmem>>
    %dma_wait3A_141 = tpu.memref_squeeze %dma_wait3A_140 : memref<1x13x256xf32, #tpu.memory_space<vmem>> -> memref<13x256xf32, #tpu.memory_space<vmem>>
    %dma_wait3A_142 = arith.constant 0 : i32
    %dma_wait3A_143 = tpu.memref_slice %arg4[%dma_wait3A_142, %add3A_33] : memref<13x16384xf32, #tpu.memory_space<hbm>> -> memref<13x256xf32, #tpu.memory_space<hbm>>
    tpu.wait_dma2 semaphore(%arg38 : memref<!tpu.dma_semaphore, #tpu.memory_space<semaphore_mem>>) src(%dma_wait3A_143 : memref<13x256xf32, #tpu.memory_space<hbm>>) dst(%dma_wait3A_141 : memref<13x256xf32, #tpu.memory_space<vmem>>)
    %dma_wait3A_144 = tpu.memref_slice %arg5[%mul3A_2] : memref<16384xi32, #tpu.memory_space<hbm>> -> memref<512xi32, #tpu.memory_space<hbm>>
    %dma_wait3A_145 = tpu.memref_slice %arg5[%mul3A_2] : memref<16384xi32, #tpu.memory_space<hbm>> -> memref<512xi32, #tpu.memory_space<hbm>>
    tpu.wait_dma2 semaphore(%arg38 : memref<!tpu.dma_semaphore, #tpu.memory_space<semaphore_mem>>) src(%dma_wait3A_145 : memref<512xi32, #tpu.memory_space<hbm>>) dst(%arg23 : memref<512xi32, #tpu.memory_space<vmem>>)
    %dma_wait3A_146 = tpu.memref_slice %arg6[%mul3A_2] : memref<16384xi32, #tpu.memory_space<hbm>> -> memref<512xi32, #tpu.memory_space<hbm>>
    %dma_wait3A_147 = tpu.memref_slice %arg6[%mul3A_2] : memref<16384xi32, #tpu.memory_space<hbm>> -> memref<512xi32, #tpu.memory_space<hbm>>
    tpu.wait_dma2 semaphore(%arg38 : memref<!tpu.dma_semaphore, #tpu.memory_space<semaphore_mem>>) src(%dma_wait3A_147 : memref<512xi32, #tpu.memory_space<hbm>>) dst(%arg24 : memref<512xi32, #tpu.memory_space<vmem>>)
    %dma_wait3A_148 = tpu.memref_slice %arg7[%mul3A_2] : memref<16384xi32, #tpu.memory_space<hbm>> -> memref<512xi32, #tpu.memory_space<hbm>>
    %dma_wait3A_149 = tpu.memref_slice %arg7[%mul3A_2] : memref<16384xi32, #tpu.memory_space<hbm>> -> memref<512xi32, #tpu.memory_space<hbm>>
    tpu.wait_dma2 semaphore(%arg38 : memref<!tpu.dma_semaphore, #tpu.memory_space<semaphore_mem>>) src(%dma_wait3A_149 : memref<512xi32, #tpu.memory_space<hbm>>) dst(%arg25 : memref<512xi32, #tpu.memory_space<vmem>>)
    %dma_wait3A_150 = tpu.memref_slice %arg8[%mul3A_2] : memref<16384xi32, #tpu.memory_space<hbm>> -> memref<512xi32, #tpu.memory_space<hbm>>
    %dma_wait3A_151 = tpu.memref_slice %arg8[%mul3A_2] : memref<16384xi32, #tpu.memory_space<hbm>> -> memref<512xi32, #tpu.memory_space<hbm>>
    tpu.wait_dma2 semaphore(%arg38 : memref<!tpu.dma_semaphore, #tpu.memory_space<semaphore_mem>>) src(%dma_wait3A_151 : memref<512xi32, #tpu.memory_space<hbm>>) dst(%arg26 : memref<512xi32, #tpu.memory_space<vmem>>)
    %dma_wait3A_152 = tpu.memref_slice %arg9[%mul3A_2] : memref<16384xi32, #tpu.memory_space<hbm>> -> memref<512xi32, #tpu.memory_space<hbm>>
    %dma_wait3A_153 = tpu.memref_slice %arg9[%mul3A_2] : memref<16384xi32, #tpu.memory_space<hbm>> -> memref<512xi32, #tpu.memory_space<hbm>>
    tpu.wait_dma2 semaphore(%arg38 : memref<!tpu.dma_semaphore, #tpu.memory_space<semaphore_mem>>) src(%dma_wait3A_153 : memref<512xi32, #tpu.memory_space<hbm>>) dst(%arg27 : memref<512xi32, #tpu.memory_space<vmem>>)
    %dma_wait3A_154 = tpu.memref_slice %arg10[%mul3A_2] : memref<16384xi32, #tpu.memory_space<hbm>> -> memref<512xi32, #tpu.memory_space<hbm>>
    %dma_wait3A_155 = tpu.memref_slice %arg10[%mul3A_2] : memref<16384xi32, #tpu.memory_space<hbm>> -> memref<512xi32, #tpu.memory_space<hbm>>
    tpu.wait_dma2 semaphore(%arg38 : memref<!tpu.dma_semaphore, #tpu.memory_space<semaphore_mem>>) src(%dma_wait3A_155 : memref<512xi32, #tpu.memory_space<hbm>>) dst(%arg28 : memref<512xi32, #tpu.memory_space<vmem>>)
    %dma_wait3A_156 = tpu.memref_slice %arg11[%mul3A_2] : memref<16384xi32, #tpu.memory_space<hbm>> -> memref<512xi32, #tpu.memory_space<hbm>>
    %dma_wait3A_157 = tpu.memref_slice %arg11[%mul3A_2] : memref<16384xi32, #tpu.memory_space<hbm>> -> memref<512xi32, #tpu.memory_space<hbm>>
    tpu.wait_dma2 semaphore(%arg38 : memref<!tpu.dma_semaphore, #tpu.memory_space<semaphore_mem>>) src(%dma_wait3A_157 : memref<512xi32, #tpu.memory_space<hbm>>) dst(%arg29 : memref<512xi32, #tpu.memory_space<vmem>>)
    tpu.wait_dma2 semaphore(%arg38 : memref<!tpu.dma_semaphore, #tpu.memory_space<semaphore_mem>>) src(%arg12 : memref<32x400xf32, #tpu.memory_space<hbm>>) dst(%arg30 : memref<32x400xf32, #tpu.memory_space<vmem>>)
    tpu.wait_dma2 semaphore(%arg38 : memref<!tpu.dma_semaphore, #tpu.memory_space<semaphore_mem>>) src(%arg13 : memref<4x8xf32, #tpu.memory_space<hbm>>) dst(%arg31 : memref<4x8xf32, #tpu.memory_space<vmem>>)
    tpu.wait_dma2 semaphore(%arg38 : memref<!tpu.dma_semaphore, #tpu.memory_space<semaphore_mem>>) src(%arg14 : memref<8x33xf32, #tpu.memory_space<hbm>>) dst(%arg32 : memref<8x33xf32, #tpu.memory_space<vmem>>)
    tpu.wait_dma2 semaphore(%arg38 : memref<!tpu.dma_semaphore, #tpu.memory_space<semaphore_mem>>) src(%arg15 : memref<2x3xf32, #tpu.memory_space<hbm>>) dst(%arg33 : memref<2x3xf32, #tpu.memory_space<vmem>>)
    tpu.wait_dma2 semaphore(%arg38 : memref<!tpu.dma_semaphore, #tpu.memory_space<semaphore_mem>>) src(%arg16 : memref<2x3xf32, #tpu.memory_space<hbm>>) dst(%arg34 : memref<2x3xf32, #tpu.memory_space<vmem>>)
    tpu.wait_dma2 semaphore(%arg38 : memref<!tpu.dma_semaphore, #tpu.memory_space<semaphore_mem>>) src(%arg17 : memref<4x32xf32, #tpu.memory_space<hbm>>) dst(%arg35 : memref<4x32xf32, #tpu.memory_space<vmem>>)
    tpu.wait_dma2 semaphore(%arg38 : memref<!tpu.dma_semaphore, #tpu.memory_space<semaphore_mem>>) src(%arg18 : memref<8x64xf32, #tpu.memory_space<hbm>>) dst(%arg36 : memref<8x64xf32, #tpu.memory_space<vmem>>)
    %scan3A = arith.constant 0 : i32
    %scan3A_158 = arith.constant 0 : i32
    %scan3A_159 = arith.constant 16 : i32
    %scan3A_160 = arith.addi %scan3A_158, %scan3A_159 : i32
    %scan3A_161 = arith.constant 1 : i32
    scf.for %scan3A_262 = %scan3A_158 to %scan3A_160 step %scan3A_161  : i32 {
      %mul3A_263 = arith.constant 16 : i32
      %mul3A_264 = arith.muli %scan3A_262, %mul3A_263 : i32
      %mul3A_265 = arith.constant 16 : i32
      %mul3A_266 = arith.muli %scan3A_262, %mul3A_265 : i32
      %add3A_267 = arith.constant 0 : i32
      %add3A_268 = arith.addi %add3A_267, %mul3A_266 : i32
      %get3A = arith.index_cast %add3A_268 : i32 to index
      %get3A_269 = tpu.vector_load %arg23[%get3A] {strides = array<i32>} : memref<512xi32, #tpu.memory_space<vmem>>, vector<16xi32>,
      %mul3A_270 = arith.constant 16 : i32
      %mul3A_271 = arith.muli %scan3A_262, %mul3A_270 : i32
      %add3A_272 = arith.constant 0 : i32
      %add3A_273 = arith.addi %add3A_272, %mul3A_271 : i32
      %get3A_274 = arith.index_cast %add3A_273 : i32 to index
      %get3A_275 = tpu.vector_load %arg24[%get3A_274] {strides = array<i32>} : memref<512xi32, #tpu.memory_space<vmem>>, vector<16xi32>,
      %mul3A_276 = arith.constant 16 : i32
      %mul3A_277 = arith.muli %scan3A_262, %mul3A_276 : i32
      %add3A_278 = arith.constant 0 : i32
      %add3A_279 = arith.addi %add3A_278, %mul3A_277 : i32
      %get3A_280 = arith.index_cast %add3A_279 : i32 to index
      %get3A_281 = tpu.vector_load %arg25[%get3A_280] {strides = array<i32>} : memref<512xi32, #tpu.memory_space<vmem>>, vector<16xi32>,
      %mul3A_282 = arith.constant 16 : i32
      %mul3A_283 = arith.muli %scan3A_262, %mul3A_282 : i32
      %add3A_284 = arith.constant 0 : i32
      %add3A_285 = arith.addi %add3A_284, %mul3A_283 : i32
      %get3A_286 = arith.index_cast %add3A_285 : i32 to index
      %get3A_287 = tpu.vector_load %arg26[%get3A_286] {strides = array<i32>} : memref<512xi32, #tpu.memory_space<vmem>>, vector<16xi32>,
      %mul3A_288 = arith.constant 16 : i32
      %mul3A_289 = arith.muli %scan3A_262, %mul3A_288 : i32
      %add3A_290 = arith.constant 0 : i32
      %add3A_291 = arith.addi %add3A_290, %mul3A_289 : i32
      %get3A_292 = arith.index_cast %add3A_291 : i32 to index
      %get3A_293 = tpu.vector_load %arg27[%get3A_292] {strides = array<i32>} : memref<512xi32, #tpu.memory_space<vmem>>, vector<16xi32>,
      %mul3A_294 = arith.constant 16 : i32
      %mul3A_295 = arith.muli %scan3A_262, %mul3A_294 : i32
      %add3A_296 = arith.constant 0 : i32
      %add3A_297 = arith.addi %add3A_296, %mul3A_295 : i32
      %get3A_298 = arith.index_cast %add3A_297 : i32 to index
      %get3A_299 = tpu.vector_load %arg28[%get3A_298] {strides = array<i32>} : memref<512xi32, #tpu.memory_space<vmem>>, vector<16xi32>,
      %mul3A_300 = arith.constant 16 : i32
      %mul3A_301 = arith.muli %scan3A_262, %mul3A_300 : i32
      %add3A_302 = arith.constant 0 : i32
      %add3A_303 = arith.addi %add3A_302, %mul3A_301 : i32
      %get3A_304 = arith.index_cast %add3A_303 : i32 to index
      %get3A_305 = tpu.vector_load %arg29[%get3A_304] {strides = array<i32>} : memref<512xi32, #tpu.memory_space<vmem>>, vector<16xi32>,
      %get3A_306 = arith.constant 0 : i32
      %get3A_307 = arith.constant 0 : i32
      %get3A_308 = arith.index_cast %get3A_306 : i32 to index
      %get3A_309 = arith.index_cast %get3A_307 : i32 to index
      %get3A_310 = arith.index_cast %mul3A_264 : i32 to index
      %get3A_311 = tpu.vector_load %arg20[%get3A_308, %get3A_309, %get3A_310] {strides = array<i32>} : memref<2x13x256xf32, #tpu.memory_space<vmem>>, vector<16xf32>,
      %get3A_312 = arith.constant 0 : i32
      %get3A_313 = arith.constant 1 : i32
      %get3A_314 = arith.index_cast %get3A_312 : i32 to index
      %get3A_315 = arith.index_cast %get3A_313 : i32 to index
      %get3A_316 = arith.index_cast %mul3A_264 : i32 to index
      %get3A_317 = tpu.vector_load %arg20[%get3A_314, %get3A_315, %get3A_316] {strides = array<i32>} : memref<2x13x256xf32, #tpu.memory_space<vmem>>, vector<16xf32>,
      %get3A_318 = arith.constant 0 : i32
      %get3A_319 = arith.constant 2 : i32
      %get3A_320 = arith.index_cast %get3A_318 : i32 to index
      %get3A_321 = arith.index_cast %get3A_319 : i32 to index
      %get3A_322 = arith.index_cast %mul3A_264 : i32 to index
      %get3A_323 = tpu.vector_load %arg20[%get3A_320, %get3A_321, %get3A_322] {strides = array<i32>} : memref<2x13x256xf32, #tpu.memory_space<vmem>>, vector<16xf32>,
      %get3A_324 = arith.constant 0 : i32
      %get3A_325 = arith.constant 3 : i32
      %get3A_326 = arith.index_cast %get3A_324 : i32 to index
      %get3A_327 = arith.index_cast %get3A_325 : i32 to index
      %get3A_328 = arith.index_cast %mul3A_264 : i32 to index
      %get3A_329 = tpu.vector_load %arg20[%get3A_326, %get3A_327, %get3A_328] {strides = array<i32>} : memref<2x13x256xf32, #tpu.memory_space<vmem>>, vector<16xf32>,
      %get3A_330 = arith.constant 0 : i32
      %get3A_331 = arith.constant 4 : i32
      %get3A_332 = arith.index_cast %get3A_330 : i32 to index
      %get3A_333 = arith.index_cast %get3A_331 : i32 to index
      %get3A_334 = arith.index_cast %mul3A_264 : i32 to index
      %get3A_335 = tpu.vector_load %arg20[%get3A_332, %get3A_333, %get3A_334] {strides = array<i32>} : memref<2x13x256xf32, #tpu.memory_space<vmem>>, vector<16xf32>,
      %get3A_336 = arith.constant 0 : i32
      %get3A_337 = arith.constant 5 : i32
      %get3A_338 = arith.index_cast %get3A_336 : i32 to index
      %get3A_339 = arith.index_cast %get3A_337 : i32 to index
      %get3A_340 = arith.index_cast %mul3A_264 : i32 to index
      %get3A_341 = tpu.vector_load %arg20[%get3A_338, %get3A_339, %get3A_340] {strides = array<i32>} : memref<2x13x256xf32, #tpu.memory_space<vmem>>, vector<16xf32>,
      %get3A_342 = arith.constant 0 : i32
      %get3A_343 = arith.constant 6 : i32
      %get3A_344 = arith.index_cast %get3A_342 : i32 to index
      %get3A_345 = arith.index_cast %get3A_343 : i32 to index
      %get3A_346 = arith.index_cast %mul3A_264 : i32 to index
      %get3A_347 = tpu.vector_load %arg20[%get3A_344, %get3A_345, %get3A_346] {strides = array<i32>} : memref<2x13x256xf32, #tpu.memory_space<vmem>>, vector<16xf32>,
      %get3A_348 = arith.constant 0 : i32
      %get3A_349 = arith.constant 7 : i32
      %get3A_350 = arith.index_cast %get3A_348 : i32 to index
      %get3A_351 = arith.index_cast %get3A_349 : i32 to index
      %get3A_352 = arith.index_cast %mul3A_264 : i32 to index
      %get3A_353 = tpu.vector_load %arg20[%get3A_350, %get3A_351, %get3A_352] {strides = array<i32>} : memref<2x13x256xf32, #tpu.memory_space<vmem>>, vector<16xf32>,
      %swap3A = arith.constant 0 : i32
      %swap3A_354 = arith.constant 0 : i32
      %swap3A_355 = arith.index_cast %swap3A : i32 to index
      %swap3A_356 = arith.index_cast %swap3A_354 : i32 to index
      %swap3A_357 = arith.index_cast %mul3A_264 : i32 to index
      %swap3A_358 = tpu.vector_load %arg37[%swap3A_355, %swap3A_356, %swap3A_357] {strides = array<i32>} : memref<2x89x256xf32, #tpu.memory_space<vmem>>, vector<16xf32>,
      tpu.vector_store %arg37[%swap3A_355, %swap3A_356, %swap3A_357], %get3A_311 {strides = array<i32>} : memref<2x89x256xf32, #tpu.memory_space<vmem>>, vector<16xf32>,
      %swap3A_359 = arith.constant 0 : i32
      %swap3A_360 = arith.constant 1 : i32
      %swap3A_361 = arith.index_cast %swap3A_359 : i32 to index
      %swap3A_362 = arith.index_cast %swap3A_360 : i32 to index
      %swap3A_363 = arith.index_cast %mul3A_264 : i32 to index
      %swap3A_364 = tpu.vector_load %arg37[%swap3A_361, %swap3A_362, %swap3A_363] {strides = array<i32>} : memref<2x89x256xf32, #tpu.memory_space<vmem>>, vector<16xf32>,
      tpu.vector_store %arg37[%swap3A_361, %swap3A_362, %swap3A_363], %get3A_317 {strides = array<i32>} : memref<2x89x256xf32, #tpu.memory_space<vmem>>, vector<16xf32>,
      %swap3A_365 = arith.constant 0 : i32
      %swap3A_366 = arith.constant 2 : i32
      %swap3A_367 = arith.index_cast %swap3A_365 : i32 to index
      %swap3A_368 = arith.index_cast %swap3A_366 : i32 to index
      %swap3A_369 = arith.index_cast %mul3A_264 : i32 to index
      %swap3A_370 = tpu.vector_load %arg37[%swap3A_367, %swap3A_368, %swap3A_369] {strides = array<i32>} : memref<2x89x256xf32, #tpu.memory_space<vmem>>, vector<16xf32>,
      tpu.vector_store %arg37[%swap3A_367, %swap3A_368, %swap3A_369], %get3A_323 {strides = array<i32>} : memref<2x89x256xf32, #tpu.memory_space<vmem>>, vector<16xf32>,
      %swap3A_371 = arith.constant 0 : i32
      %swap3A_372 = arith.constant 3 : i32
      %swap3A_373 = arith.index_cast %swap3A_371 : i32 to index
      %swap3A_374 = arith.index_cast %swap3A_372 : i32 to index
      %swap3A_375 = arith.index_cast %mul3A_264 : i32 to index
      %swap3A_376 = tpu.vector_load %arg37[%swap3A_373, %swap3A_374, %swap3A_375] {strides = array<i32>} : memref<2x89x256xf32, #tpu.memory_space<vmem>>, vector<16xf32>,
      tpu.vector_store %arg37[%swap3A_373, %swap3A_374, %swap3A_375], %get3A_329 {strides = array<i32>} : memref<2x89x256xf32, #tpu.memory_space<vmem>>, vector<16xf32>,
      %swap3A_377 = arith.constant 0 : i32
      %swap3A_378 = arith.constant 4 : i32
      %swap3A_379 = arith.index_cast %swap3A_377 : i32 to index
      %swap3A_380 = arith.index_cast %swap3A_378 : i32 to index
      %swap3A_381 = arith.index_cast %mul3A_264 : i32 to index
      %swap3A_382 = tpu.vector_load %arg37[%swap3A_379, %swap3A_380, %swap3A_381] {strides = array<i32>} : memref<2x89x256xf32, #tpu.memory_space<vmem>>, vector<16xf32>,
      tpu.vector_store %arg37[%swap3A_379, %swap3A_380, %swap3A_381], %get3A_335 {strides = array<i32>} : memref<2x89x256xf32, #tpu.memory_space<vmem>>, vector<16xf32>,
      %swap3A_383 = arith.constant 0 : i32
      %swap3A_384 = arith.constant 5 : i32
      %swap3A_385 = arith.index_cast %swap3A_383 : i32 to index
      %swap3A_386 = arith.index_cast %swap3A_384 : i32 to index
      %swap3A_387 = arith.index_cast %mul3A_264 : i32 to index
      %swap3A_388 = tpu.vector_load %arg37[%swap3A_385, %swap3A_386, %swap3A_387] {strides = array<i32>} : memref<2x89x256xf32, #tpu.memory_space<vmem>>, vector<16xf32>,
      tpu.vector_store %arg37[%swap3A_385, %swap3A_386, %swap3A_387], %get3A_341 {strides = array<i32>} : memref<2x89x256xf32, #tpu.memory_space<vmem>>, vector<16xf32>,
      %swap3A_389 = arith.constant 0 : i32
      %swap3A_390 = arith.constant 6 : i32
      %swap3A_391 = arith.index_cast %swap3A_389 : i32 to index
      %swap3A_392 = arith.index_cast %swap3A_390 : i32 to index
      %swap3A_393 = arith.index_cast %mul3A_264 : i32 to index
      %swap3A_394 = tpu.vector_load %arg37[%swap3A_391, %swap3A_392, %swap3A_393] {strides = array<i32>} : memref<2x89x256xf32, #tpu.memory_space<vmem>>, vector<16xf32>,
      tpu.vector_store %arg37[%swap3A_391, %swap3A_392, %swap3A_393], %get3A_347 {strides = array<i32>} : memref<2x89x256xf32, #tpu.memory_space<vmem>>, vector<16xf32>,
      %swap3A_395 = arith.constant 0 : i32
      %swap3A_396 = arith.constant 7 : i32
      %swap3A_397 = arith.index_cast %swap3A_395 : i32 to index
      %swap3A_398 = arith.index_cast %swap3A_396 : i32 to index
      %swap3A_399 = arith.index_cast %mul3A_264 : i32 to index
      %swap3A_400 = tpu.vector_load %arg37[%swap3A_397, %swap3A_398, %swap3A_399] {strides = array<i32>} : memref<2x89x256xf32, #tpu.memory_space<vmem>>, vector<16xf32>,
      tpu.vector_store %arg37[%swap3A_397, %swap3A_398, %swap3A_399], %get3A_353 {strides = array<i32>} : memref<2x89x256xf32, #tpu.memory_space<vmem>>, vector<16xf32>,
      %get3A_401 = arith.constant 0 : i32
      %get3A_402 = arith.constant 8 : i32
      %get3A_403 = arith.index_cast %get3A_401 : i32 to index
      %get3A_404 = arith.index_cast %get3A_402 : i32 to index
      %get3A_405 = arith.index_cast %mul3A_264 : i32 to index
      %get3A_406 = tpu.vector_load %arg20[%get3A_403, %get3A_404, %get3A_405] {strides = array<i32>} : memref<2x13x256xf32, #tpu.memory_space<vmem>>, vector<16xf32>,
      %get3A_407 = arith.constant 0 : i32
      %get3A_408 = arith.constant 9 : i32
      %get3A_409 = arith.index_cast %get3A_407 : i32 to index
      %get3A_410 = arith.index_cast %get3A_408 : i32 to index
      %get3A_411 = arith.index_cast %mul3A_264 : i32 to index
      %get3A_412 = tpu.vector_load %arg20[%get3A_409, %get3A_410, %get3A_411] {strides = array<i32>} : memref<2x13x256xf32, #tpu.memory_space<vmem>>, vector<16xf32>,
      %get3A_413 = arith.constant 0 : i32
      %get3A_414 = arith.constant 10 : i32
      %get3A_415 = arith.index_cast %get3A_413 : i32 to index
      %get3A_416 = arith.index_cast %get3A_414 : i32 to index
      %get3A_417 = arith.index_cast %mul3A_264 : i32 to index
      %get3A_418 = tpu.vector_load %arg20[%get3A_415, %get3A_416, %get3A_417] {strides = array<i32>} : memref<2x13x256xf32, #tpu.memory_space<vmem>>, vector<16xf32>,
      %get3A_419 = arith.constant 0 : i32
      %get3A_420 = arith.constant 11 : i32
      %get3A_421 = arith.index_cast %get3A_419 : i32 to index
      %get3A_422 = arith.index_cast %get3A_420 : i32 to index
      %get3A_423 = arith.index_cast %mul3A_264 : i32 to index
      %get3A_424 = tpu.vector_load %arg20[%get3A_421, %get3A_422, %get3A_423] {strides = array<i32>} : memref<2x13x256xf32, #tpu.memory_space<vmem>>, vector<16xf32>,
      %get3A_425 = arith.constant 0 : i32
      %get3A_426 = arith.constant 12 : i32
      %get3A_427 = arith.index_cast %get3A_425 : i32 to index
      %get3A_428 = arith.index_cast %get3A_426 : i32 to index
      %get3A_429 = arith.index_cast %mul3A_264 : i32 to index
      %get3A_430 = tpu.vector_load %arg20[%get3A_427, %get3A_428, %get3A_429] {strides = array<i32>} : memref<2x13x256xf32, #tpu.memory_space<vmem>>, vector<16xf32>,
      %get3A_431 = arith.constant 0 : i32
      %get3A_432 = arith.constant 0 : i32
      %get3A_433 = arith.index_cast %get3A_431 : i32 to index
      %get3A_434 = arith.index_cast %get3A_432 : i32 to index
      %get3A_435 = arith.index_cast %mul3A_264 : i32 to index
      %get3A_436 = tpu.vector_load %arg21[%get3A_433, %get3A_434, %get3A_435] {strides = array<i32>} : memref<2x3x256xf32, #tpu.memory_space<vmem>>, vector<16xf32>,
      %get3A_437 = arith.constant 0 : i32
      %get3A_438 = arith.constant 1 : i32
      %get3A_439 = arith.index_cast %get3A_437 : i32 to index
      %get3A_440 = arith.index_cast %get3A_438 : i32 to index
      %get3A_441 = arith.index_cast %mul3A_264 : i32 to index
      %get3A_442 = tpu.vector_load %arg21[%get3A_439, %get3A_440, %get3A_441] {strides = array<i32>} : memref<2x3x256xf32, #tpu.memory_space<vmem>>, vector<16xf32>,
      %get3A_443 = arith.constant 0 : i32
      %get3A_444 = arith.constant 2 : i32
      %get3A_445 = arith.index_cast %get3A_443 : i32 to index
      %get3A_446 = arith.index_cast %get3A_444 : i32 to index
      %get3A_447 = arith.index_cast %mul3A_264 : i32 to index
      %get3A_448 = tpu.vector_load %arg21[%get3A_445, %get3A_446, %get3A_447] {strides = array<i32>} : memref<2x3x256xf32, #tpu.memory_space<vmem>>, vector<16xf32>,
      %swap3A_449 = arith.constant 0 : i32
      %swap3A_450 = arith.constant 8 : i32
      %swap3A_451 = arith.index_cast %swap3A_449 : i32 to index
      %swap3A_452 = arith.index_cast %swap3A_450 : i32 to index
      %swap3A_453 = arith.index_cast %mul3A_264 : i32 to index
      %swap3A_454 = tpu.vector_load %arg37[%swap3A_451, %swap3A_452, %swap3A_453] {strides = array<i32>} : memref<2x89x256xf32, #tpu.memory_space<vmem>>, vector<16xf32>,
      tpu.vector_store %arg37[%swap3A_451, %swap3A_452, %swap3A_453], %get3A_406 {strides = array<i32>} : memref<2x89x256xf32, #tpu.memory_space<vmem>>, vector<16xf32>,
      %swap3A_455 = arith.constant 0 : i32
      %swap3A_456 = arith.constant 9 : i32
      %swap3A_457 = arith.index_cast %swap3A_455 : i32 to index
      %swap3A_458 = arith.index_cast %swap3A_456 : i32 to index
      %swap3A_459 = arith.index_cast %mul3A_264 : i32 to index
      %swap3A_460 = tpu.vector_load %arg37[%swap3A_457, %swap3A_458, %swap3A_459] {strides = array<i32>} : memref<2x89x256xf32, #tpu.memory_space<vmem>>, vector<16xf32>,
      tpu.vector_store %arg37[%swap3A_457, %swap3A_458, %swap3A_459], %get3A_412 {strides = array<i32>} : memref<2x89x256xf32, #tpu.memory_space<vmem>>, vector<16xf32>,
      %swap3A_461 = arith.constant 0 : i32
      %swap3A_462 = arith.constant 10 : i32
      %swap3A_463 = arith.index_cast %swap3A_461 : i32 to index
      %swap3A_464 = arith.index_cast %swap3A_462 : i32 to index
      %swap3A_465 = arith.index_cast %mul3A_264 : i32 to index
      %swap3A_466 = tpu.vector_load %arg37[%swap3A_463, %swap3A_464, %swap3A_465] {strides = array<i32>} : memref<2x89x256xf32, #tpu.memory_space<vmem>>, vector<16xf32>,
      tpu.vector_store %arg37[%swap3A_463, %swap3A_464, %swap3A_465], %get3A_418 {strides = array<i32>} : memref<2x89x256xf32, #tpu.memory_space<vmem>>, vector<16xf32>,
      %swap3A_467 = arith.constant 0 : i32
      %swap3A_468 = arith.constant 11 : i32
      %swap3A_469 = arith.index_cast %swap3A_467 : i32 to index
      %swap3A_470 = arith.index_cast %swap3A_468 : i32 to index
      %swap3A_471 = arith.index_cast %mul3A_264 : i32 to index
      %swap3A_472 = tpu.vector_load %arg37[%swap3A_469, %swap3A_470, %swap3A_471] {strides = array<i32>} : memref<2x89x256xf32, #tpu.memory_space<vmem>>, vector<16xf32>,
      tpu.vector_store %arg37[%swap3A_469, %swap3A_470, %swap3A_471], %get3A_424 {strides = array<i32>} : memref<2x89x256xf32, #tpu.memory_space<vmem>>, vector<16xf32>,
      %swap3A_473 = arith.constant 0 : i32
      %swap3A_474 = arith.constant 12 : i32
      %swap3A_475 = arith.index_cast %swap3A_473 : i32 to index
      %swap3A_476 = arith.index_cast %swap3A_474 : i32 to index
      %swap3A_477 = arith.index_cast %mul3A_264 : i32 to index
      %swap3A_478 = tpu.vector_load %arg37[%swap3A_475, %swap3A_476, %swap3A_477] {strides = array<i32>} : memref<2x89x256xf32, #tpu.memory_space<vmem>>, vector<16xf32>,
      tpu.vector_store %arg37[%swap3A_475, %swap3A_476, %swap3A_477], %get3A_430 {strides = array<i32>} : memref<2x89x256xf32, #tpu.memory_space<vmem>>, vector<16xf32>,
      %swap3A_479 = arith.constant 0 : i32
      %swap3A_480 = arith.constant 13 : i32
      %swap3A_481 = arith.index_cast %swap3A_479 : i32 to index
      %swap3A_482 = arith.index_cast %swap3A_480 : i32 to index
      %swap3A_483 = arith.index_cast %mul3A_264 : i32 to index
      %swap3A_484 = tpu.vector_load %arg37[%swap3A_481, %swap3A_482, %swap3A_483] {strides = array<i32>} : memref<2x89x256xf32, #tpu.memory_space<vmem>>, vector<16xf32>,
      tpu.vector_store %arg37[%swap3A_481, %swap3A_482, %swap3A_483], %get3A_436 {strides = array<i32>} : memref<2x89x256xf32, #tpu.memory_space<vmem>>, vector<16xf32>,
      %swap3A_485 = arith.constant 0 : i32
      %swap3A_486 = arith.constant 14 : i32
      %swap3A_487 = arith.index_cast %swap3A_485 : i32 to index
      %swap3A_488 = arith.index_cast %swap3A_486 : i32 to index
      %swap3A_489 = arith.index_cast %mul3A_264 : i32 to index
      %swap3A_490 = tpu.vector_load %arg37[%swap3A_487, %swap3A_488, %swap3A_489] {strides = array<i32>} : memref<2x89x256xf32, #tpu.memory_space<vmem>>, vector<16xf32>,
      tpu.vector_store %arg37[%swap3A_487, %swap3A_488, %swap3A_489], %get3A_442 {strides = array<i32>} : memref<2x89x256xf32, #tpu.memory_space<vmem>>, vector<16xf32>,
      %swap3A_491 = arith.constant 0 : i32
      %swap3A_492 = arith.constant 15 : i32
      %swap3A_493 = arith.index_cast %swap3A_491 : i32 to index
      %swap3A_494 = arith.index_cast %swap3A_492 : i32 to index
      %swap3A_495 = arith.index_cast %mul3A_264 : i32 to index
      %swap3A_496 = tpu.vector_load %arg37[%swap3A_493, %swap3A_494, %swap3A_495] {strides = array<i32>} : memref<2x89x256xf32, #tpu.memory_space<vmem>>, vector<16xf32>,
      tpu.vector_store %arg37[%swap3A_493, %swap3A_494, %swap3A_495], %get3A_448 {strides = array<i32>} : memref<2x89x256xf32, #tpu.memory_space<vmem>>, vector<16xf32>,
      %get3A_497 = arith.constant 0 : i32
      %get3A_498 = arith.constant 0 : i32
      %get3A_499 = arith.index_cast %get3A_497 : i32 to index
      %get3A_500 = arith.index_cast %get3A_498 : i32 to index
      %get3A_501 = arith.index_cast %mul3A_264 : i32 to index
      %get3A_502 = tpu.vector_load %arg22[%get3A_499, %get3A_500, %get3A_501] {strides = array<i32>} : memref<2x13x256xf32, #tpu.memory_space<vmem>>, vector<16xf32>,
      %get3A_503 = arith.constant 0 : i32
      %get3A_504 = arith.constant 1 : i32
      %get3A_505 = arith.index_cast %get3A_503 : i32 to index
      %get3A_506 = arith.index_cast %get3A_504 : i32 to index
      %get3A_507 = arith.index_cast %mul3A_264 : i32 to index
      %get3A_508 = tpu.vector_load %arg22[%get3A_505, %get3A_506, %get3A_507] {strides = array<i32>} : memref<2x13x256xf32, #tpu.memory_space<vmem>>, vector<16xf32>,
      %get3A_509 = arith.constant 0 : i32
      %get3A_510 = arith.constant 2 : i32
      %get3A_511 = arith.index_cast %get3A_509 : i32 to index
      %get3A_512 = arith.index_cast %get3A_510 : i32 to index
      %get3A_513 = arith.index_cast %mul3A_264 : i32 to index
      %get3A_514 = tpu.vector_load %arg22[%get3A_511, %get3A_512, %get3A_513] {strides = array<i32>} : memref<2x13x256xf32, #tpu.memory_space<vmem>>, vector<16xf32>,
      %get3A_515 = arith.constant 0 : i32
      %get3A_516 = arith.constant 3 : i32
      %get3A_517 = arith.index_cast %get3A_515 : i32 to index
      %get3A_518 = arith.index_cast %get3A_516 : i32 to index
      %get3A_519 = arith.index_cast %mul3A_264 : i32 to index
      %get3A_520 = tpu.vector_load %arg22[%get3A_517, %get3A_518, %get3A_519] {strides = array<i32>} : memref<2x13x256xf32, #tpu.memory_space<vmem>>, vector<16xf32>,
      %get3A_521 = arith.constant 0 : i32
      %get3A_522 = arith.constant 4 : i32
      %get3A_523 = arith.index_cast %get3A_521 : i32 to index
      %get3A_524 = arith.index_cast %get3A_522 : i32 to index
      %get3A_525 = arith.index_cast %mul3A_264 : i32 to index
      %get3A_526 = tpu.vector_load %arg22[%get3A_523, %get3A_524, %get3A_525] {strides = array<i32>} : memref<2x13x256xf32, #tpu.memory_space<vmem>>, vector<16xf32>,
      %get3A_527 = arith.constant 0 : i32
      %get3A_528 = arith.constant 5 : i32
      %get3A_529 = arith.index_cast %get3A_527 : i32 to index
      %get3A_530 = arith.index_cast %get3A_528 : i32 to index
      %get3A_531 = arith.index_cast %mul3A_264 : i32 to index
      %get3A_532 = tpu.vector_load %arg22[%get3A_529, %get3A_530, %get3A_531] {strides = array<i32>} : memref<2x13x256xf32, #tpu.memory_space<vmem>>, vector<16xf32>,
      %get3A_533 = arith.constant 0 : i32
      %get3A_534 = arith.constant 6 : i32
      %get3A_535 = arith.index_cast %get3A_533 : i32 to index
      %get3A_536 = arith.index_cast %get3A_534 : i32 to index
      %get3A_537 = arith.index_cast %mul3A_264 : i32 to index
      %get3A_538 = tpu.vector_load %arg22[%get3A_535, %get3A_536, %get3A_537] {strides = array<i32>} : memref<2x13x256xf32, #tpu.memory_space<vmem>>, vector<16xf32>,
      %get3A_539 = arith.constant 0 : i32
      %get3A_540 = arith.constant 7 : i32
      %get3A_541 = arith.index_cast %get3A_539 : i32 to index
      %get3A_542 = arith.index_cast %get3A_540 : i32 to index
      %get3A_543 = arith.index_cast %mul3A_264 : i32 to index
      %get3A_544 = tpu.vector_load %arg22[%get3A_541, %get3A_542, %get3A_543] {strides = array<i32>} : memref<2x13x256xf32, #tpu.memory_space<vmem>>, vector<16xf32>,
      %swap3A_545 = arith.constant 0 : i32
      %swap3A_546 = arith.constant 16 : i32
      %swap3A_547 = arith.index_cast %swap3A_545 : i32 to index
      %swap3A_548 = arith.index_cast %swap3A_546 : i32 to index
      %swap3A_549 = arith.index_cast %mul3A_264 : i32 to index
      %swap3A_550 = tpu.vector_load %arg37[%swap3A_547, %swap3A_548, %swap3A_549] {strides = array<i32>} : memref<2x89x256xf32, #tpu.memory_space<vmem>>, vector<16xf32>,
      tpu.vector_store %arg37[%swap3A_547, %swap3A_548, %swap3A_549], %get3A_502 {strides = array<i32>} : memref<2x89x256xf32, #tpu.memory_space<vmem>>, vector<16xf32>,
      %swap3A_551 = arith.constant 0 : i32
      %swap3A_552 = arith.constant 17 : i32
      %swap3A_553 = arith.index_cast %swap3A_551 : i32 to index
      %swap3A_554 = arith.index_cast %swap3A_552 : i32 to index
      %swap3A_555 = arith.index_cast %mul3A_264 : i32 to index
      %swap3A_556 = tpu.vector_load %arg37[%swap3A_553, %swap3A_554, %swap3A_555] {strides = array<i32>} : memref<2x89x256xf32, #tpu.memory_space<vmem>>, vector<16xf32>,
      tpu.vector_store %arg37[%swap3A_553, %swap3A_554, %swap3A_555], %get3A_508 {strides = array<i32>} : memref<2x89x256xf32, #tpu.memory_space<vmem>>, vector<16xf32>,
      %swap3A_557 = arith.constant 0 : i32
      %swap3A_558 = arith.constant 18 : i32
      %swap3A_559 = arith.index_cast %swap3A_557 : i32 to index
      %swap3A_560 = arith.index_cast %swap3A_558 : i32 to index
      %swap3A_561 = arith.index_cast %mul3A_264 : i32 to index
      %swap3A_562 = tpu.vector_load %arg37[%swap3A_559, %swap3A_560, %swap3A_561] {strides = array<i32>} : memref<2x89x256xf32, #tpu.memory_space<vmem>>, vector<16xf32>,
      tpu.vector_store %arg37[%swap3A_559, %swap3A_560, %swap3A_561], %get3A_514 {strides = array<i32>} : memref<2x89x256xf32, #tpu.memory_space<vmem>>, vector<16xf32>,
      %swap3A_563 = arith.constant 0 : i32
      %swap3A_564 = arith.constant 19 : i32
      %swap3A_565 = arith.index_cast %swap3A_563 : i32 to index
      %swap3A_566 = arith.index_cast %swap3A_564 : i32 to index
      %swap3A_567 = arith.index_cast %mul3A_264 : i32 to index
      %swap3A_568 = tpu.vector_load %arg37[%swap3A_565, %swap3A_566, %swap3A_567] {strides = array<i32>} : memref<2x89x256xf32, #tpu.memory_space<vmem>>, vector<16xf32>,
      tpu.vector_store %arg37[%swap3A_565, %swap3A_566, %swap3A_567], %get3A_520 {strides = array<i32>} : memref<2x89x256xf32, #tpu.memory_space<vmem>>, vector<16xf32>,
      %swap3A_569 = arith.constant 0 : i32
      %swap3A_570 = arith.constant 20 : i32
      %swap3A_571 = arith.index_cast %swap3A_569 : i32 to index
      %swap3A_572 = arith.index_cast %swap3A_570 : i32 to index
      %swap3A_573 = arith.index_cast %mul3A_264 : i32 to index
      %swap3A_574 = tpu.vector_load %arg37[%swap3A_571, %swap3A_572, %swap3A_573] {strides = array<i32>} : memref<2x89x256xf32, #tpu.memory_space<vmem>>, vector<16xf32>,
      tpu.vector_store %arg37[%swap3A_571, %swap3A_572, %swap3A_573], %get3A_526 {strides = array<i32>} : memref<2x89x256xf32, #tpu.memory_space<vmem>>, vector<16xf32>,
      %swap3A_575 = arith.constant 0 : i32
      %swap3A_576 = arith.constant 21 : i32
      %swap3A_577 = arith.index_cast %swap3A_575 : i32 to index
      %swap3A_578 = arith.index_cast %swap3A_576 : i32 to index
      %swap3A_579 = arith.index_cast %mul3A_264 : i32 to index
      %swap3A_580 = tpu.vector_load %arg37[%swap3A_577, %swap3A_578, %swap3A_579] {strides = array<i32>} : memref<2x89x256xf32, #tpu.memory_space<vmem>>, vector<16xf32>,
      tpu.vector_store %arg37[%swap3A_577, %swap3A_578, %swap3A_579], %get3A_532 {strides = array<i32>} : memref<2x89x256xf32, #tpu.memory_space<vmem>>, vector<16xf32>,
      %swap3A_581 = arith.constant 0 : i32
      %swap3A_582 = arith.constant 22 : i32
      %swap3A_583 = arith.index_cast %swap3A_581 : i32 to index
      %swap3A_584 = arith.index_cast %swap3A_582 : i32 to index
      %swap3A_585 = arith.index_cast %mul3A_264 : i32 to index
      %swap3A_586 = tpu.vector_load %arg37[%swap3A_583, %swap3A_584, %swap3A_585] {strides = array<i32>} : memref<2x89x256xf32, #tpu.memory_space<vmem>>, vector<16xf32>,
      tpu.vector_store %arg37[%swap3A_583, %swap3A_584, %swap3A_585], %get3A_538 {strides = array<i32>} : memref<2x89x256xf32, #tpu.memory_space<vmem>>, vector<16xf32>,
      %swap3A_587 = arith.constant 0 : i32
      %swap3A_588 = arith.constant 23 : i32
      %swap3A_589 = arith.index_cast %swap3A_587 : i32 to index
      %swap3A_590 = arith.index_cast %swap3A_588 : i32 to index
      %swap3A_591 = arith.index_cast %mul3A_264 : i32 to index
      %swap3A_592 = tpu.vector_load %arg37[%swap3A_589, %swap3A_590, %swap3A_591] {strides = array<i32>} : memref<2x89x256xf32, #tpu.memory_space<vmem>>, vector<16xf32>,
      tpu.vector_store %arg37[%swap3A_589, %swap3A_590, %swap3A_591], %get3A_544 {strides = array<i32>} : memref<2x89x256xf32, #tpu.memory_space<vmem>>, vector<16xf32>,
      %get3A_593 = arith.constant 0 : i32
      %get3A_594 = arith.constant 8 : i32
      %get3A_595 = arith.index_cast %get3A_593 : i32 to index
      %get3A_596 = arith.index_cast %get3A_594 : i32 to index
      %get3A_597 = arith.index_cast %mul3A_264 : i32 to index
      %get3A_598 = tpu.vector_load %arg22[%get3A_595, %get3A_596, %get3A_597] {strides = array<i32>} : memref<2x13x256xf32, #tpu.memory_space<vmem>>, vector<16xf32>,
      %get3A_599 = arith.constant 0 : i32
      %get3A_600 = arith.constant 9 : i32
      %get3A_601 = arith.index_cast %get3A_599 : i32 to index
      %get3A_602 = arith.index_cast %get3A_600 : i32 to index
      %get3A_603 = arith.index_cast %mul3A_264 : i32 to index
      %get3A_604 = tpu.vector_load %arg22[%get3A_601, %get3A_602, %get3A_603] {strides = array<i32>} : memref<2x13x256xf32, #tpu.memory_space<vmem>>, vector<16xf32>,
      %get3A_605 = arith.constant 0 : i32
      %get3A_606 = arith.constant 10 : i32
      %get3A_607 = arith.index_cast %get3A_605 : i32 to index
      %get3A_608 = arith.index_cast %get3A_606 : i32 to index
      %get3A_609 = arith.index_cast %mul3A_264 : i32 to index
      %get3A_610 = tpu.vector_load %arg22[%get3A_607, %get3A_608, %get3A_609] {strides = array<i32>} : memref<2x13x256xf32, #tpu.memory_space<vmem>>, vector<16xf32>,
      %get3A_611 = arith.constant 0 : i32
      %get3A_612 = arith.constant 11 : i32
      %get3A_613 = arith.index_cast %get3A_611 : i32 to index
      %get3A_614 = arith.index_cast %get3A_612 : i32 to index
      %get3A_615 = arith.index_cast %mul3A_264 : i32 to index
      %get3A_616 = tpu.vector_load %arg22[%get3A_613, %get3A_614, %get3A_615] {strides = array<i32>} : memref<2x13x256xf32, #tpu.memory_space<vmem>>, vector<16xf32>,
      %get3A_617 = arith.constant 0 : i32
      %get3A_618 = arith.constant 12 : i32
      %get3A_619 = arith.index_cast %get3A_617 : i32 to index
      %get3A_620 = arith.index_cast %get3A_618 : i32 to index
      %get3A_621 = arith.index_cast %mul3A_264 : i32 to index
      %get3A_622 = tpu.vector_load %arg22[%get3A_619, %get3A_620, %get3A_621] {strides = array<i32>} : memref<2x13x256xf32, #tpu.memory_space<vmem>>, vector<16xf32>,
      %broadcast_in_dim3A = arith.constant 0 : i32
      %broadcast_in_dim3A_623 = vector.broadcast %broadcast_in_dim3A : i32 to vector<16xi32>
      %gather3A = tpu.vector_load_idx %arg30[%broadcast_in_dim3A_623, %get3A_269] : memref<32x400xf32, #tpu.memory_space<vmem>>[vector<16xi32>, vector<16xi32>], vector<16xf32>,
      %broadcast_in_dim3A_624 = arith.constant 1 : i32
      %broadcast_in_dim3A_625 = vector.broadcast %broadcast_in_dim3A_624 : i32 to vector<16xi32>
      %gather3A_626 = tpu.vector_load_idx %arg30[%broadcast_in_dim3A_625, %get3A_269] : memref<32x400xf32, #tpu.memory_space<vmem>>[vector<16xi32>, vector<16xi32>], vector<16xf32>,
      %broadcast_in_dim3A_627 = arith.constant 2 : i32
      %broadcast_in_dim3A_628 = vector.broadcast %broadcast_in_dim3A_627 : i32 to vector<16xi32>
      %gather3A_629 = tpu.vector_load_idx %arg30[%broadcast_in_dim3A_628, %get3A_269] : memref<32x400xf32, #tpu.memory_space<vmem>>[vector<16xi32>, vector<16xi32>], vector<16xf32>,
      %swap3A_630 = arith.constant 0 : i32
      %swap3A_631 = arith.constant 24 : i32
      %swap3A_632 = arith.index_cast %swap3A_630 : i32 to index
      %swap3A_633 = arith.index_cast %swap3A_631 : i32 to index
      %swap3A_634 = arith.index_cast %mul3A_264 : i32 to index
      %swap3A_635 = tpu.vector_load %arg37[%swap3A_632, %swap3A_633, %swap3A_634] {strides = array<i32>} : memref<2x89x256xf32, #tpu.memory_space<vmem>>, vector<16xf32>,
      tpu.vector_store %arg37[%swap3A_632, %swap3A_633, %swap3A_634], %get3A_598 {strides = array<i32>} : memref<2x89x256xf32, #tpu.memory_space<vmem>>, vector<16xf32>,
      %swap3A_636 = arith.constant 0 : i32
      %swap3A_637 = arith.constant 25 : i32
      %swap3A_638 = arith.index_cast %swap3A_636 : i32 to index
      %swap3A_639 = arith.index_cast %swap3A_637 : i32 to index
      %swap3A_640 = arith.index_cast %mul3A_264 : i32 to index
      %swap3A_641 = tpu.vector_load %arg37[%swap3A_638, %swap3A_639, %swap3A_640] {strides = array<i32>} : memref<2x89x256xf32, #tpu.memory_space<vmem>>, vector<16xf32>,
      tpu.vector_store %arg37[%swap3A_638, %swap3A_639, %swap3A_640], %get3A_604 {strides = array<i32>} : memref<2x89x256xf32, #tpu.memory_space<vmem>>, vector<16xf32>,
      %swap3A_642 = arith.constant 0 : i32
      %swap3A_643 = arith.constant 26 : i32
      %swap3A_644 = arith.index_cast %swap3A_642 : i32 to index
      %swap3A_645 = arith.index_cast %swap3A_643 : i32 to index
      %swap3A_646 = arith.index_cast %mul3A_264 : i32 to index
      %swap3A_647 = tpu.vector_load %arg37[%swap3A_644, %swap3A_645, %swap3A_646] {strides = array<i32>} : memref<2x89x256xf32, #tpu.memory_space<vmem>>, vector<16xf32>,
      tpu.vector_store %arg37[%swap3A_644, %swap3A_645, %swap3A_646], %get3A_610 {strides = array<i32>} : memref<2x89x256xf32, #tpu.memory_space<vmem>>, vector<16xf32>,
      %swap3A_648 = arith.constant 0 : i32
      %swap3A_649 = arith.constant 27 : i32
      %swap3A_650 = arith.index_cast %swap3A_648 : i32 to index
      %swap3A_651 = arith.index_cast %swap3A_649 : i32 to index
      %swap3A_652 = arith.index_cast %mul3A_264 : i32 to index
      %swap3A_653 = tpu.vector_load %arg37[%swap3A_650, %swap3A_651, %swap3A_652] {strides = array<i32>} : memref<2x89x256xf32, #tpu.memory_space<vmem>>, vector<16xf32>,
      tpu.vector_store %arg37[%swap3A_650, %swap3A_651, %swap3A_652], %get3A_616 {strides = array<i32>} : memref<2x89x256xf32, #tpu.memory_space<vmem>>, vector<16xf32>,
      %swap3A_654 = arith.constant 0 : i32
      %swap3A_655 = arith.constant 28 : i32
      %swap3A_656 = arith.index_cast %swap3A_654 : i32 to index
      %swap3A_657 = arith.index_cast %swap3A_655 : i32 to index
      %swap3A_658 = arith.index_cast %mul3A_264 : i32 to index
      %swap3A_659 = tpu.vector_load %arg37[%swap3A_656, %swap3A_657, %swap3A_658] {strides = array<i32>} : memref<2x89x256xf32, #tpu.memory_space<vmem>>, vector<16xf32>,
      tpu.vector_store %arg37[%swap3A_656, %swap3A_657, %swap3A_658], %get3A_622 {strides = array<i32>} : memref<2x89x256xf32, #tpu.memory_space<vmem>>, vector<16xf32>,
      %swap3A_660 = arith.constant 0 : i32
      %swap3A_661 = arith.constant 29 : i32
      %swap3A_662 = arith.index_cast %swap3A_660 : i32 to index
      %swap3A_663 = arith.index_cast %swap3A_661 : i32 to index
      %swap3A_664 = arith.index_cast %mul3A_264 : i32 to index
      %swap3A_665 = tpu.vector_load %arg37[%swap3A_662, %swap3A_663, %swap3A_664] {strides = array<i32>} : memref<2x89x256xf32, #tpu.memory_space<vmem>>, vector<16xf32>,
      tpu.vector_store %arg37[%swap3A_662, %swap3A_663, %swap3A_664], %gather3A {strides = array<i32>} : memref<2x89x256xf32, #tpu.memory_space<vmem>>, vector<16xf32>,
      %swap3A_666 = arith.constant 0 : i32
      %swap3A_667 = arith.constant 30 : i32
      %swap3A_668 = arith.index_cast %swap3A_666 : i32 to index
      %swap3A_669 = arith.index_cast %swap3A_667 : i32 to index
      %swap3A_670 = arith.index_cast %mul3A_264 : i32 to index
      %swap3A_671 = tpu.vector_load %arg37[%swap3A_668, %swap3A_669, %swap3A_670] {strides = array<i32>} : memref<2x89x256xf32, #tpu.memory_space<vmem>>, vector<16xf32>,
      tpu.vector_store %arg37[%swap3A_668, %swap3A_669, %swap3A_670], %gather3A_626 {strides = array<i32>} : memref<2x89x256xf32, #tpu.memory_space<vmem>>, vector<16xf32>,
      %swap3A_672 = arith.constant 0 : i32
      %swap3A_673 = arith.constant 31 : i32
      %swap3A_674 = arith.index_cast %swap3A_672 : i32 to index
      %swap3A_675 = arith.index_cast %swap3A_673 : i32 to index
      %swap3A_676 = arith.index_cast %mul3A_264 : i32 to index
      %swap3A_677 = tpu.vector_load %arg37[%swap3A_674, %swap3A_675, %swap3A_676] {strides = array<i32>} : memref<2x89x256xf32, #tpu.memory_space<vmem>>, vector<16xf32>,
      tpu.vector_store %arg37[%swap3A_674, %swap3A_675, %swap3A_676], %gather3A_629 {strides = array<i32>} : memref<2x89x256xf32, #tpu.memory_space<vmem>>, vector<16xf32>,
      %broadcast_in_dim3A_678 = arith.constant 3 : i32
      %broadcast_in_dim3A_679 = vector.broadcast %broadcast_in_dim3A_678 : i32 to vector<16xi32>
      %gather3A_680 = tpu.vector_load_idx %arg30[%broadcast_in_dim3A_679, %get3A_269] : memref<32x400xf32, #tpu.memory_space<vmem>>[vector<16xi32>, vector<16xi32>], vector<16xf32>,
      %broadcast_in_dim3A_681 = arith.constant 4 : i32
      %broadcast_in_dim3A_682 = vector.broadcast %broadcast_in_dim3A_681 : i32 to vector<16xi32>
      %gather3A_683 = tpu.vector_load_idx %arg30[%broadcast_in_dim3A_682, %get3A_269] : memref<32x400xf32, #tpu.memory_space<vmem>>[vector<16xi32>, vector<16xi32>], vector<16xf32>,
      %broadcast_in_dim3A_684 = arith.constant 5 : i32
      %broadcast_in_dim3A_685 = vector.broadcast %broadcast_in_dim3A_684 : i32 to vector<16xi32>
      %gather3A_686 = tpu.vector_load_idx %arg30[%broadcast_in_dim3A_685, %get3A_269] : memref<32x400xf32, #tpu.memory_space<vmem>>[vector<16xi32>, vector<16xi32>], vector<16xf32>,
      %broadcast_in_dim3A_687 = arith.constant 6 : i32
      %broadcast_in_dim3A_688 = vector.broadcast %broadcast_in_dim3A_687 : i32 to vector<16xi32>
      %gather3A_689 = tpu.vector_load_idx %arg30[%broadcast_in_dim3A_688, %get3A_269] : memref<32x400xf32, #tpu.memory_space<vmem>>[vector<16xi32>, vector<16xi32>], vector<16xf32>,
      %broadcast_in_dim3A_690 = arith.constant 7 : i32
      %broadcast_in_dim3A_691 = vector.broadcast %broadcast_in_dim3A_690 : i32 to vector<16xi32>
      %gather3A_692 = tpu.vector_load_idx %arg30[%broadcast_in_dim3A_691, %get3A_269] : memref<32x400xf32, #tpu.memory_space<vmem>>[vector<16xi32>, vector<16xi32>], vector<16xf32>,
      %broadcast_in_dim3A_693 = arith.constant 8 : i32
      %broadcast_in_dim3A_694 = vector.broadcast %broadcast_in_dim3A_693 : i32 to vector<16xi32>
      %gather3A_695 = tpu.vector_load_idx %arg30[%broadcast_in_dim3A_694, %get3A_269] : memref<32x400xf32, #tpu.memory_space<vmem>>[vector<16xi32>, vector<16xi32>], vector<16xf32>,
      %broadcast_in_dim3A_696 = arith.constant 9 : i32
      %broadcast_in_dim3A_697 = vector.broadcast %broadcast_in_dim3A_696 : i32 to vector<16xi32>
      %gather3A_698 = tpu.vector_load_idx %arg30[%broadcast_in_dim3A_697, %get3A_269] : memref<32x400xf32, #tpu.memory_space<vmem>>[vector<16xi32>, vector<16xi32>], vector<16xf32>,
      %broadcast_in_dim3A_699 = arith.constant 10 : i32
      %broadcast_in_dim3A_700 = vector.broadcast %broadcast_in_dim3A_699 : i32 to vector<16xi32>
      %gather3A_701 = tpu.vector_load_idx %arg30[%broadcast_in_dim3A_700, %get3A_269] : memref<32x400xf32, #tpu.memory_space<vmem>>[vector<16xi32>, vector<16xi32>], vector<16xf32>,
      %swap3A_702 = arith.constant 0 : i32
      %swap3A_703 = arith.constant 32 : i32
      %swap3A_704 = arith.index_cast %swap3A_702 : i32 to index
      %swap3A_705 = arith.index_cast %swap3A_703 : i32 to index
      %swap3A_706 = arith.index_cast %mul3A_264 : i32 to index
      %swap3A_707 = tpu.vector_load %arg37[%swap3A_704, %swap3A_705, %swap3A_706] {strides = array<i32>} : memref<2x89x256xf32, #tpu.memory_space<vmem>>, vector<16xf32>,
      tpu.vector_store %arg37[%swap3A_704, %swap3A_705, %swap3A_706], %gather3A_680 {strides = array<i32>} : memref<2x89x256xf32, #tpu.memory_space<vmem>>, vector<16xf32>,
      %swap3A_708 = arith.constant 0 : i32
      %swap3A_709 = arith.constant 33 : i32
      %swap3A_710 = arith.index_cast %swap3A_708 : i32 to index
      %swap3A_711 = arith.index_cast %swap3A_709 : i32 to index
      %swap3A_712 = arith.index_cast %mul3A_264 : i32 to index
      %swap3A_713 = tpu.vector_load %arg37[%swap3A_710, %swap3A_711, %swap3A_712] {strides = array<i32>} : memref<2x89x256xf32, #tpu.memory_space<vmem>>, vector<16xf32>,
      tpu.vector_store %arg37[%swap3A_710, %swap3A_711, %swap3A_712], %gather3A_683 {strides = array<i32>} : memref<2x89x256xf32, #tpu.memory_space<vmem>>, vector<16xf32>,
      %swap3A_714 = arith.constant 0 : i32
      %swap3A_715 = arith.constant 34 : i32
      %swap3A_716 = arith.index_cast %swap3A_714 : i32 to index
      %swap3A_717 = arith.index_cast %swap3A_715 : i32 to index
      %swap3A_718 = arith.index_cast %mul3A_264 : i32 to index
      %swap3A_719 = tpu.vector_load %arg37[%swap3A_716, %swap3A_717, %swap3A_718] {strides = array<i32>} : memref<2x89x256xf32, #tpu.memory_space<vmem>>, vector<16xf32>,
      tpu.vector_store %arg37[%swap3A_716, %swap3A_717, %swap3A_718], %gather3A_686 {strides = array<i32>} : memref<2x89x256xf32, #tpu.memory_space<vmem>>, vector<16xf32>,
      %swap3A_720 = arith.constant 0 : i32
      %swap3A_721 = arith.constant 35 : i32
      %swap3A_722 = arith.index_cast %swap3A_720 : i32 to index
      %swap3A_723 = arith.index_cast %swap3A_721 : i32 to index
      %swap3A_724 = arith.index_cast %mul3A_264 : i32 to index
      %swap3A_725 = tpu.vector_load %arg37[%swap3A_722, %swap3A_723, %swap3A_724] {strides = array<i32>} : memref<2x89x256xf32, #tpu.memory_space<vmem>>, vector<16xf32>,
      tpu.vector_store %arg37[%swap3A_722, %swap3A_723, %swap3A_724], %gather3A_689 {strides = array<i32>} : memref<2x89x256xf32, #tpu.memory_space<vmem>>, vector<16xf32>,
      %swap3A_726 = arith.constant 0 : i32
      %swap3A_727 = arith.constant 36 : i32
      %swap3A_728 = arith.index_cast %swap3A_726 : i32 to index
      %swap3A_729 = arith.index_cast %swap3A_727 : i32 to index
      %swap3A_730 = arith.index_cast %mul3A_264 : i32 to index
      %swap3A_731 = tpu.vector_load %arg37[%swap3A_728, %swap3A_729, %swap3A_730] {strides = array<i32>} : memref<2x89x256xf32, #tpu.memory_space<vmem>>, vector<16xf32>,
      tpu.vector_store %arg37[%swap3A_728, %swap3A_729, %swap3A_730], %gather3A_692 {strides = array<i32>} : memref<2x89x256xf32, #tpu.memory_space<vmem>>, vector<16xf32>,
      %swap3A_732 = arith.constant 0 : i32
      %swap3A_733 = arith.constant 37 : i32
      %swap3A_734 = arith.index_cast %swap3A_732 : i32 to index
      %swap3A_735 = arith.index_cast %swap3A_733 : i32 to index
      %swap3A_736 = arith.index_cast %mul3A_264 : i32 to index
      %swap3A_737 = tpu.vector_load %arg37[%swap3A_734, %swap3A_735, %swap3A_736] {strides = array<i32>} : memref<2x89x256xf32, #tpu.memory_space<vmem>>, vector<16xf32>,
      tpu.vector_store %arg37[%swap3A_734, %swap3A_735, %swap3A_736], %gather3A_695 {strides = array<i32>} : memref<2x89x256xf32, #tpu.memory_space<vmem>>, vector<16xf32>,
      %swap3A_738 = arith.constant 0 : i32
      %swap3A_739 = arith.constant 38 : i32
      %swap3A_740 = arith.index_cast %swap3A_738 : i32 to index
      %swap3A_741 = arith.index_cast %swap3A_739 : i32 to index
      %swap3A_742 = arith.index_cast %mul3A_264 : i32 to index
      %swap3A_743 = tpu.vector_load %arg37[%swap3A_740, %swap3A_741, %swap3A_742] {strides = array<i32>} : memref<2x89x256xf32, #tpu.memory_space<vmem>>, vector<16xf32>,
      tpu.vector_store %arg37[%swap3A_740, %swap3A_741, %swap3A_742], %gather3A_698 {strides = array<i32>} : memref<2x89x256xf32, #tpu.memory_space<vmem>>, vector<16xf32>,
      %swap3A_744 = arith.constant 0 : i32
      %swap3A_745 = arith.constant 39 : i32
      %swap3A_746 = arith.index_cast %swap3A_744 : i32 to index
      %swap3A_747 = arith.index_cast %swap3A_745 : i32 to index
      %swap3A_748 = arith.index_cast %mul3A_264 : i32 to index
      %swap3A_749 = tpu.vector_load %arg37[%swap3A_746, %swap3A_747, %swap3A_748] {strides = array<i32>} : memref<2x89x256xf32, #tpu.memory_space<vmem>>, vector<16xf32>,
      tpu.vector_store %arg37[%swap3A_746, %swap3A_747, %swap3A_748], %gather3A_701 {strides = array<i32>} : memref<2x89x256xf32, #tpu.memory_space<vmem>>, vector<16xf32>,
      %broadcast_in_dim3A_750 = arith.constant 11 : i32
      %broadcast_in_dim3A_751 = vector.broadcast %broadcast_in_dim3A_750 : i32 to vector<16xi32>
      %gather3A_752 = tpu.vector_load_idx %arg30[%broadcast_in_dim3A_751, %get3A_269] : memref<32x400xf32, #tpu.memory_space<vmem>>[vector<16xi32>, vector<16xi32>], vector<16xf32>,
      %broadcast_in_dim3A_753 = arith.constant 12 : i32
      %broadcast_in_dim3A_754 = vector.broadcast %broadcast_in_dim3A_753 : i32 to vector<16xi32>
      %gather3A_755 = tpu.vector_load_idx %arg30[%broadcast_in_dim3A_754, %get3A_269] : memref<32x400xf32, #tpu.memory_space<vmem>>[vector<16xi32>, vector<16xi32>], vector<16xf32>,
      %broadcast_in_dim3A_756 = arith.constant 13 : i32
      %broadcast_in_dim3A_757 = vector.broadcast %broadcast_in_dim3A_756 : i32 to vector<16xi32>
      %gather3A_758 = tpu.vector_load_idx %arg30[%broadcast_in_dim3A_757, %get3A_269] : memref<32x400xf32, #tpu.memory_space<vmem>>[vector<16xi32>, vector<16xi32>], vector<16xf32>,
      %broadcast_in_dim3A_759 = arith.constant 14 : i32
      %broadcast_in_dim3A_760 = vector.broadcast %broadcast_in_dim3A_759 : i32 to vector<16xi32>
      %gather3A_761 = tpu.vector_load_idx %arg30[%broadcast_in_dim3A_760, %get3A_269] : memref<32x400xf32, #tpu.memory_space<vmem>>[vector<16xi32>, vector<16xi32>], vector<16xf32>,
      %broadcast_in_dim3A_762 = arith.constant 15 : i32
      %broadcast_in_dim3A_763 = vector.broadcast %broadcast_in_dim3A_762 : i32 to vector<16xi32>
      %gather3A_764 = tpu.vector_load_idx %arg30[%broadcast_in_dim3A_763, %get3A_269] : memref<32x400xf32, #tpu.memory_space<vmem>>[vector<16xi32>, vector<16xi32>], vector<16xf32>,
      %broadcast_in_dim3A_765 = arith.constant 16 : i32
      %broadcast_in_dim3A_766 = vector.broadcast %broadcast_in_dim3A_765 : i32 to vector<16xi32>
      %gather3A_767 = tpu.vector_load_idx %arg30[%broadcast_in_dim3A_766, %get3A_269] : memref<32x400xf32, #tpu.memory_space<vmem>>[vector<16xi32>, vector<16xi32>], vector<16xf32>,
      %broadcast_in_dim3A_768 = arith.constant 17 : i32
      %broadcast_in_dim3A_769 = vector.broadcast %broadcast_in_dim3A_768 : i32 to vector<16xi32>
      %gather3A_770 = tpu.vector_load_idx %arg30[%broadcast_in_dim3A_769, %get3A_269] : memref<32x400xf32, #tpu.memory_space<vmem>>[vector<16xi32>, vector<16xi32>], vector<16xf32>,
      %broadcast_in_dim3A_771 = arith.constant 18 : i32
      %broadcast_in_dim3A_772 = vector.broadcast %broadcast_in_dim3A_771 : i32 to vector<16xi32>
      %gather3A_773 = tpu.vector_load_idx %arg30[%broadcast_in_dim3A_772, %get3A_269] : memref<32x400xf32, #tpu.memory_space<vmem>>[vector<16xi32>, vector<16xi32>], vector<16xf32>,
      %swap3A_774 = arith.constant 0 : i32
      %swap3A_775 = arith.constant 40 : i32
      %swap3A_776 = arith.index_cast %swap3A_774 : i32 to index
      %swap3A_777 = arith.index_cast %swap3A_775 : i32 to index
      %swap3A_778 = arith.index_cast %mul3A_264 : i32 to index
      %swap3A_779 = tpu.vector_load %arg37[%swap3A_776, %swap3A_777, %swap3A_778] {strides = array<i32>} : memref<2x89x256xf32, #tpu.memory_space<vmem>>, vector<16xf32>,
      tpu.vector_store %arg37[%swap3A_776, %swap3A_777, %swap3A_778], %gather3A_752 {strides = array<i32>} : memref<2x89x256xf32, #tpu.memory_space<vmem>>, vector<16xf32>,
      %swap3A_780 = arith.constant 0 : i32
      %swap3A_781 = arith.constant 41 : i32
      %swap3A_782 = arith.index_cast %swap3A_780 : i32 to index
      %swap3A_783 = arith.index_cast %swap3A_781 : i32 to index
      %swap3A_784 = arith.index_cast %mul3A_264 : i32 to index
      %swap3A_785 = tpu.vector_load %arg37[%swap3A_782, %swap3A_783, %swap3A_784] {strides = array<i32>} : memref<2x89x256xf32, #tpu.memory_space<vmem>>, vector<16xf32>,
      tpu.vector_store %arg37[%swap3A_782, %swap3A_783, %swap3A_784], %gather3A_755 {strides = array<i32>} : memref<2x89x256xf32, #tpu.memory_space<vmem>>, vector<16xf32>,
      %swap3A_786 = arith.constant 0 : i32
      %swap3A_787 = arith.constant 42 : i32
      %swap3A_788 = arith.index_cast %swap3A_786 : i32 to index
      %swap3A_789 = arith.index_cast %swap3A_787 : i32 to index
      %swap3A_790 = arith.index_cast %mul3A_264 : i32 to index
      %swap3A_791 = tpu.vector_load %arg37[%swap3A_788, %swap3A_789, %swap3A_790] {strides = array<i32>} : memref<2x89x256xf32, #tpu.memory_space<vmem>>, vector<16xf32>,
      tpu.vector_store %arg37[%swap3A_788, %swap3A_789, %swap3A_790], %gather3A_758 {strides = array<i32>} : memref<2x89x256xf32, #tpu.memory_space<vmem>>, vector<16xf32>,
      %swap3A_792 = arith.constant 0 : i32
      %swap3A_793 = arith.constant 43 : i32
      %swap3A_794 = arith.index_cast %swap3A_792 : i32 to index
      %swap3A_795 = arith.index_cast %swap3A_793 : i32 to index
      %swap3A_796 = arith.index_cast %mul3A_264 : i32 to index
      %swap3A_797 = tpu.vector_load %arg37[%swap3A_794, %swap3A_795, %swap3A_796] {strides = array<i32>} : memref<2x89x256xf32, #tpu.memory_space<vmem>>, vector<16xf32>,
      tpu.vector_store %arg37[%swap3A_794, %swap3A_795, %swap3A_796], %gather3A_761 {strides = array<i32>} : memref<2x89x256xf32, #tpu.memory_space<vmem>>, vector<16xf32>,
      %swap3A_798 = arith.constant 0 : i32
      %swap3A_799 = arith.constant 44 : i32
      %swap3A_800 = arith.index_cast %swap3A_798 : i32 to index
      %swap3A_801 = arith.index_cast %swap3A_799 : i32 to index
      %swap3A_802 = arith.index_cast %mul3A_264 : i32 to index
      %swap3A_803 = tpu.vector_load %arg37[%swap3A_800, %swap3A_801, %swap3A_802] {strides = array<i32>} : memref<2x89x256xf32, #tpu.memory_space<vmem>>, vector<16xf32>,
      tpu.vector_store %arg37[%swap3A_800, %swap3A_801, %swap3A_802], %gather3A_764 {strides = array<i32>} : memref<2x89x256xf32, #tpu.memory_space<vmem>>, vector<16xf32>,
      %swap3A_804 = arith.constant 0 : i32
      %swap3A_805 = arith.constant 45 : i32
      %swap3A_806 = arith.index_cast %swap3A_804 : i32 to index
      %swap3A_807 = arith.index_cast %swap3A_805 : i32 to index
      %swap3A_808 = arith.index_cast %mul3A_264 : i32 to index
      %swap3A_809 = tpu.vector_load %arg37[%swap3A_806, %swap3A_807, %swap3A_808] {strides = array<i32>} : memref<2x89x256xf32, #tpu.memory_space<vmem>>, vector<16xf32>,
      tpu.vector_store %arg37[%swap3A_806, %swap3A_807, %swap3A_808], %gather3A_767 {strides = array<i32>} : memref<2x89x256xf32, #tpu.memory_space<vmem>>, vector<16xf32>,
      %swap3A_810 = arith.constant 0 : i32
      %swap3A_811 = arith.constant 46 : i32
      %swap3A_812 = arith.index_cast %swap3A_810 : i32 to index
      %swap3A_813 = arith.index_cast %swap3A_811 : i32 to index
      %swap3A_814 = arith.index_cast %mul3A_264 : i32 to index
      %swap3A_815 = tpu.vector_load %arg37[%swap3A_812, %swap3A_813, %swap3A_814] {strides = array<i32>} : memref<2x89x256xf32, #tpu.memory_space<vmem>>, vector<16xf32>,
      tpu.vector_store %arg37[%swap3A_812, %swap3A_813, %swap3A_814], %gather3A_770 {strides = array<i32>} : memref<2x89x256xf32, #tpu.memory_space<vmem>>, vector<16xf32>,
      %swap3A_816 = arith.constant 0 : i32
      %swap3A_817 = arith.constant 47 : i32
      %swap3A_818 = arith.index_cast %swap3A_816 : i32 to index
      %swap3A_819 = arith.index_cast %swap3A_817 : i32 to index
      %swap3A_820 = arith.index_cast %mul3A_264 : i32 to index
      %swap3A_821 = tpu.vector_load %arg37[%swap3A_818, %swap3A_819, %swap3A_820] {strides = array<i32>} : memref<2x89x256xf32, #tpu.memory_space<vmem>>, vector<16xf32>,
      tpu.vector_store %arg37[%swap3A_818, %swap3A_819, %swap3A_820], %gather3A_773 {strides = array<i32>} : memref<2x89x256xf32, #tpu.memory_space<vmem>>, vector<16xf32>,
      %broadcast_in_dim3A_822 = arith.constant 19 : i32
      %broadcast_in_dim3A_823 = vector.broadcast %broadcast_in_dim3A_822 : i32 to vector<16xi32>
      %gather3A_824 = tpu.vector_load_idx %arg30[%broadcast_in_dim3A_823, %get3A_269] : memref<32x400xf32, #tpu.memory_space<vmem>>[vector<16xi32>, vector<16xi32>], vector<16xf32>,
      %broadcast_in_dim3A_825 = arith.constant 20 : i32
      %broadcast_in_dim3A_826 = vector.broadcast %broadcast_in_dim3A_825 : i32 to vector<16xi32>
      %gather3A_827 = tpu.vector_load_idx %arg30[%broadcast_in_dim3A_826, %get3A_269] : memref<32x400xf32, #tpu.memory_space<vmem>>[vector<16xi32>, vector<16xi32>], vector<16xf32>,
      %broadcast_in_dim3A_828 = arith.constant 21 : i32
      %broadcast_in_dim3A_829 = vector.broadcast %broadcast_in_dim3A_828 : i32 to vector<16xi32>
      %gather3A_830 = tpu.vector_load_idx %arg30[%broadcast_in_dim3A_829, %get3A_269] : memref<32x400xf32, #tpu.memory_space<vmem>>[vector<16xi32>, vector<16xi32>], vector<16xf32>,
      %broadcast_in_dim3A_831 = arith.constant 22 : i32
      %broadcast_in_dim3A_832 = vector.broadcast %broadcast_in_dim3A_831 : i32 to vector<16xi32>
      %gather3A_833 = tpu.vector_load_idx %arg30[%broadcast_in_dim3A_832, %get3A_269] : memref<32x400xf32, #tpu.memory_space<vmem>>[vector<16xi32>, vector<16xi32>], vector<16xf32>,
      %broadcast_in_dim3A_834 = arith.constant 23 : i32
      %broadcast_in_dim3A_835 = vector.broadcast %broadcast_in_dim3A_834 : i32 to vector<16xi32>
      %gather3A_836 = tpu.vector_load_idx %arg30[%broadcast_in_dim3A_835, %get3A_269] : memref<32x400xf32, #tpu.memory_space<vmem>>[vector<16xi32>, vector<16xi32>], vector<16xf32>,
      %broadcast_in_dim3A_837 = arith.constant 24 : i32
      %broadcast_in_dim3A_838 = vector.broadcast %broadcast_in_dim3A_837 : i32 to vector<16xi32>
      %gather3A_839 = tpu.vector_load_idx %arg30[%broadcast_in_dim3A_838, %get3A_269] : memref<32x400xf32, #tpu.memory_space<vmem>>[vector<16xi32>, vector<16xi32>], vector<16xf32>,
      %broadcast_in_dim3A_840 = arith.constant 25 : i32
      %broadcast_in_dim3A_841 = vector.broadcast %broadcast_in_dim3A_840 : i32 to vector<16xi32>
      %gather3A_842 = tpu.vector_load_idx %arg30[%broadcast_in_dim3A_841, %get3A_269] : memref<32x400xf32, #tpu.memory_space<vmem>>[vector<16xi32>, vector<16xi32>], vector<16xf32>,
      %broadcast_in_dim3A_843 = arith.constant 26 : i32
      %broadcast_in_dim3A_844 = vector.broadcast %broadcast_in_dim3A_843 : i32 to vector<16xi32>
      %gather3A_845 = tpu.vector_load_idx %arg30[%broadcast_in_dim3A_844, %get3A_269] : memref<32x400xf32, #tpu.memory_space<vmem>>[vector<16xi32>, vector<16xi32>], vector<16xf32>,
      %swap3A_846 = arith.constant 0 : i32
      %swap3A_847 = arith.constant 48 : i32
      %swap3A_848 = arith.index_cast %swap3A_846 : i32 to index
      %swap3A_849 = arith.index_cast %swap3A_847 : i32 to index
      %swap3A_850 = arith.index_cast %mul3A_264 : i32 to index
      %swap3A_851 = tpu.vector_load %arg37[%swap3A_848, %swap3A_849, %swap3A_850] {strides = array<i32>} : memref<2x89x256xf32, #tpu.memory_space<vmem>>, vector<16xf32>,
      tpu.vector_store %arg37[%swap3A_848, %swap3A_849, %swap3A_850], %gather3A_824 {strides = array<i32>} : memref<2x89x256xf32, #tpu.memory_space<vmem>>, vector<16xf32>,
      %swap3A_852 = arith.constant 0 : i32
      %swap3A_853 = arith.constant 49 : i32
      %swap3A_854 = arith.index_cast %swap3A_852 : i32 to index
      %swap3A_855 = arith.index_cast %swap3A_853 : i32 to index
      %swap3A_856 = arith.index_cast %mul3A_264 : i32 to index
      %swap3A_857 = tpu.vector_load %arg37[%swap3A_854, %swap3A_855, %swap3A_856] {strides = array<i32>} : memref<2x89x256xf32, #tpu.memory_space<vmem>>, vector<16xf32>,
      tpu.vector_store %arg37[%swap3A_854, %swap3A_855, %swap3A_856], %gather3A_827 {strides = array<i32>} : memref<2x89x256xf32, #tpu.memory_space<vmem>>, vector<16xf32>,
      %swap3A_858 = arith.constant 0 : i32
      %swap3A_859 = arith.constant 50 : i32
      %swap3A_860 = arith.index_cast %swap3A_858 : i32 to index
      %swap3A_861 = arith.index_cast %swap3A_859 : i32 to index
      %swap3A_862 = arith.index_cast %mul3A_264 : i32 to index
      %swap3A_863 = tpu.vector_load %arg37[%swap3A_860, %swap3A_861, %swap3A_862] {strides = array<i32>} : memref<2x89x256xf32, #tpu.memory_space<vmem>>, vector<16xf32>,
      tpu.vector_store %arg37[%swap3A_860, %swap3A_861, %swap3A_862], %gather3A_830 {strides = array<i32>} : memref<2x89x256xf32, #tpu.memory_space<vmem>>, vector<16xf32>,
      %swap3A_864 = arith.constant 0 : i32
      %swap3A_865 = arith.constant 51 : i32
      %swap3A_866 = arith.index_cast %swap3A_864 : i32 to index
      %swap3A_867 = arith.index_cast %swap3A_865 : i32 to index
      %swap3A_868 = arith.index_cast %mul3A_264 : i32 to index
      %swap3A_869 = tpu.vector_load %arg37[%swap3A_866, %swap3A_867, %swap3A_868] {strides = array<i32>} : memref<2x89x256xf32, #tpu.memory_space<vmem>>, vector<16xf32>,
      tpu.vector_store %arg37[%swap3A_866, %swap3A_867, %swap3A_868], %gather3A_833 {strides = array<i32>} : memref<2x89x256xf32, #tpu.memory_space<vmem>>, vector<16xf32>,
      %swap3A_870 = arith.constant 0 : i32
      %swap3A_871 = arith.constant 52 : i32
      %swap3A_872 = arith.index_cast %swap3A_870 : i32 to index
      %swap3A_873 = arith.index_cast %swap3A_871 : i32 to index
      %swap3A_874 = arith.index_cast %mul3A_264 : i32 to index
      %swap3A_875 = tpu.vector_load %arg37[%swap3A_872, %swap3A_873, %swap3A_874] {strides = array<i32>} : memref<2x89x256xf32, #tpu.memory_space<vmem>>, vector<16xf32>,
      tpu.vector_store %arg37[%swap3A_872, %swap3A_873, %swap3A_874], %gather3A_836 {strides = array<i32>} : memref<2x89x256xf32, #tpu.memory_space<vmem>>, vector<16xf32>,
      %swap3A_876 = arith.constant 0 : i32
      %swap3A_877 = arith.constant 53 : i32
      %swap3A_878 = arith.index_cast %swap3A_876 : i32 to index
      %swap3A_879 = arith.index_cast %swap3A_877 : i32 to index
      %swap3A_880 = arith.index_cast %mul3A_264 : i32 to index
      %swap3A_881 = tpu.vector_load %arg37[%swap3A_878, %swap3A_879, %swap3A_880] {strides = array<i32>} : memref<2x89x256xf32, #tpu.memory_space<vmem>>, vector<16xf32>,
      tpu.vector_store %arg37[%swap3A_878, %swap3A_879, %swap3A_880], %gather3A_839 {strides = array<i32>} : memref<2x89x256xf32, #tpu.memory_space<vmem>>, vector<16xf32>,
      %swap3A_882 = arith.constant 0 : i32
      %swap3A_883 = arith.constant 54 : i32
      %swap3A_884 = arith.index_cast %swap3A_882 : i32 to index
      %swap3A_885 = arith.index_cast %swap3A_883 : i32 to index
      %swap3A_886 = arith.index_cast %mul3A_264 : i32 to index
      %swap3A_887 = tpu.vector_load %arg37[%swap3A_884, %swap3A_885, %swap3A_886] {strides = array<i32>} : memref<2x89x256xf32, #tpu.memory_space<vmem>>, vector<16xf32>,
      tpu.vector_store %arg37[%swap3A_884, %swap3A_885, %swap3A_886], %gather3A_842 {strides = array<i32>} : memref<2x89x256xf32, #tpu.memory_space<vmem>>, vector<16xf32>,
      %swap3A_888 = arith.constant 0 : i32
      %swap3A_889 = arith.constant 55 : i32
      %swap3A_890 = arith.index_cast %swap3A_888 : i32 to index
      %swap3A_891 = arith.index_cast %swap3A_889 : i32 to index
      %swap3A_892 = arith.index_cast %mul3A_264 : i32 to index
      %swap3A_893 = tpu.vector_load %arg37[%swap3A_890, %swap3A_891, %swap3A_892] {strides = array<i32>} : memref<2x89x256xf32, #tpu.memory_space<vmem>>, vector<16xf32>,
      tpu.vector_store %arg37[%swap3A_890, %swap3A_891, %swap3A_892], %gather3A_845 {strides = array<i32>} : memref<2x89x256xf32, #tpu.memory_space<vmem>>, vector<16xf32>,
      %broadcast_in_dim3A_894 = arith.constant 27 : i32
      %broadcast_in_dim3A_895 = vector.broadcast %broadcast_in_dim3A_894 : i32 to vector<16xi32>
      %gather3A_896 = tpu.vector_load_idx %arg30[%broadcast_in_dim3A_895, %get3A_269] : memref<32x400xf32, #tpu.memory_space<vmem>>[vector<16xi32>, vector<16xi32>], vector<16xf32>,
      %broadcast_in_dim3A_897 = arith.constant 28 : i32
      %broadcast_in_dim3A_898 = vector.broadcast %broadcast_in_dim3A_897 : i32 to vector<16xi32>
      %gather3A_899 = tpu.vector_load_idx %arg30[%broadcast_in_dim3A_898, %get3A_269] : memref<32x400xf32, #tpu.memory_space<vmem>>[vector<16xi32>, vector<16xi32>], vector<16xf32>,
      %broadcast_in_dim3A_900 = arith.constant 29 : i32
      %broadcast_in_dim3A_901 = vector.broadcast %broadcast_in_dim3A_900 : i32 to vector<16xi32>
      %gather3A_902 = tpu.vector_load_idx %arg30[%broadcast_in_dim3A_901, %get3A_269] : memref<32x400xf32, #tpu.memory_space<vmem>>[vector<16xi32>, vector<16xi32>], vector<16xf32>,
      %broadcast_in_dim3A_903 = arith.constant 30 : i32
      %broadcast_in_dim3A_904 = vector.broadcast %broadcast_in_dim3A_903 : i32 to vector<16xi32>
      %gather3A_905 = tpu.vector_load_idx %arg30[%broadcast_in_dim3A_904, %get3A_269] : memref<32x400xf32, #tpu.memory_space<vmem>>[vector<16xi32>, vector<16xi32>], vector<16xf32>,
      %broadcast_in_dim3A_906 = arith.constant 31 : i32
      %broadcast_in_dim3A_907 = vector.broadcast %broadcast_in_dim3A_906 : i32 to vector<16xi32>
      %gather3A_908 = tpu.vector_load_idx %arg30[%broadcast_in_dim3A_907, %get3A_269] : memref<32x400xf32, #tpu.memory_space<vmem>>[vector<16xi32>, vector<16xi32>], vector<16xf32>,
      %broadcast_in_dim3A_909 = arith.constant 0 : i32
      %broadcast_in_dim3A_910 = vector.broadcast %broadcast_in_dim3A_909 : i32 to vector<16xi32>
      %gather3A_911 = tpu.vector_load_idx %arg31[%broadcast_in_dim3A_910, %get3A_275] : memref<4x8xf32, #tpu.memory_space<vmem>>[vector<16xi32>, vector<16xi32>], vector<16xf32>,
      %broadcast_in_dim3A_912 = arith.constant 1 : i32
      %broadcast_in_dim3A_913 = vector.broadcast %broadcast_in_dim3A_912 : i32 to vector<16xi32>
      %gather3A_914 = tpu.vector_load_idx %arg31[%broadcast_in_dim3A_913, %get3A_275] : memref<4x8xf32, #tpu.memory_space<vmem>>[vector<16xi32>, vector<16xi32>], vector<16xf32>,
      %broadcast_in_dim3A_915 = arith.constant 2 : i32
      %broadcast_in_dim3A_916 = vector.broadcast %broadcast_in_dim3A_915 : i32 to vector<16xi32>
      %gather3A_917 = tpu.vector_load_idx %arg31[%broadcast_in_dim3A_916, %get3A_275] : memref<4x8xf32, #tpu.memory_space<vmem>>[vector<16xi32>, vector<16xi32>], vector<16xf32>,
      %swap3A_918 = arith.constant 0 : i32
      %swap3A_919 = arith.constant 56 : i32
      %swap3A_920 = arith.index_cast %swap3A_918 : i32 to index
      %swap3A_921 = arith.index_cast %swap3A_919 : i32 to index
      %swap3A_922 = arith.index_cast %mul3A_264 : i32 to index
      %swap3A_923 = tpu.vector_load %arg37[%swap3A_920, %swap3A_921, %swap3A_922] {strides = array<i32>} : memref<2x89x256xf32, #tpu.memory_space<vmem>>, vector<16xf32>,
      tpu.vector_store %arg37[%swap3A_920, %swap3A_921, %swap3A_922], %gather3A_896 {strides = array<i32>} : memref<2x89x256xf32, #tpu.memory_space<vmem>>, vector<16xf32>,
      %swap3A_924 = arith.constant 0 : i32
      %swap3A_925 = arith.constant 57 : i32
      %swap3A_926 = arith.index_cast %swap3A_924 : i32 to index
      %swap3A_927 = arith.index_cast %swap3A_925 : i32 to index
      %swap3A_928 = arith.index_cast %mul3A_264 : i32 to index
      %swap3A_929 = tpu.vector_load %arg37[%swap3A_926, %swap3A_927, %swap3A_928] {strides = array<i32>} : memref<2x89x256xf32, #tpu.memory_space<vmem>>, vector<16xf32>,
      tpu.vector_store %arg37[%swap3A_926, %swap3A_927, %swap3A_928], %gather3A_899 {strides = array<i32>} : memref<2x89x256xf32, #tpu.memory_space<vmem>>, vector<16xf32>,
      %swap3A_930 = arith.constant 0 : i32
      %swap3A_931 = arith.constant 58 : i32
      %swap3A_932 = arith.index_cast %swap3A_930 : i32 to index
      %swap3A_933 = arith.index_cast %swap3A_931 : i32 to index
      %swap3A_934 = arith.index_cast %mul3A_264 : i32 to index
      %swap3A_935 = tpu.vector_load %arg37[%swap3A_932, %swap3A_933, %swap3A_934] {strides = array<i32>} : memref<2x89x256xf32, #tpu.memory_space<vmem>>, vector<16xf32>,
      tpu.vector_store %arg37[%swap3A_932, %swap3A_933, %swap3A_934], %gather3A_902 {strides = array<i32>} : memref<2x89x256xf32, #tpu.memory_space<vmem>>, vector<16xf32>,
      %swap3A_936 = arith.constant 0 : i32
      %swap3A_937 = arith.constant 59 : i32
      %swap3A_938 = arith.index_cast %swap3A_936 : i32 to index
      %swap3A_939 = arith.index_cast %swap3A_937 : i32 to index
      %swap3A_940 = arith.index_cast %mul3A_264 : i32 to index
      %swap3A_941 = tpu.vector_load %arg37[%swap3A_938, %swap3A_939, %swap3A_940] {strides = array<i32>} : memref<2x89x256xf32, #tpu.memory_space<vmem>>, vector<16xf32>,
      tpu.vector_store %arg37[%swap3A_938, %swap3A_939, %swap3A_940], %gather3A_905 {strides = array<i32>} : memref<2x89x256xf32, #tpu.memory_space<vmem>>, vector<16xf32>,
      %swap3A_942 = arith.constant 0 : i32
      %swap3A_943 = arith.constant 60 : i32
      %swap3A_944 = arith.index_cast %swap3A_942 : i32 to index
      %swap3A_945 = arith.index_cast %swap3A_943 : i32 to index
      %swap3A_946 = arith.index_cast %mul3A_264 : i32 to index
      %swap3A_947 = tpu.vector_load %arg37[%swap3A_944, %swap3A_945, %swap3A_946] {strides = array<i32>} : memref<2x89x256xf32, #tpu.memory_space<vmem>>, vector<16xf32>,
      tpu.vector_store %arg37[%swap3A_944, %swap3A_945, %swap3A_946], %gather3A_908 {strides = array<i32>} : memref<2x89x256xf32, #tpu.memory_space<vmem>>, vector<16xf32>,
      %swap3A_948 = arith.constant 0 : i32
      %swap3A_949 = arith.constant 61 : i32
      %swap3A_950 = arith.index_cast %swap3A_948 : i32 to index
      %swap3A_951 = arith.index_cast %swap3A_949 : i32 to index
      %swap3A_952 = arith.index_cast %mul3A_264 : i32 to index
      %swap3A_953 = tpu.vector_load %arg37[%swap3A_950, %swap3A_951, %swap3A_952] {strides = array<i32>} : memref<2x89x256xf32, #tpu.memory_space<vmem>>, vector<16xf32>,
      tpu.vector_store %arg37[%swap3A_950, %swap3A_951, %swap3A_952], %gather3A_911 {strides = array<i32>} : memref<2x89x256xf32, #tpu.memory_space<vmem>>, vector<16xf32>,
      %swap3A_954 = arith.constant 0 : i32
      %swap3A_955 = arith.constant 62 : i32
      %swap3A_956 = arith.index_cast %swap3A_954 : i32 to index
      %swap3A_957 = arith.index_cast %swap3A_955 : i32 to index
      %swap3A_958 = arith.index_cast %mul3A_264 : i32 to index
      %swap3A_959 = tpu.vector_load %arg37[%swap3A_956, %swap3A_957, %swap3A_958] {strides = array<i32>} : memref<2x89x256xf32, #tpu.memory_space<vmem>>, vector<16xf32>,
      tpu.vector_store %arg37[%swap3A_956, %swap3A_957, %swap3A_958], %gather3A_914 {strides = array<i32>} : memref<2x89x256xf32, #tpu.memory_space<vmem>>, vector<16xf32>,
      %swap3A_960 = arith.constant 0 : i32
      %swap3A_961 = arith.constant 63 : i32
      %swap3A_962 = arith.index_cast %swap3A_960 : i32 to index
      %swap3A_963 = arith.index_cast %swap3A_961 : i32 to index
      %swap3A_964 = arith.index_cast %mul3A_264 : i32 to index
      %swap3A_965 = tpu.vector_load %arg37[%swap3A_962, %swap3A_963, %swap3A_964] {strides = array<i32>} : memref<2x89x256xf32, #tpu.memory_space<vmem>>, vector<16xf32>,
      tpu.vector_store %arg37[%swap3A_962, %swap3A_963, %swap3A_964], %gather3A_917 {strides = array<i32>} : memref<2x89x256xf32, #tpu.memory_space<vmem>>, vector<16xf32>,
      %broadcast_in_dim3A_966 = arith.constant 3 : i32
      %broadcast_in_dim3A_967 = vector.broadcast %broadcast_in_dim3A_966 : i32 to vector<16xi32>
      %gather3A_968 = tpu.vector_load_idx %arg31[%broadcast_in_dim3A_967, %get3A_275] : memref<4x8xf32, #tpu.memory_space<vmem>>[vector<16xi32>, vector<16xi32>], vector<16xf32>,
      %broadcast_in_dim3A_969 = arith.constant 0 : i32
      %broadcast_in_dim3A_970 = vector.broadcast %broadcast_in_dim3A_969 : i32 to vector<16xi32>
      %gather3A_971 = tpu.vector_load_idx %arg32[%broadcast_in_dim3A_970, %get3A_281] : memref<8x33xf32, #tpu.memory_space<vmem>>[vector<16xi32>, vector<16xi32>], vector<16xf32>,
      %broadcast_in_dim3A_972 = arith.constant 1 : i32
      %broadcast_in_dim3A_973 = vector.broadcast %broadcast_in_dim3A_972 : i32 to vector<16xi32>
      %gather3A_974 = tpu.vector_load_idx %arg32[%broadcast_in_dim3A_973, %get3A_281] : memref<8x33xf32, #tpu.memory_space<vmem>>[vector<16xi32>, vector<16xi32>], vector<16xf32>,
      %broadcast_in_dim3A_975 = arith.constant 2 : i32
      %broadcast_in_dim3A_976 = vector.broadcast %broadcast_in_dim3A_975 : i32 to vector<16xi32>
      %gather3A_977 = tpu.vector_load_idx %arg32[%broadcast_in_dim3A_976, %get3A_281] : memref<8x33xf32, #tpu.memory_space<vmem>>[vector<16xi32>, vector<16xi32>], vector<16xf32>,
      %broadcast_in_dim3A_978 = arith.constant 3 : i32
      %broadcast_in_dim3A_979 = vector.broadcast %broadcast_in_dim3A_978 : i32 to vector<16xi32>
      %gather3A_980 = tpu.vector_load_idx %arg32[%broadcast_in_dim3A_979, %get3A_281] : memref<8x33xf32, #tpu.memory_space<vmem>>[vector<16xi32>, vector<16xi32>], vector<16xf32>,
      %broadcast_in_dim3A_981 = arith.constant 4 : i32
      %broadcast_in_dim3A_982 = vector.broadcast %broadcast_in_dim3A_981 : i32 to vector<16xi32>
      %gather3A_983 = tpu.vector_load_idx %arg32[%broadcast_in_dim3A_982, %get3A_281] : memref<8x33xf32, #tpu.memory_space<vmem>>[vector<16xi32>, vector<16xi32>], vector<16xf32>,
      %broadcast_in_dim3A_984 = arith.constant 5 : i32
      %broadcast_in_dim3A_985 = vector.broadcast %broadcast_in_dim3A_984 : i32 to vector<16xi32>
      %gather3A_986 = tpu.vector_load_idx %arg32[%broadcast_in_dim3A_985, %get3A_281] : memref<8x33xf32, #tpu.memory_space<vmem>>[vector<16xi32>, vector<16xi32>], vector<16xf32>,
      %broadcast_in_dim3A_987 = arith.constant 6 : i32
      %broadcast_in_dim3A_988 = vector.broadcast %broadcast_in_dim3A_987 : i32 to vector<16xi32>
      %gather3A_989 = tpu.vector_load_idx %arg32[%broadcast_in_dim3A_988, %get3A_281] : memref<8x33xf32, #tpu.memory_space<vmem>>[vector<16xi32>, vector<16xi32>], vector<16xf32>,
      %swap3A_990 = arith.constant 0 : i32
      %swap3A_991 = arith.constant 64 : i32
      %swap3A_992 = arith.index_cast %swap3A_990 : i32 to index
      %swap3A_993 = arith.index_cast %swap3A_991 : i32 to index
      %swap3A_994 = arith.index_cast %mul3A_264 : i32 to index
      %swap3A_995 = tpu.vector_load %arg37[%swap3A_992, %swap3A_993, %swap3A_994] {strides = array<i32>} : memref<2x89x256xf32, #tpu.memory_space<vmem>>, vector<16xf32>,
      tpu.vector_store %arg37[%swap3A_992, %swap3A_993, %swap3A_994], %gather3A_968 {strides = array<i32>} : memref<2x89x256xf32, #tpu.memory_space<vmem>>, vector<16xf32>,
      %swap3A_996 = arith.constant 0 : i32
      %swap3A_997 = arith.constant 65 : i32
      %swap3A_998 = arith.index_cast %swap3A_996 : i32 to index
      %swap3A_999 = arith.index_cast %swap3A_997 : i32 to index
      %swap3A_1000 = arith.index_cast %mul3A_264 : i32 to index
      %swap3A_1001 = tpu.vector_load %arg37[%swap3A_998, %swap3A_999, %swap3A_1000] {strides = array<i32>} : memref<2x89x256xf32, #tpu.memory_space<vmem>>, vector<16xf32>,
      tpu.vector_store %arg37[%swap3A_998, %swap3A_999, %swap3A_1000], %gather3A_971 {strides = array<i32>} : memref<2x89x256xf32, #tpu.memory_space<vmem>>, vector<16xf32>,
      %swap3A_1002 = arith.constant 0 : i32
      %swap3A_1003 = arith.constant 66 : i32
      %swap3A_1004 = arith.index_cast %swap3A_1002 : i32 to index
      %swap3A_1005 = arith.index_cast %swap3A_1003 : i32 to index
      %swap3A_1006 = arith.index_cast %mul3A_264 : i32 to index
      %swap3A_1007 = tpu.vector_load %arg37[%swap3A_1004, %swap3A_1005, %swap3A_1006] {strides = array<i32>} : memref<2x89x256xf32, #tpu.memory_space<vmem>>, vector<16xf32>,
      tpu.vector_store %arg37[%swap3A_1004, %swap3A_1005, %swap3A_1006], %gather3A_974 {strides = array<i32>} : memref<2x89x256xf32, #tpu.memory_space<vmem>>, vector<16xf32>,
      %swap3A_1008 = arith.constant 0 : i32
      %swap3A_1009 = arith.constant 67 : i32
      %swap3A_1010 = arith.index_cast %swap3A_1008 : i32 to index
      %swap3A_1011 = arith.index_cast %swap3A_1009 : i32 to index
      %swap3A_1012 = arith.index_cast %mul3A_264 : i32 to index
      %swap3A_1013 = tpu.vector_load %arg37[%swap3A_1010, %swap3A_1011, %swap3A_1012] {strides = array<i32>} : memref<2x89x256xf32, #tpu.memory_space<vmem>>, vector<16xf32>,
      tpu.vector_store %arg37[%swap3A_1010, %swap3A_1011, %swap3A_1012], %gather3A_977 {strides = array<i32>} : memref<2x89x256xf32, #tpu.memory_space<vmem>>, vector<16xf32>,
      %swap3A_1014 = arith.constant 0 : i32
      %swap3A_1015 = arith.constant 68 : i32
      %swap3A_1016 = arith.index_cast %swap3A_1014 : i32 to index
      %swap3A_1017 = arith.index_cast %swap3A_1015 : i32 to index
      %swap3A_1018 = arith.index_cast %mul3A_264 : i32 to index
      %swap3A_1019 = tpu.vector_load %arg37[%swap3A_1016, %swap3A_1017, %swap3A_1018] {strides = array<i32>} : memref<2x89x256xf32, #tpu.memory_space<vmem>>, vector<16xf32>,
      tpu.vector_store %arg37[%swap3A_1016, %swap3A_1017, %swap3A_1018], %gather3A_980 {strides = array<i32>} : memref<2x89x256xf32, #tpu.memory_space<vmem>>, vector<16xf32>,
      %swap3A_1020 = arith.constant 0 : i32
      %swap3A_1021 = arith.constant 69 : i32
      %swap3A_1022 = arith.index_cast %swap3A_1020 : i32 to index
      %swap3A_1023 = arith.index_cast %swap3A_1021 : i32 to index
      %swap3A_1024 = arith.index_cast %mul3A_264 : i32 to index
      %swap3A_1025 = tpu.vector_load %arg37[%swap3A_1022, %swap3A_1023, %swap3A_1024] {strides = array<i32>} : memref<2x89x256xf32, #tpu.memory_space<vmem>>, vector<16xf32>,
      tpu.vector_store %arg37[%swap3A_1022, %swap3A_1023, %swap3A_1024], %gather3A_983 {strides = array<i32>} : memref<2x89x256xf32, #tpu.memory_space<vmem>>, vector<16xf32>,
      %swap3A_1026 = arith.constant 0 : i32
      %swap3A_1027 = arith.constant 70 : i32
      %swap3A_1028 = arith.index_cast %swap3A_1026 : i32 to index
      %swap3A_1029 = arith.index_cast %swap3A_1027 : i32 to index
      %swap3A_1030 = arith.index_cast %mul3A_264 : i32 to index
      %swap3A_1031 = tpu.vector_load %arg37[%swap3A_1028, %swap3A_1029, %swap3A_1030] {strides = array<i32>} : memref<2x89x256xf32, #tpu.memory_space<vmem>>, vector<16xf32>,
      tpu.vector_store %arg37[%swap3A_1028, %swap3A_1029, %swap3A_1030], %gather3A_986 {strides = array<i32>} : memref<2x89x256xf32, #tpu.memory_space<vmem>>, vector<16xf32>,
      %swap3A_1032 = arith.constant 0 : i32
      %swap3A_1033 = arith.constant 71 : i32
      %swap3A_1034 = arith.index_cast %swap3A_1032 : i32 to index
      %swap3A_1035 = arith.index_cast %swap3A_1033 : i32 to index
      %swap3A_1036 = arith.index_cast %mul3A_264 : i32 to index
      %swap3A_1037 = tpu.vector_load %arg37[%swap3A_1034, %swap3A_1035, %swap3A_1036] {strides = array<i32>} : memref<2x89x256xf32, #tpu.memory_space<vmem>>, vector<16xf32>,
      tpu.vector_store %arg37[%swap3A_1034, %swap3A_1035, %swap3A_1036], %gather3A_989 {strides = array<i32>} : memref<2x89x256xf32, #tpu.memory_space<vmem>>, vector<16xf32>,
      %broadcast_in_dim3A_1038 = arith.constant 7 : i32
      %broadcast_in_dim3A_1039 = vector.broadcast %broadcast_in_dim3A_1038 : i32 to vector<16xi32>
      %gather3A_1040 = tpu.vector_load_idx %arg32[%broadcast_in_dim3A_1039, %get3A_281] : memref<8x33xf32, #tpu.memory_space<vmem>>[vector<16xi32>, vector<16xi32>], vector<16xf32>,
      %broadcast_in_dim3A_1041 = arith.constant 0 : i32
      %broadcast_in_dim3A_1042 = vector.broadcast %broadcast_in_dim3A_1041 : i32 to vector<16xi32>
      %gather3A_1043 = tpu.vector_load_idx %arg33[%broadcast_in_dim3A_1042, %get3A_287] : memref<2x3xf32, #tpu.memory_space<vmem>>[vector<16xi32>, vector<16xi32>], vector<16xf32>,
      %broadcast_in_dim3A_1044 = arith.constant 1 : i32
      %broadcast_in_dim3A_1045 = vector.broadcast %broadcast_in_dim3A_1044 : i32 to vector<16xi32>
      %gather3A_1046 = tpu.vector_load_idx %arg33[%broadcast_in_dim3A_1045, %get3A_287] : memref<2x3xf32, #tpu.memory_space<vmem>>[vector<16xi32>, vector<16xi32>], vector<16xf32>,
      %broadcast_in_dim3A_1047 = arith.constant 0 : i32
      %broadcast_in_dim3A_1048 = vector.broadcast %broadcast_in_dim3A_1047 : i32 to vector<16xi32>
      %gather3A_1049 = tpu.vector_load_idx %arg34[%broadcast_in_dim3A_1048, %get3A_293] : memref<2x3xf32, #tpu.memory_space<vmem>>[vector<16xi32>, vector<16xi32>], vector<16xf32>,
      %broadcast_in_dim3A_1050 = arith.constant 1 : i32
      %broadcast_in_dim3A_1051 = vector.broadcast %broadcast_in_dim3A_1050 : i32 to vector<16xi32>
      %gather3A_1052 = tpu.vector_load_idx %arg34[%broadcast_in_dim3A_1051, %get3A_293] : memref<2x3xf32, #tpu.memory_space<vmem>>[vector<16xi32>, vector<16xi32>], vector<16xf32>,
      %broadcast_in_dim3A_1053 = arith.constant 0 : i32
      %broadcast_in_dim3A_1054 = vector.broadcast %broadcast_in_dim3A_1053 : i32 to vector<16xi32>
      %gather3A_1055 = tpu.vector_load_idx %arg35[%broadcast_in_dim3A_1054, %get3A_299] : memref<4x32xf32, #tpu.memory_space<vmem>>[vector<16xi32>, vector<16xi32>], vector<16xf32>,
      %broadcast_in_dim3A_1056 = arith.constant 1 : i32
      %broadcast_in_dim3A_1057 = vector.broadcast %broadcast_in_dim3A_1056 : i32 to vector<16xi32>
      %gather3A_1058 = tpu.vector_load_idx %arg35[%broadcast_in_dim3A_1057, %get3A_299] : memref<4x32xf32, #tpu.memory_space<vmem>>[vector<16xi32>, vector<16xi32>], vector<16xf32>,
      %broadcast_in_dim3A_1059 = arith.constant 2 : i32
      %broadcast_in_dim3A_1060 = vector.broadcast %broadcast_in_dim3A_1059 : i32 to vector<16xi32>
      %gather3A_1061 = tpu.vector_load_idx %arg35[%broadcast_in_dim3A_1060, %get3A_299] : memref<4x32xf32, #tpu.memory_space<vmem>>[vector<16xi32>, vector<16xi32>], vector<16xf32>,
      %swap3A_1062 = arith.constant 0 : i32
      %swap3A_1063 = arith.constant 72 : i32
      %swap3A_1064 = arith.index_cast %swap3A_1062 : i32 to index
      %swap3A_1065 = arith.index_cast %swap3A_1063 : i32 to index
      %swap3A_1066 = arith.index_cast %mul3A_264 : i32 to index
      %swap3A_1067 = tpu.vector_load %arg37[%swap3A_1064, %swap3A_1065, %swap3A_1066] {strides = array<i32>} : memref<2x89x256xf32, #tpu.memory_space<vmem>>, vector<16xf32>,
      tpu.vector_store %arg37[%swap3A_1064, %swap3A_1065, %swap3A_1066], %gather3A_1040 {strides = array<i32>} : memref<2x89x256xf32, #tpu.memory_space<vmem>>, vector<16xf32>,
      %swap3A_1068 = arith.constant 0 : i32
      %swap3A_1069 = arith.constant 73 : i32
      %swap3A_1070 = arith.index_cast %swap3A_1068 : i32 to index
      %swap3A_1071 = arith.index_cast %swap3A_1069 : i32 to index
      %swap3A_1072 = arith.index_cast %mul3A_264 : i32 to index
      %swap3A_1073 = tpu.vector_load %arg37[%swap3A_1070, %swap3A_1071, %swap3A_1072] {strides = array<i32>} : memref<2x89x256xf32, #tpu.memory_space<vmem>>, vector<16xf32>,
      tpu.vector_store %arg37[%swap3A_1070, %swap3A_1071, %swap3A_1072], %gather3A_1043 {strides = array<i32>} : memref<2x89x256xf32, #tpu.memory_space<vmem>>, vector<16xf32>,
      %swap3A_1074 = arith.constant 0 : i32
      %swap3A_1075 = arith.constant 74 : i32
      %swap3A_1076 = arith.index_cast %swap3A_1074 : i32 to index
      %swap3A_1077 = arith.index_cast %swap3A_1075 : i32 to index
      %swap3A_1078 = arith.index_cast %mul3A_264 : i32 to index
      %swap3A_1079 = tpu.vector_load %arg37[%swap3A_1076, %swap3A_1077, %swap3A_1078] {strides = array<i32>} : memref<2x89x256xf32, #tpu.memory_space<vmem>>, vector<16xf32>,
      tpu.vector_store %arg37[%swap3A_1076, %swap3A_1077, %swap3A_1078], %gather3A_1046 {strides = array<i32>} : memref<2x89x256xf32, #tpu.memory_space<vmem>>, vector<16xf32>,
      %swap3A_1080 = arith.constant 0 : i32
      %swap3A_1081 = arith.constant 75 : i32
      %swap3A_1082 = arith.index_cast %swap3A_1080 : i32 to index
      %swap3A_1083 = arith.index_cast %swap3A_1081 : i32 to index
      %swap3A_1084 = arith.index_cast %mul3A_264 : i32 to index
      %swap3A_1085 = tpu.vector_load %arg37[%swap3A_1082, %swap3A_1083, %swap3A_1084] {strides = array<i32>} : memref<2x89x256xf32, #tpu.memory_space<vmem>>, vector<16xf32>,
      tpu.vector_store %arg37[%swap3A_1082, %swap3A_1083, %swap3A_1084], %gather3A_1049 {strides = array<i32>} : memref<2x89x256xf32, #tpu.memory_space<vmem>>, vector<16xf32>,
      %swap3A_1086 = arith.constant 0 : i32
      %swap3A_1087 = arith.constant 76 : i32
      %swap3A_1088 = arith.index_cast %swap3A_1086 : i32 to index
      %swap3A_1089 = arith.index_cast %swap3A_1087 : i32 to index
      %swap3A_1090 = arith.index_cast %mul3A_264 : i32 to index
      %swap3A_1091 = tpu.vector_load %arg37[%swap3A_1088, %swap3A_1089, %swap3A_1090] {strides = array<i32>} : memref<2x89x256xf32, #tpu.memory_space<vmem>>, vector<16xf32>,
      tpu.vector_store %arg37[%swap3A_1088, %swap3A_1089, %swap3A_1090], %gather3A_1052 {strides = array<i32>} : memref<2x89x256xf32, #tpu.memory_space<vmem>>, vector<16xf32>,
      %swap3A_1092 = arith.constant 0 : i32
      %swap3A_1093 = arith.constant 77 : i32
      %swap3A_1094 = arith.index_cast %swap3A_1092 : i32 to index
      %swap3A_1095 = arith.index_cast %swap3A_1093 : i32 to index
      %swap3A_1096 = arith.index_cast %mul3A_264 : i32 to index
      %swap3A_1097 = tpu.vector_load %arg37[%swap3A_1094, %swap3A_1095, %swap3A_1096] {strides = array<i32>} : memref<2x89x256xf32, #tpu.memory_space<vmem>>, vector<16xf32>,
      tpu.vector_store %arg37[%swap3A_1094, %swap3A_1095, %swap3A_1096], %gather3A_1055 {strides = array<i32>} : memref<2x89x256xf32, #tpu.memory_space<vmem>>, vector<16xf32>,
      %swap3A_1098 = arith.constant 0 : i32
      %swap3A_1099 = arith.constant 78 : i32
      %swap3A_1100 = arith.index_cast %swap3A_1098 : i32 to index
      %swap3A_1101 = arith.index_cast %swap3A_1099 : i32 to index
      %swap3A_1102 = arith.index_cast %mul3A_264 : i32 to index
      %swap3A_1103 = tpu.vector_load %arg37[%swap3A_1100, %swap3A_1101, %swap3A_1102] {strides = array<i32>} : memref<2x89x256xf32, #tpu.memory_space<vmem>>, vector<16xf32>,
      tpu.vector_store %arg37[%swap3A_1100, %swap3A_1101, %swap3A_1102], %gather3A_1058 {strides = array<i32>} : memref<2x89x256xf32, #tpu.memory_space<vmem>>, vector<16xf32>,
      %swap3A_1104 = arith.constant 0 : i32
      %swap3A_1105 = arith.constant 79 : i32
      %swap3A_1106 = arith.index_cast %swap3A_1104 : i32 to index
      %swap3A_1107 = arith.index_cast %swap3A_1105 : i32 to index
      %swap3A_1108 = arith.index_cast %mul3A_264 : i32 to index
      %swap3A_1109 = tpu.vector_load %arg37[%swap3A_1106, %swap3A_1107, %swap3A_1108] {strides = array<i32>} : memref<2x89x256xf32, #tpu.memory_space<vmem>>, vector<16xf32>,
      tpu.vector_store %arg37[%swap3A_1106, %swap3A_1107, %swap3A_1108], %gather3A_1061 {strides = array<i32>} : memref<2x89x256xf32, #tpu.memory_space<vmem>>, vector<16xf32>,
      %broadcast_in_dim3A_1110 = arith.constant 3 : i32
      %broadcast_in_dim3A_1111 = vector.broadcast %broadcast_in_dim3A_1110 : i32 to vector<16xi32>
      %gather3A_1112 = tpu.vector_load_idx %arg35[%broadcast_in_dim3A_1111, %get3A_299] : memref<4x32xf32, #tpu.memory_space<vmem>>[vector<16xi32>, vector<16xi32>], vector<16xf32>,
      %broadcast_in_dim3A_1113 = arith.constant 0 : i32
      %broadcast_in_dim3A_1114 = vector.broadcast %broadcast_in_dim3A_1113 : i32 to vector<16xi32>
      %gather3A_1115 = tpu.vector_load_idx %arg36[%broadcast_in_dim3A_1114, %get3A_305] : memref<8x64xf32, #tpu.memory_space<vmem>>[vector<16xi32>, vector<16xi32>], vector<16xf32>,
      %broadcast_in_dim3A_1116 = arith.constant 1 : i32
      %broadcast_in_dim3A_1117 = vector.broadcast %broadcast_in_dim3A_1116 : i32 to vector<16xi32>
      %gather3A_1118 = tpu.vector_load_idx %arg36[%broadcast_in_dim3A_1117, %get3A_305] : memref<8x64xf32, #tpu.memory_space<vmem>>[vector<16xi32>, vector<16xi32>], vector<16xf32>,
      %broadcast_in_dim3A_1119 = arith.constant 2 : i32
      %broadcast_in_dim3A_1120 = vector.broadcast %broadcast_in_dim3A_1119 : i32 to vector<16xi32>
      %gather3A_1121 = tpu.vector_load_idx %arg36[%broadcast_in_dim3A_1120, %get3A_305] : memref<8x64xf32, #tpu.memory_space<vmem>>[vector<16xi32>, vector<16xi32>], vector<16xf32>,
      %broadcast_in_dim3A_1122 = arith.constant 3 : i32
      %broadcast_in_dim3A_1123 = vector.broadcast %broadcast_in_dim3A_1122 : i32 to vector<16xi32>
      %gather3A_1124 = tpu.vector_load_idx %arg36[%broadcast_in_dim3A_1123, %get3A_305] : memref<8x64xf32, #tpu.memory_space<vmem>>[vector<16xi32>, vector<16xi32>], vector<16xf32>,
      %broadcast_in_dim3A_1125 = arith.constant 4 : i32
      %broadcast_in_dim3A_1126 = vector.broadcast %broadcast_in_dim3A_1125 : i32 to vector<16xi32>
      %gather3A_1127 = tpu.vector_load_idx %arg36[%broadcast_in_dim3A_1126, %get3A_305] : memref<8x64xf32, #tpu.memory_space<vmem>>[vector<16xi32>, vector<16xi32>], vector<16xf32>,
      %broadcast_in_dim3A_1128 = arith.constant 5 : i32
      %broadcast_in_dim3A_1129 = vector.broadcast %broadcast_in_dim3A_1128 : i32 to vector<16xi32>
      %gather3A_1130 = tpu.vector_load_idx %arg36[%broadcast_in_dim3A_1129, %get3A_305] : memref<8x64xf32, #tpu.memory_space<vmem>>[vector<16xi32>, vector<16xi32>], vector<16xf32>,
      %broadcast_in_dim3A_1131 = arith.constant 6 : i32
      %broadcast_in_dim3A_1132 = vector.broadcast %broadcast_in_dim3A_1131 : i32 to vector<16xi32>
      %gather3A_1133 = tpu.vector_load_idx %arg36[%broadcast_in_dim3A_1132, %get3A_305] : memref<8x64xf32, #tpu.memory_space<vmem>>[vector<16xi32>, vector<16xi32>], vector<16xf32>,
      %swap3A_1134 = arith.constant 0 : i32
      %swap3A_1135 = arith.constant 80 : i32
      %swap3A_1136 = arith.index_cast %swap3A_1134 : i32 to index
      %swap3A_1137 = arith.index_cast %swap3A_1135 : i32 to index
      %swap3A_1138 = arith.index_cast %mul3A_264 : i32 to index
      %swap3A_1139 = tpu.vector_load %arg37[%swap3A_1136, %swap3A_1137, %swap3A_1138] {strides = array<i32>} : memref<2x89x256xf32, #tpu.memory_space<vmem>>, vector<16xf32>,
      tpu.vector_store %arg37[%swap3A_1136, %swap3A_1137, %swap3A_1138], %gather3A_1112 {strides = array<i32>} : memref<2x89x256xf32, #tpu.memory_space<vmem>>, vector<16xf32>,
      %swap3A_1140 = arith.constant 0 : i32
      %swap3A_1141 = arith.constant 81 : i32
      %swap3A_1142 = arith.index_cast %swap3A_1140 : i32 to index
      %swap3A_1143 = arith.index_cast %swap3A_1141 : i32 to index
      %swap3A_1144 = arith.index_cast %mul3A_264 : i32 to index
      %swap3A_1145 = tpu.vector_load %arg37[%swap3A_1142, %swap3A_1143, %swap3A_1144] {strides = array<i32>} : memref<2x89x256xf32, #tpu.memory_space<vmem>>, vector<16xf32>,
      tpu.vector_store %arg37[%swap3A_1142, %swap3A_1143, %swap3A_1144], %gather3A_1115 {strides = array<i32>} : memref<2x89x256xf32, #tpu.memory_space<vmem>>, vector<16xf32>,
      %swap3A_1146 = arith.constant 0 : i32
      %swap3A_1147 = arith.constant 82 : i32
      %swap3A_1148 = arith.index_cast %swap3A_1146 : i32 to index
      %swap3A_1149 = arith.index_cast %swap3A_1147 : i32 to index
      %swap3A_1150 = arith.index_cast %mul3A_264 : i32 to index
      %swap3A_1151 = tpu.vector_load %arg37[%swap3A_1148, %swap3A_1149, %swap3A_1150] {strides = array<i32>} : memref<2x89x256xf32, #tpu.memory_space<vmem>>, vector<16xf32>,
      tpu.vector_store %arg37[%swap3A_1148, %swap3A_1149, %swap3A_1150], %gather3A_1118 {strides = array<i32>} : memref<2x89x256xf32, #tpu.memory_space<vmem>>, vector<16xf32>,
      %swap3A_1152 = arith.constant 0 : i32
      %swap3A_1153 = arith.constant 83 : i32
      %swap3A_1154 = arith.index_cast %swap3A_1152 : i32 to index
      %swap3A_1155 = arith.index_cast %swap3A_1153 : i32 to index
      %swap3A_1156 = arith.index_cast %mul3A_264 : i32 to index
      %swap3A_1157 = tpu.vector_load %arg37[%swap3A_1154, %swap3A_1155, %swap3A_1156] {strides = array<i32>} : memref<2x89x256xf32, #tpu.memory_space<vmem>>, vector<16xf32>,
      tpu.vector_store %arg37[%swap3A_1154, %swap3A_1155, %swap3A_1156], %gather3A_1121 {strides = array<i32>} : memref<2x89x256xf32, #tpu.memory_space<vmem>>, vector<16xf32>,
      %swap3A_1158 = arith.constant 0 : i32
      %swap3A_1159 = arith.constant 84 : i32
      %swap3A_1160 = arith.index_cast %swap3A_1158 : i32 to index
      %swap3A_1161 = arith.index_cast %swap3A_1159 : i32 to index
      %swap3A_1162 = arith.index_cast %mul3A_264 : i32 to index
      %swap3A_1163 = tpu.vector_load %arg37[%swap3A_1160, %swap3A_1161, %swap3A_1162] {strides = array<i32>} : memref<2x89x256xf32, #tpu.memory_space<vmem>>, vector<16xf32>,
      tpu.vector_store %arg37[%swap3A_1160, %swap3A_1161, %swap3A_1162], %gather3A_1124 {strides = array<i32>} : memref<2x89x256xf32, #tpu.memory_space<vmem>>, vector<16xf32>,
      %swap3A_1164 = arith.constant 0 : i32
      %swap3A_1165 = arith.constant 85 : i32
      %swap3A_1166 = arith.index_cast %swap3A_1164 : i32 to index
      %swap3A_1167 = arith.index_cast %swap3A_1165 : i32 to index
      %swap3A_1168 = arith.index_cast %mul3A_264 : i32 to index
      %swap3A_1169 = tpu.vector_load %arg37[%swap3A_1166, %swap3A_1167, %swap3A_1168] {strides = array<i32>} : memref<2x89x256xf32, #tpu.memory_space<vmem>>, vector<16xf32>,
      tpu.vector_store %arg37[%swap3A_1166, %swap3A_1167, %swap3A_1168], %gather3A_1127 {strides = array<i32>} : memref<2x89x256xf32, #tpu.memory_space<vmem>>, vector<16xf32>,
      %swap3A_1170 = arith.constant 0 : i32
      %swap3A_1171 = arith.constant 86 : i32
      %swap3A_1172 = arith.index_cast %swap3A_1170 : i32 to index
      %swap3A_1173 = arith.index_cast %swap3A_1171 : i32 to index
      %swap3A_1174 = arith.index_cast %mul3A_264 : i32 to index
      %swap3A_1175 = tpu.vector_load %arg37[%swap3A_1172, %swap3A_1173, %swap3A_1174] {strides = array<i32>} : memref<2x89x256xf32, #tpu.memory_space<vmem>>, vector<16xf32>,
      tpu.vector_store %arg37[%swap3A_1172, %swap3A_1173, %swap3A_1174], %gather3A_1130 {strides = array<i32>} : memref<2x89x256xf32, #tpu.memory_space<vmem>>, vector<16xf32>,
      %swap3A_1176 = arith.constant 0 : i32
      %swap3A_1177 = arith.constant 87 : i32
      %swap3A_1178 = arith.index_cast %swap3A_1176 : i32 to index
      %swap3A_1179 = arith.index_cast %swap3A_1177 : i32 to index
      %swap3A_1180 = arith.index_cast %mul3A_264 : i32 to index
      %swap3A_1181 = tpu.vector_load %arg37[%swap3A_1178, %swap3A_1179, %swap3A_1180] {strides = array<i32>} : memref<2x89x256xf32, #tpu.memory_space<vmem>>, vector<16xf32>,
      tpu.vector_store %arg37[%swap3A_1178, %swap3A_1179, %swap3A_1180], %gather3A_1133 {strides = array<i32>} : memref<2x89x256xf32, #tpu.memory_space<vmem>>, vector<16xf32>,
      %broadcast_in_dim3A_1182 = arith.constant 7 : i32
      %broadcast_in_dim3A_1183 = vector.broadcast %broadcast_in_dim3A_1182 : i32 to vector<16xi32>
      %gather3A_1184 = tpu.vector_load_idx %arg36[%broadcast_in_dim3A_1183, %get3A_305] : memref<8x64xf32, #tpu.memory_space<vmem>>[vector<16xi32>, vector<16xi32>], vector<16xf32>,
      %swap3A_1185 = arith.constant 0 : i32
      %swap3A_1186 = arith.constant 88 : i32
      %swap3A_1187 = arith.index_cast %swap3A_1185 : i32 to index
      %swap3A_1188 = arith.index_cast %swap3A_1186 : i32 to index
      %swap3A_1189 = arith.index_cast %mul3A_264 : i32 to index
      %swap3A_1190 = tpu.vector_load %arg37[%swap3A_1187, %swap3A_1188, %swap3A_1189] {strides = array<i32>} : memref<2x89x256xf32, #tpu.memory_space<vmem>>, vector<16xf32>,
      tpu.vector_store %arg37[%swap3A_1187, %swap3A_1188, %swap3A_1189], %gather3A_1184 {strides = array<i32>} : memref<2x89x256xf32, #tpu.memory_space<vmem>>, vector<16xf32>,
    }
    %scan3A_162 = arith.constant 16 : i32
    %dma_start3A_163 = arith.constant 0 : i32
    %dma_start3A_164 = arith.constant 0 : i32
    %dma_start3A_165 = arith.constant 0 : i32
    %dma_start3A_166 = tpu.memref_slice %arg37[%dma_start3A_163, %dma_start3A_164, %dma_start3A_165] : memref<2x89x256xf32, #tpu.memory_space<vmem>> -> memref<1x89x256xf32, #tpu.memory_space<vmem>>
    %dma_start3A_167 = tpu.memref_squeeze %dma_start3A_166 : memref<1x89x256xf32, #tpu.memory_space<vmem>> -> memref<89x256xf32, #tpu.memory_space<vmem>>
    %dma_start3A_168 = arith.constant 0 : i32
    %dma_start3A_169 = tpu.memref_slice %arg19[%dma_start3A_168, %mul3A_2] : memref<89x16384xf32, #tpu.memory_space<hbm>> -> memref<89x256xf32, #tpu.memory_space<hbm>>
    %dma_start3A_170 = arith.constant 0 : i32
    %dma_start3A_171 = tpu.memref_slice %arg19[%dma_start3A_170, %mul3A_2] : memref<89x16384xf32, #tpu.memory_space<hbm>> -> memref<89x256xf32, #tpu.memory_space<hbm>>
    %dma_start3A_172 = arith.constant 0 : i32
    %dma_start3A_173 = arith.constant 0 : i32
    %dma_start3A_174 = tpu.memref_slice %arg37[%dma_start3A_163, %dma_start3A_172, %dma_start3A_173] : memref<2x89x256xf32, #tpu.memory_space<vmem>> -> memref<1x89x256xf32, #tpu.memory_space<vmem>>
    %dma_start3A_175 = tpu.memref_squeeze %dma_start3A_174 : memref<1x89x256xf32, #tpu.memory_space<vmem>> -> memref<89x256xf32, #tpu.memory_space<vmem>>
    tpu.enqueue_dma source(%dma_start3A_175 : memref<89x256xf32, #tpu.memory_space<vmem>>) target(%dma_start3A_171 : memref<89x256xf32, #tpu.memory_space<hbm>>) target_semaphore(%arg40 : memref<!tpu.dma_semaphore, #tpu.memory_space<semaphore_mem>>)
    %dma_wait3A_176 = arith.constant 1 : i32
    %dma_wait3A_177 = arith.constant 0 : i32
    %dma_wait3A_178 = arith.constant 0 : i32
    %dma_wait3A_179 = tpu.memref_slice %arg20[%dma_wait3A_176, %dma_wait3A_177, %dma_wait3A_178] : memref<2x13x256xf32, #tpu.memory_space<vmem>> -> memref<1x13x256xf32, #tpu.memory_space<vmem>>
    %dma_wait3A_180 = tpu.memref_squeeze %dma_wait3A_179 : memref<1x13x256xf32, #tpu.memory_space<vmem>> -> memref<13x256xf32, #tpu.memory_space<vmem>>
    %dma_wait3A_181 = arith.constant 0 : i32
    %dma_wait3A_182 = tpu.memref_slice %arg2[%dma_wait3A_181, %add3A_62] : memref<13x16384xf32, #tpu.memory_space<hbm>> -> memref<13x256xf32, #tpu.memory_space<hbm>>
    %dma_wait3A_183 = arith.constant 0 : i32
    %dma_wait3A_184 = arith.constant 0 : i32
    %dma_wait3A_185 = tpu.memref_slice %arg20[%dma_wait3A_176, %dma_wait3A_183, %dma_wait3A_184] : memref<2x13x256xf32, #tpu.memory_space<vmem>> -> memref<1x13x256xf32, #tpu.memory_space<vmem>>
    %dma_wait3A_186 = tpu.memref_squeeze %dma_wait3A_185 : memref<1x13x256xf32, #tpu.memory_space<vmem>> -> memref<13x256xf32, #tpu.memory_space<vmem>>
    %dma_wait3A_187 = arith.constant 0 : i32
    %dma_wait3A_188 = tpu.memref_slice %arg2[%dma_wait3A_187, %add3A_62] : memref<13x16384xf32, #tpu.memory_space<hbm>> -> memref<13x256xf32, #tpu.memory_space<hbm>>
    tpu.wait_dma2 semaphore(%arg39 : memref<!tpu.dma_semaphore, #tpu.memory_space<semaphore_mem>>) src(%dma_wait3A_188 : memref<13x256xf32, #tpu.memory_space<hbm>>) dst(%dma_wait3A_186 : memref<13x256xf32, #tpu.memory_space<vmem>>)
    %dma_wait3A_189 = arith.constant 1 : i32
    %dma_wait3A_190 = arith.constant 0 : i32
    %dma_wait3A_191 = arith.constant 0 : i32
    %dma_wait3A_192 = tpu.memref_slice %arg21[%dma_wait3A_189, %dma_wait3A_190, %dma_wait3A_191] : memref<2x3x256xf32, #tpu.memory_space<vmem>> -> memref<1x3x256xf32, #tpu.memory_space<vmem>>
    %dma_wait3A_193 = tpu.memref_squeeze %dma_wait3A_192 : memref<1x3x256xf32, #tpu.memory_space<vmem>> -> memref<3x256xf32, #tpu.memory_space<vmem>>
    %dma_wait3A_194 = arith.constant 0 : i32
    %dma_wait3A_195 = tpu.memref_slice %arg3[%dma_wait3A_194, %add3A_77] : memref<3x16384xf32, #tpu.memory_space<hbm>> -> memref<3x256xf32, #tpu.memory_space<hbm>>
    %dma_wait3A_196 = arith.constant 0 : i32
    %dma_wait3A_197 = arith.constant 0 : i32
    %dma_wait3A_198 = tpu.memref_slice %arg21[%dma_wait3A_189, %dma_wait3A_196, %dma_wait3A_197] : memref<2x3x256xf32, #tpu.memory_space<vmem>> -> memref<1x3x256xf32, #tpu.memory_space<vmem>>
    %dma_wait3A_199 = tpu.memref_squeeze %dma_wait3A_198 : memref<1x3x256xf32, #tpu.memory_space<vmem>> -> memref<3x256xf32, #tpu.memory_space<vmem>>
    %dma_wait3A_200 = arith.constant 0 : i32
    %dma_wait3A_201 = tpu.memref_slice %arg3[%dma_wait3A_200, %add3A_77] : memref<3x16384xf32, #tpu.memory_space<hbm>> -> memref<3x256xf32, #tpu.memory_space<hbm>>
    tpu.wait_dma2 semaphore(%arg39 : memref<!tpu.dma_semaphore, #tpu.memory_space<semaphore_mem>>) src(%dma_wait3A_201 : memref<3x256xf32, #tpu.memory_space<hbm>>) dst(%dma_wait3A_199 : memref<3x256xf32, #tpu.memory_space<vmem>>)
    %dma_wait3A_202 = arith.constant 1 : i32
    %dma_wait3A_203 = arith.constant 0 : i32
    %dma_wait3A_204 = arith.constant 0 : i32
    %dma_wait3A_205 = tpu.memref_slice %arg22[%dma_wait3A_202, %dma_wait3A_203, %dma_wait3A_204] : memref<2x13x256xf32, #tpu.memory_space<vmem>> -> memref<1x13x256xf32, #tpu.memory_space<vmem>>
    %dma_wait3A_206 = tpu.memref_squeeze %dma_wait3A_205 : memref<1x13x256xf32, #tpu.memory_space<vmem>> -> memref<13x256xf32, #tpu.memory_space<vmem>>
    %dma_wait3A_207 = arith.constant 0 : i32
    %dma_wait3A_208 = tpu.memref_slice %arg4[%dma_wait3A_207, %add3A_92] : memref<13x16384xf32, #tpu.memory_space<hbm>> -> memref<13x256xf32, #tpu.memory_space<hbm>>
    %dma_wait3A_209 = arith.constant 0 : i32
    %dma_wait3A_210 = arith.constant 0 : i32
    %dma_wait3A_211 = tpu.memref_slice %arg22[%dma_wait3A_202, %dma_wait3A_209, %dma_wait3A_210] : memref<2x13x256xf32, #tpu.memory_space<vmem>> -> memref<1x13x256xf32, #tpu.memory_space<vmem>>
    %dma_wait3A_212 = tpu.memref_squeeze %dma_wait3A_211 : memref<1x13x256xf32, #tpu.memory_space<vmem>> -> memref<13x256xf32, #tpu.memory_space<vmem>>
    %dma_wait3A_213 = arith.constant 0 : i32
    %dma_wait3A_214 = tpu.memref_slice %arg4[%dma_wait3A_213, %add3A_92] : memref<13x16384xf32, #tpu.memory_space<hbm>> -> memref<13x256xf32, #tpu.memory_space<hbm>>
    tpu.wait_dma2 semaphore(%arg39 : memref<!tpu.dma_semaphore, #tpu.memory_space<semaphore_mem>>) src(%dma_wait3A_214 : memref<13x256xf32, #tpu.memory_space<hbm>>) dst(%dma_wait3A_212 : memref<13x256xf32, #tpu.memory_space<vmem>>)
    %scan3A_215 = arith.constant 0 : i32
    %scan3A_216 = arith.constant 0 : i32
    %scan3A_217 = arith.constant 16 : i32
    %scan3A_218 = arith.addi %scan3A_216, %scan3A_217 : i32
    %scan3A_219 = arith.constant 1 : i32
    scf.for %scan3A_262 = %scan3A_216 to %scan3A_218 step %scan3A_219  : i32 {
      %mul3A_263 = arith.constant 16 : i32
      %mul3A_264 = arith.muli %scan3A_262, %mul3A_263 : i32
      %mul3A_265 = arith.constant 16 : i32
      %mul3A_266 = arith.muli %scan3A_262, %mul3A_265 : i32
      %add3A_267 = arith.constant 256 : i32
      %add3A_268 = arith.addi %add3A_267, %mul3A_266 : i32
      %get3A = arith.index_cast %add3A_268 : i32 to index
      %get3A_269 = tpu.vector_load %arg23[%get3A] {strides = array<i32>} : memref<512xi32, #tpu.memory_space<vmem>>, vector<16xi32>,
      %mul3A_270 = arith.constant 16 : i32
      %mul3A_271 = arith.muli %scan3A_262, %mul3A_270 : i32
      %add3A_272 = arith.constant 256 : i32
      %add3A_273 = arith.addi %add3A_272, %mul3A_271 : i32
      %get3A_274 = arith.index_cast %add3A_273 : i32 to index
      %get3A_275 = tpu.vector_load %arg24[%get3A_274] {strides = array<i32>} : memref<512xi32, #tpu.memory_space<vmem>>, vector<16xi32>,
      %mul3A_276 = arith.constant 16 : i32
      %mul3A_277 = arith.muli %scan3A_262, %mul3A_276 : i32
      %add3A_278 = arith.constant 256 : i32
      %add3A_279 = arith.addi %add3A_278, %mul3A_277 : i32
      %get3A_280 = arith.index_cast %add3A_279 : i32 to index
      %get3A_281 = tpu.vector_load %arg25[%get3A_280] {strides = array<i32>} : memref<512xi32, #tpu.memory_space<vmem>>, vector<16xi32>,
      %mul3A_282 = arith.constant 16 : i32
      %mul3A_283 = arith.muli %scan3A_262, %mul3A_282 : i32
      %add3A_284 = arith.constant 256 : i32
      %add3A_285 = arith.addi %add3A_284, %mul3A_283 : i32
      %get3A_286 = arith.index_cast %add3A_285 : i32 to index
      %get3A_287 = tpu.vector_load %arg26[%get3A_286] {strides = array<i32>} : memref<512xi32, #tpu.memory_space<vmem>>, vector<16xi32>,
      %mul3A_288 = arith.constant 16 : i32
      %mul3A_289 = arith.muli %scan3A_262, %mul3A_288 : i32
      %add3A_290 = arith.constant 256 : i32
      %add3A_291 = arith.addi %add3A_290, %mul3A_289 : i32
      %get3A_292 = arith.index_cast %add3A_291 : i32 to index
      %get3A_293 = tpu.vector_load %arg27[%get3A_292] {strides = array<i32>} : memref<512xi32, #tpu.memory_space<vmem>>, vector<16xi32>,
      %mul3A_294 = arith.constant 16 : i32
      %mul3A_295 = arith.muli %scan3A_262, %mul3A_294 : i32
      %add3A_296 = arith.constant 256 : i32
      %add3A_297 = arith.addi %add3A_296, %mul3A_295 : i32
      %get3A_298 = arith.index_cast %add3A_297 : i32 to index
      %get3A_299 = tpu.vector_load %arg28[%get3A_298] {strides = array<i32>} : memref<512xi32, #tpu.memory_space<vmem>>, vector<16xi32>,
      %mul3A_300 = arith.constant 16 : i32
      %mul3A_301 = arith.muli %scan3A_262, %mul3A_300 : i32
      %add3A_302 = arith.constant 256 : i32
      %add3A_303 = arith.addi %add3A_302, %mul3A_301 : i32
      %get3A_304 = arith.index_cast %add3A_303 : i32 to index
      %get3A_305 = tpu.vector_load %arg29[%get3A_304] {strides = array<i32>} : memref<512xi32, #tpu.memory_space<vmem>>, vector<16xi32>,
      %get3A_306 = arith.constant 1 : i32
      %get3A_307 = arith.constant 0 : i32
      %get3A_308 = arith.index_cast %get3A_306 : i32 to index
      %get3A_309 = arith.index_cast %get3A_307 : i32 to index
      %get3A_310 = arith.index_cast %mul3A_264 : i32 to index
      %get3A_311 = tpu.vector_load %arg20[%get3A_308, %get3A_309, %get3A_310] {strides = array<i32>} : memref<2x13x256xf32, #tpu.memory_space<vmem>>, vector<16xf32>,
      %get3A_312 = arith.constant 1 : i32
      %get3A_313 = arith.constant 1 : i32
      %get3A_314 = arith.index_cast %get3A_312 : i32 to index
      %get3A_315 = arith.index_cast %get3A_313 : i32 to index
      %get3A_316 = arith.index_cast %mul3A_264 : i32 to index
      %get3A_317 = tpu.vector_load %arg20[%get3A_314, %get3A_315, %get3A_316] {strides = array<i32>} : memref<2x13x256xf32, #tpu.memory_space<vmem>>, vector<16xf32>,
      %get3A_318 = arith.constant 1 : i32
      %get3A_319 = arith.constant 2 : i32
      %get3A_320 = arith.index_cast %get3A_318 : i32 to index
      %get3A_321 = arith.index_cast %get3A_319 : i32 to index
      %get3A_322 = arith.index_cast %mul3A_264 : i32 to index
      %get3A_323 = tpu.vector_load %arg20[%get3A_320, %get3A_321, %get3A_322] {strides = array<i32>} : memref<2x13x256xf32, #tpu.memory_space<vmem>>, vector<16xf32>,
      %get3A_324 = arith.constant 1 : i32
      %get3A_325 = arith.constant 3 : i32
      %get3A_326 = arith.index_cast %get3A_324 : i32 to index
      %get3A_327 = arith.index_cast %get3A_325 : i32 to index
      %get3A_328 = arith.index_cast %mul3A_264 : i32 to index
      %get3A_329 = tpu.vector_load %arg20[%get3A_326, %get3A_327, %get3A_328] {strides = array<i32>} : memref<2x13x256xf32, #tpu.memory_space<vmem>>, vector<16xf32>,
      %get3A_330 = arith.constant 1 : i32
      %get3A_331 = arith.constant 4 : i32
      %get3A_332 = arith.index_cast %get3A_330 : i32 to index
      %get3A_333 = arith.index_cast %get3A_331 : i32 to index
      %get3A_334 = arith.index_cast %mul3A_264 : i32 to index
      %get3A_335 = tpu.vector_load %arg20[%get3A_332, %get3A_333, %get3A_334] {strides = array<i32>} : memref<2x13x256xf32, #tpu.memory_space<vmem>>, vector<16xf32>,
      %get3A_336 = arith.constant 1 : i32
      %get3A_337 = arith.constant 5 : i32
      %get3A_338 = arith.index_cast %get3A_336 : i32 to index
      %get3A_339 = arith.index_cast %get3A_337 : i32 to index
      %get3A_340 = arith.index_cast %mul3A_264 : i32 to index
      %get3A_341 = tpu.vector_load %arg20[%get3A_338, %get3A_339, %get3A_340] {strides = array<i32>} : memref<2x13x256xf32, #tpu.memory_space<vmem>>, vector<16xf32>,
      %get3A_342 = arith.constant 1 : i32
      %get3A_343 = arith.constant 6 : i32
      %get3A_344 = arith.index_cast %get3A_342 : i32 to index
      %get3A_345 = arith.index_cast %get3A_343 : i32 to index
      %get3A_346 = arith.index_cast %mul3A_264 : i32 to index
      %get3A_347 = tpu.vector_load %arg20[%get3A_344, %get3A_345, %get3A_346] {strides = array<i32>} : memref<2x13x256xf32, #tpu.memory_space<vmem>>, vector<16xf32>,
      %get3A_348 = arith.constant 1 : i32
      %get3A_349 = arith.constant 7 : i32
      %get3A_350 = arith.index_cast %get3A_348 : i32 to index
      %get3A_351 = arith.index_cast %get3A_349 : i32 to index
      %get3A_352 = arith.index_cast %mul3A_264 : i32 to index
      %get3A_353 = tpu.vector_load %arg20[%get3A_350, %get3A_351, %get3A_352] {strides = array<i32>} : memref<2x13x256xf32, #tpu.memory_space<vmem>>, vector<16xf32>,
      %swap3A = arith.constant 1 : i32
      %swap3A_354 = arith.constant 0 : i32
      %swap3A_355 = arith.index_cast %swap3A : i32 to index
      %swap3A_356 = arith.index_cast %swap3A_354 : i32 to index
      %swap3A_357 = arith.index_cast %mul3A_264 : i32 to index
      %swap3A_358 = tpu.vector_load %arg37[%swap3A_355, %swap3A_356, %swap3A_357] {strides = array<i32>} : memref<2x89x256xf32, #tpu.memory_space<vmem>>, vector<16xf32>,
      tpu.vector_store %arg37[%swap3A_355, %swap3A_356, %swap3A_357], %get3A_311 {strides = array<i32>} : memref<2x89x256xf32, #tpu.memory_space<vmem>>, vector<16xf32>,
      %swap3A_359 = arith.constant 1 : i32
      %swap3A_360 = arith.constant 1 : i32
      %swap3A_361 = arith.index_cast %swap3A_359 : i32 to index
      %swap3A_362 = arith.index_cast %swap3A_360 : i32 to index
      %swap3A_363 = arith.index_cast %mul3A_264 : i32 to index
      %swap3A_364 = tpu.vector_load %arg37[%swap3A_361, %swap3A_362, %swap3A_363] {strides = array<i32>} : memref<2x89x256xf32, #tpu.memory_space<vmem>>, vector<16xf32>,
      tpu.vector_store %arg37[%swap3A_361, %swap3A_362, %swap3A_363], %get3A_317 {strides = array<i32>} : memref<2x89x256xf32, #tpu.memory_space<vmem>>, vector<16xf32>,
      %swap3A_365 = arith.constant 1 : i32
      %swap3A_366 = arith.constant 2 : i32
      %swap3A_367 = arith.index_cast %swap3A_365 : i32 to index
      %swap3A_368 = arith.index_cast %swap3A_366 : i32 to index
      %swap3A_369 = arith.index_cast %mul3A_264 : i32 to index
      %swap3A_370 = tpu.vector_load %arg37[%swap3A_367, %swap3A_368, %swap3A_369] {strides = array<i32>} : memref<2x89x256xf32, #tpu.memory_space<vmem>>, vector<16xf32>,
      tpu.vector_store %arg37[%swap3A_367, %swap3A_368, %swap3A_369], %get3A_323 {strides = array<i32>} : memref<2x89x256xf32, #tpu.memory_space<vmem>>, vector<16xf32>,
      %swap3A_371 = arith.constant 1 : i32
      %swap3A_372 = arith.constant 3 : i32
      %swap3A_373 = arith.index_cast %swap3A_371 : i32 to index
      %swap3A_374 = arith.index_cast %swap3A_372 : i32 to index
      %swap3A_375 = arith.index_cast %mul3A_264 : i32 to index
      %swap3A_376 = tpu.vector_load %arg37[%swap3A_373, %swap3A_374, %swap3A_375] {strides = array<i32>} : memref<2x89x256xf32, #tpu.memory_space<vmem>>, vector<16xf32>,
      tpu.vector_store %arg37[%swap3A_373, %swap3A_374, %swap3A_375], %get3A_329 {strides = array<i32>} : memref<2x89x256xf32, #tpu.memory_space<vmem>>, vector<16xf32>,
      %swap3A_377 = arith.constant 1 : i32
      %swap3A_378 = arith.constant 4 : i32
      %swap3A_379 = arith.index_cast %swap3A_377 : i32 to index
      %swap3A_380 = arith.index_cast %swap3A_378 : i32 to index
      %swap3A_381 = arith.index_cast %mul3A_264 : i32 to index
      %swap3A_382 = tpu.vector_load %arg37[%swap3A_379, %swap3A_380, %swap3A_381] {strides = array<i32>} : memref<2x89x256xf32, #tpu.memory_space<vmem>>, vector<16xf32>,
      tpu.vector_store %arg37[%swap3A_379, %swap3A_380, %swap3A_381], %get3A_335 {strides = array<i32>} : memref<2x89x256xf32, #tpu.memory_space<vmem>>, vector<16xf32>,
      %swap3A_383 = arith.constant 1 : i32
      %swap3A_384 = arith.constant 5 : i32
      %swap3A_385 = arith.index_cast %swap3A_383 : i32 to index
      %swap3A_386 = arith.index_cast %swap3A_384 : i32 to index
      %swap3A_387 = arith.index_cast %mul3A_264 : i32 to index
      %swap3A_388 = tpu.vector_load %arg37[%swap3A_385, %swap3A_386, %swap3A_387] {strides = array<i32>} : memref<2x89x256xf32, #tpu.memory_space<vmem>>, vector<16xf32>,
      tpu.vector_store %arg37[%swap3A_385, %swap3A_386, %swap3A_387], %get3A_341 {strides = array<i32>} : memref<2x89x256xf32, #tpu.memory_space<vmem>>, vector<16xf32>,
      %swap3A_389 = arith.constant 1 : i32
      %swap3A_390 = arith.constant 6 : i32
      %swap3A_391 = arith.index_cast %swap3A_389 : i32 to index
      %swap3A_392 = arith.index_cast %swap3A_390 : i32 to index
      %swap3A_393 = arith.index_cast %mul3A_264 : i32 to index
      %swap3A_394 = tpu.vector_load %arg37[%swap3A_391, %swap3A_392, %swap3A_393] {strides = array<i32>} : memref<2x89x256xf32, #tpu.memory_space<vmem>>, vector<16xf32>,
      tpu.vector_store %arg37[%swap3A_391, %swap3A_392, %swap3A_393], %get3A_347 {strides = array<i32>} : memref<2x89x256xf32, #tpu.memory_space<vmem>>, vector<16xf32>,
      %swap3A_395 = arith.constant 1 : i32
      %swap3A_396 = arith.constant 7 : i32
      %swap3A_397 = arith.index_cast %swap3A_395 : i32 to index
      %swap3A_398 = arith.index_cast %swap3A_396 : i32 to index
      %swap3A_399 = arith.index_cast %mul3A_264 : i32 to index
      %swap3A_400 = tpu.vector_load %arg37[%swap3A_397, %swap3A_398, %swap3A_399] {strides = array<i32>} : memref<2x89x256xf32, #tpu.memory_space<vmem>>, vector<16xf32>,
      tpu.vector_store %arg37[%swap3A_397, %swap3A_398, %swap3A_399], %get3A_353 {strides = array<i32>} : memref<2x89x256xf32, #tpu.memory_space<vmem>>, vector<16xf32>,
      %get3A_401 = arith.constant 1 : i32
      %get3A_402 = arith.constant 8 : i32
      %get3A_403 = arith.index_cast %get3A_401 : i32 to index
      %get3A_404 = arith.index_cast %get3A_402 : i32 to index
      %get3A_405 = arith.index_cast %mul3A_264 : i32 to index
      %get3A_406 = tpu.vector_load %arg20[%get3A_403, %get3A_404, %get3A_405] {strides = array<i32>} : memref<2x13x256xf32, #tpu.memory_space<vmem>>, vector<16xf32>,
      %get3A_407 = arith.constant 1 : i32
      %get3A_408 = arith.constant 9 : i32
      %get3A_409 = arith.index_cast %get3A_407 : i32 to index
      %get3A_410 = arith.index_cast %get3A_408 : i32 to index
      %get3A_411 = arith.index_cast %mul3A_264 : i32 to index
      %get3A_412 = tpu.vector_load %arg20[%get3A_409, %get3A_410, %get3A_411] {strides = array<i32>} : memref<2x13x256xf32, #tpu.memory_space<vmem>>, vector<16xf32>,
      %get3A_413 = arith.constant 1 : i32
      %get3A_414 = arith.constant 10 : i32
      %get3A_415 = arith.index_cast %get3A_413 : i32 to index
      %get3A_416 = arith.index_cast %get3A_414 : i32 to index
      %get3A_417 = arith.index_cast %mul3A_264 : i32 to index
      %get3A_418 = tpu.vector_load %arg20[%get3A_415, %get3A_416, %get3A_417] {strides = array<i32>} : memref<2x13x256xf32, #tpu.memory_space<vmem>>, vector<16xf32>,
      %get3A_419 = arith.constant 1 : i32
      %get3A_420 = arith.constant 11 : i32
      %get3A_421 = arith.index_cast %get3A_419 : i32 to index
      %get3A_422 = arith.index_cast %get3A_420 : i32 to index
      %get3A_423 = arith.index_cast %mul3A_264 : i32 to index
      %get3A_424 = tpu.vector_load %arg20[%get3A_421, %get3A_422, %get3A_423] {strides = array<i32>} : memref<2x13x256xf32, #tpu.memory_space<vmem>>, vector<16xf32>,
      %get3A_425 = arith.constant 1 : i32
      %get3A_426 = arith.constant 12 : i32
      %get3A_427 = arith.index_cast %get3A_425 : i32 to index
      %get3A_428 = arith.index_cast %get3A_426 : i32 to index
      %get3A_429 = arith.index_cast %mul3A_264 : i32 to index
      %get3A_430 = tpu.vector_load %arg20[%get3A_427, %get3A_428, %get3A_429] {strides = array<i32>} : memref<2x13x256xf32, #tpu.memory_space<vmem>>, vector<16xf32>,
      %get3A_431 = arith.constant 1 : i32
      %get3A_432 = arith.constant 0 : i32
      %get3A_433 = arith.index_cast %get3A_431 : i32 to index
      %get3A_434 = arith.index_cast %get3A_432 : i32 to index
      %get3A_435 = arith.index_cast %mul3A_264 : i32 to index
      %get3A_436 = tpu.vector_load %arg21[%get3A_433, %get3A_434, %get3A_435] {strides = array<i32>} : memref<2x3x256xf32, #tpu.memory_space<vmem>>, vector<16xf32>,
      %get3A_437 = arith.constant 1 : i32
      %get3A_438 = arith.constant 1 : i32
      %get3A_439 = arith.index_cast %get3A_437 : i32 to index
      %get3A_440 = arith.index_cast %get3A_438 : i32 to index
      %get3A_441 = arith.index_cast %mul3A_264 : i32 to index
      %get3A_442 = tpu.vector_load %arg21[%get3A_439, %get3A_440, %get3A_441] {strides = array<i32>} : memref<2x3x256xf32, #tpu.memory_space<vmem>>, vector<16xf32>,
      %get3A_443 = arith.constant 1 : i32
      %get3A_444 = arith.constant 2 : i32
      %get3A_445 = arith.index_cast %get3A_443 : i32 to index
      %get3A_446 = arith.index_cast %get3A_444 : i32 to index
      %get3A_447 = arith.index_cast %mul3A_264 : i32 to index
      %get3A_448 = tpu.vector_load %arg21[%get3A_445, %get3A_446, %get3A_447] {strides = array<i32>} : memref<2x3x256xf32, #tpu.memory_space<vmem>>, vector<16xf32>,
      %swap3A_449 = arith.constant 1 : i32
      %swap3A_450 = arith.constant 8 : i32
      %swap3A_451 = arith.index_cast %swap3A_449 : i32 to index
      %swap3A_452 = arith.index_cast %swap3A_450 : i32 to index
      %swap3A_453 = arith.index_cast %mul3A_264 : i32 to index
      %swap3A_454 = tpu.vector_load %arg37[%swap3A_451, %swap3A_452, %swap3A_453] {strides = array<i32>} : memref<2x89x256xf32, #tpu.memory_space<vmem>>, vector<16xf32>,
      tpu.vector_store %arg37[%swap3A_451, %swap3A_452, %swap3A_453], %get3A_406 {strides = array<i32>} : memref<2x89x256xf32, #tpu.memory_space<vmem>>, vector<16xf32>,
      %swap3A_455 = arith.constant 1 : i32
      %swap3A_456 = arith.constant 9 : i32
      %swap3A_457 = arith.index_cast %swap3A_455 : i32 to index
      %swap3A_458 = arith.index_cast %swap3A_456 : i32 to index
      %swap3A_459 = arith.index_cast %mul3A_264 : i32 to index
      %swap3A_460 = tpu.vector_load %arg37[%swap3A_457, %swap3A_458, %swap3A_459] {strides = array<i32>} : memref<2x89x256xf32, #tpu.memory_space<vmem>>, vector<16xf32>,
      tpu.vector_store %arg37[%swap3A_457, %swap3A_458, %swap3A_459], %get3A_412 {strides = array<i32>} : memref<2x89x256xf32, #tpu.memory_space<vmem>>, vector<16xf32>,
      %swap3A_461 = arith.constant 1 : i32
      %swap3A_462 = arith.constant 10 : i32
      %swap3A_463 = arith.index_cast %swap3A_461 : i32 to index
      %swap3A_464 = arith.index_cast %swap3A_462 : i32 to index
      %swap3A_465 = arith.index_cast %mul3A_264 : i32 to index
      %swap3A_466 = tpu.vector_load %arg37[%swap3A_463, %swap3A_464, %swap3A_465] {strides = array<i32>} : memref<2x89x256xf32, #tpu.memory_space<vmem>>, vector<16xf32>,
      tpu.vector_store %arg37[%swap3A_463, %swap3A_464, %swap3A_465], %get3A_418 {strides = array<i32>} : memref<2x89x256xf32, #tpu.memory_space<vmem>>, vector<16xf32>,
      %swap3A_467 = arith.constant 1 : i32
      %swap3A_468 = arith.constant 11 : i32
      %swap3A_469 = arith.index_cast %swap3A_467 : i32 to index
      %swap3A_470 = arith.index_cast %swap3A_468 : i32 to index
      %swap3A_471 = arith.index_cast %mul3A_264 : i32 to index
      %swap3A_472 = tpu.vector_load %arg37[%swap3A_469, %swap3A_470, %swap3A_471] {strides = array<i32>} : memref<2x89x256xf32, #tpu.memory_space<vmem>>, vector<16xf32>,
      tpu.vector_store %arg37[%swap3A_469, %swap3A_470, %swap3A_471], %get3A_424 {strides = array<i32>} : memref<2x89x256xf32, #tpu.memory_space<vmem>>, vector<16xf32>,
      %swap3A_473 = arith.constant 1 : i32
      %swap3A_474 = arith.constant 12 : i32
      %swap3A_475 = arith.index_cast %swap3A_473 : i32 to index
      %swap3A_476 = arith.index_cast %swap3A_474 : i32 to index
      %swap3A_477 = arith.index_cast %mul3A_264 : i32 to index
      %swap3A_478 = tpu.vector_load %arg37[%swap3A_475, %swap3A_476, %swap3A_477] {strides = array<i32>} : memref<2x89x256xf32, #tpu.memory_space<vmem>>, vector<16xf32>,
      tpu.vector_store %arg37[%swap3A_475, %swap3A_476, %swap3A_477], %get3A_430 {strides = array<i32>} : memref<2x89x256xf32, #tpu.memory_space<vmem>>, vector<16xf32>,
      %swap3A_479 = arith.constant 1 : i32
      %swap3A_480 = arith.constant 13 : i32
      %swap3A_481 = arith.index_cast %swap3A_479 : i32 to index
      %swap3A_482 = arith.index_cast %swap3A_480 : i32 to index
      %swap3A_483 = arith.index_cast %mul3A_264 : i32 to index
      %swap3A_484 = tpu.vector_load %arg37[%swap3A_481, %swap3A_482, %swap3A_483] {strides = array<i32>} : memref<2x89x256xf32, #tpu.memory_space<vmem>>, vector<16xf32>,
      tpu.vector_store %arg37[%swap3A_481, %swap3A_482, %swap3A_483], %get3A_436 {strides = array<i32>} : memref<2x89x256xf32, #tpu.memory_space<vmem>>, vector<16xf32>,
      %swap3A_485 = arith.constant 1 : i32
      %swap3A_486 = arith.constant 14 : i32
      %swap3A_487 = arith.index_cast %swap3A_485 : i32 to index
      %swap3A_488 = arith.index_cast %swap3A_486 : i32 to index
      %swap3A_489 = arith.index_cast %mul3A_264 : i32 to index
      %swap3A_490 = tpu.vector_load %arg37[%swap3A_487, %swap3A_488, %swap3A_489] {strides = array<i32>} : memref<2x89x256xf32, #tpu.memory_space<vmem>>, vector<16xf32>,
      tpu.vector_store %arg37[%swap3A_487, %swap3A_488, %swap3A_489], %get3A_442 {strides = array<i32>} : memref<2x89x256xf32, #tpu.memory_space<vmem>>, vector<16xf32>,
      %swap3A_491 = arith.constant 1 : i32
      %swap3A_492 = arith.constant 15 : i32
      %swap3A_493 = arith.index_cast %swap3A_491 : i32 to index
      %swap3A_494 = arith.index_cast %swap3A_492 : i32 to index
      %swap3A_495 = arith.index_cast %mul3A_264 : i32 to index
      %swap3A_496 = tpu.vector_load %arg37[%swap3A_493, %swap3A_494, %swap3A_495] {strides = array<i32>} : memref<2x89x256xf32, #tpu.memory_space<vmem>>, vector<16xf32>,
      tpu.vector_store %arg37[%swap3A_493, %swap3A_494, %swap3A_495], %get3A_448 {strides = array<i32>} : memref<2x89x256xf32, #tpu.memory_space<vmem>>, vector<16xf32>,
      %get3A_497 = arith.constant 1 : i32
      %get3A_498 = arith.constant 0 : i32
      %get3A_499 = arith.index_cast %get3A_497 : i32 to index
      %get3A_500 = arith.index_cast %get3A_498 : i32 to index
      %get3A_501 = arith.index_cast %mul3A_264 : i32 to index
      %get3A_502 = tpu.vector_load %arg22[%get3A_499, %get3A_500, %get3A_501] {strides = array<i32>} : memref<2x13x256xf32, #tpu.memory_space<vmem>>, vector<16xf32>,
      %get3A_503 = arith.constant 1 : i32
      %get3A_504 = arith.constant 1 : i32
      %get3A_505 = arith.index_cast %get3A_503 : i32 to index
      %get3A_506 = arith.index_cast %get3A_504 : i32 to index
      %get3A_507 = arith.index_cast %mul3A_264 : i32 to index
      %get3A_508 = tpu.vector_load %arg22[%get3A_505, %get3A_506, %get3A_507] {strides = array<i32>} : memref<2x13x256xf32, #tpu.memory_space<vmem>>, vector<16xf32>,
      %get3A_509 = arith.constant 1 : i32
      %get3A_510 = arith.constant 2 : i32
      %get3A_511 = arith.index_cast %get3A_509 : i32 to index
      %get3A_512 = arith.index_cast %get3A_510 : i32 to index
      %get3A_513 = arith.index_cast %mul3A_264 : i32 to index
      %get3A_514 = tpu.vector_load %arg22[%get3A_511, %get3A_512, %get3A_513] {strides = array<i32>} : memref<2x13x256xf32, #tpu.memory_space<vmem>>, vector<16xf32>,
      %get3A_515 = arith.constant 1 : i32
      %get3A_516 = arith.constant 3 : i32
      %get3A_517 = arith.index_cast %get3A_515 : i32 to index
      %get3A_518 = arith.index_cast %get3A_516 : i32 to index
      %get3A_519 = arith.index_cast %mul3A_264 : i32 to index
      %get3A_520 = tpu.vector_load %arg22[%get3A_517, %get3A_518, %get3A_519] {strides = array<i32>} : memref<2x13x256xf32, #tpu.memory_space<vmem>>, vector<16xf32>,
      %get3A_521 = arith.constant 1 : i32
      %get3A_522 = arith.constant 4 : i32
      %get3A_523 = arith.index_cast %get3A_521 : i32 to index
      %get3A_524 = arith.index_cast %get3A_522 : i32 to index
      %get3A_525 = arith.index_cast %mul3A_264 : i32 to index
      %get3A_526 = tpu.vector_load %arg22[%get3A_523, %get3A_524, %get3A_525] {strides = array<i32>} : memref<2x13x256xf32, #tpu.memory_space<vmem>>, vector<16xf32>,
      %get3A_527 = arith.constant 1 : i32
      %get3A_528 = arith.constant 5 : i32
      %get3A_529 = arith.index_cast %get3A_527 : i32 to index
      %get3A_530 = arith.index_cast %get3A_528 : i32 to index
      %get3A_531 = arith.index_cast %mul3A_264 : i32 to index
      %get3A_532 = tpu.vector_load %arg22[%get3A_529, %get3A_530, %get3A_531] {strides = array<i32>} : memref<2x13x256xf32, #tpu.memory_space<vmem>>, vector<16xf32>,
      %get3A_533 = arith.constant 1 : i32
      %get3A_534 = arith.constant 6 : i32
      %get3A_535 = arith.index_cast %get3A_533 : i32 to index
      %get3A_536 = arith.index_cast %get3A_534 : i32 to index
      %get3A_537 = arith.index_cast %mul3A_264 : i32 to index
      %get3A_538 = tpu.vector_load %arg22[%get3A_535, %get3A_536, %get3A_537] {strides = array<i32>} : memref<2x13x256xf32, #tpu.memory_space<vmem>>, vector<16xf32>,
      %get3A_539 = arith.constant 1 : i32
      %get3A_540 = arith.constant 7 : i32
      %get3A_541 = arith.index_cast %get3A_539 : i32 to index
      %get3A_542 = arith.index_cast %get3A_540 : i32 to index
      %get3A_543 = arith.index_cast %mul3A_264 : i32 to index
      %get3A_544 = tpu.vector_load %arg22[%get3A_541, %get3A_542, %get3A_543] {strides = array<i32>} : memref<2x13x256xf32, #tpu.memory_space<vmem>>, vector<16xf32>,
      %swap3A_545 = arith.constant 1 : i32
      %swap3A_546 = arith.constant 16 : i32
      %swap3A_547 = arith.index_cast %swap3A_545 : i32 to index
      %swap3A_548 = arith.index_cast %swap3A_546 : i32 to index
      %swap3A_549 = arith.index_cast %mul3A_264 : i32 to index
      %swap3A_550 = tpu.vector_load %arg37[%swap3A_547, %swap3A_548, %swap3A_549] {strides = array<i32>} : memref<2x89x256xf32, #tpu.memory_space<vmem>>, vector<16xf32>,
      tpu.vector_store %arg37[%swap3A_547, %swap3A_548, %swap3A_549], %get3A_502 {strides = array<i32>} : memref<2x89x256xf32, #tpu.memory_space<vmem>>, vector<16xf32>,
      %swap3A_551 = arith.constant 1 : i32
      %swap3A_552 = arith.constant 17 : i32
      %swap3A_553 = arith.index_cast %swap3A_551 : i32 to index
      %swap3A_554 = arith.index_cast %swap3A_552 : i32 to index
      %swap3A_555 = arith.index_cast %mul3A_264 : i32 to index
      %swap3A_556 = tpu.vector_load %arg37[%swap3A_553, %swap3A_554, %swap3A_555] {strides = array<i32>} : memref<2x89x256xf32, #tpu.memory_space<vmem>>, vector<16xf32>,
      tpu.vector_store %arg37[%swap3A_553, %swap3A_554, %swap3A_555], %get3A_508 {strides = array<i32>} : memref<2x89x256xf32, #tpu.memory_space<vmem>>, vector<16xf32>,
      %swap3A_557 = arith.constant 1 : i32
      %swap3A_558 = arith.constant 18 : i32
      %swap3A_559 = arith.index_cast %swap3A_557 : i32 to index
      %swap3A_560 = arith.index_cast %swap3A_558 : i32 to index
      %swap3A_561 = arith.index_cast %mul3A_264 : i32 to index
      %swap3A_562 = tpu.vector_load %arg37[%swap3A_559, %swap3A_560, %swap3A_561] {strides = array<i32>} : memref<2x89x256xf32, #tpu.memory_space<vmem>>, vector<16xf32>,
      tpu.vector_store %arg37[%swap3A_559, %swap3A_560, %swap3A_561], %get3A_514 {strides = array<i32>} : memref<2x89x256xf32, #tpu.memory_space<vmem>>, vector<16xf32>,
      %swap3A_563 = arith.constant 1 : i32
      %swap3A_564 = arith.constant 19 : i32
      %swap3A_565 = arith.index_cast %swap3A_563 : i32 to index
      %swap3A_566 = arith.index_cast %swap3A_564 : i32 to index
      %swap3A_567 = arith.index_cast %mul3A_264 : i32 to index
      %swap3A_568 = tpu.vector_load %arg37[%swap3A_565, %swap3A_566, %swap3A_567] {strides = array<i32>} : memref<2x89x256xf32, #tpu.memory_space<vmem>>, vector<16xf32>,
      tpu.vector_store %arg37[%swap3A_565, %swap3A_566, %swap3A_567], %get3A_520 {strides = array<i32>} : memref<2x89x256xf32, #tpu.memory_space<vmem>>, vector<16xf32>,
      %swap3A_569 = arith.constant 1 : i32
      %swap3A_570 = arith.constant 20 : i32
      %swap3A_571 = arith.index_cast %swap3A_569 : i32 to index
      %swap3A_572 = arith.index_cast %swap3A_570 : i32 to index
      %swap3A_573 = arith.index_cast %mul3A_264 : i32 to index
      %swap3A_574 = tpu.vector_load %arg37[%swap3A_571, %swap3A_572, %swap3A_573] {strides = array<i32>} : memref<2x89x256xf32, #tpu.memory_space<vmem>>, vector<16xf32>,
      tpu.vector_store %arg37[%swap3A_571, %swap3A_572, %swap3A_573], %get3A_526 {strides = array<i32>} : memref<2x89x256xf32, #tpu.memory_space<vmem>>, vector<16xf32>,
      %swap3A_575 = arith.constant 1 : i32
      %swap3A_576 = arith.constant 21 : i32
      %swap3A_577 = arith.index_cast %swap3A_575 : i32 to index
      %swap3A_578 = arith.index_cast %swap3A_576 : i32 to index
      %swap3A_579 = arith.index_cast %mul3A_264 : i32 to index
      %swap3A_580 = tpu.vector_load %arg37[%swap3A_577, %swap3A_578, %swap3A_579] {strides = array<i32>} : memref<2x89x256xf32, #tpu.memory_space<vmem>>, vector<16xf32>,
      tpu.vector_store %arg37[%swap3A_577, %swap3A_578, %swap3A_579], %get3A_532 {strides = array<i32>} : memref<2x89x256xf32, #tpu.memory_space<vmem>>, vector<16xf32>,
      %swap3A_581 = arith.constant 1 : i32
      %swap3A_582 = arith.constant 22 : i32
      %swap3A_583 = arith.index_cast %swap3A_581 : i32 to index
      %swap3A_584 = arith.index_cast %swap3A_582 : i32 to index
      %swap3A_585 = arith.index_cast %mul3A_264 : i32 to index
      %swap3A_586 = tpu.vector_load %arg37[%swap3A_583, %swap3A_584, %swap3A_585] {strides = array<i32>} : memref<2x89x256xf32, #tpu.memory_space<vmem>>, vector<16xf32>,
      tpu.vector_store %arg37[%swap3A_583, %swap3A_584, %swap3A_585], %get3A_538 {strides = array<i32>} : memref<2x89x256xf32, #tpu.memory_space<vmem>>, vector<16xf32>,
      %swap3A_587 = arith.constant 1 : i32
      %swap3A_588 = arith.constant 23 : i32
      %swap3A_589 = arith.index_cast %swap3A_587 : i32 to index
      %swap3A_590 = arith.index_cast %swap3A_588 : i32 to index
      %swap3A_591 = arith.index_cast %mul3A_264 : i32 to index
      %swap3A_592 = tpu.vector_load %arg37[%swap3A_589, %swap3A_590, %swap3A_591] {strides = array<i32>} : memref<2x89x256xf32, #tpu.memory_space<vmem>>, vector<16xf32>,
      tpu.vector_store %arg37[%swap3A_589, %swap3A_590, %swap3A_591], %get3A_544 {strides = array<i32>} : memref<2x89x256xf32, #tpu.memory_space<vmem>>, vector<16xf32>,
      %get3A_593 = arith.constant 1 : i32
      %get3A_594 = arith.constant 8 : i32
      %get3A_595 = arith.index_cast %get3A_593 : i32 to index
      %get3A_596 = arith.index_cast %get3A_594 : i32 to index
      %get3A_597 = arith.index_cast %mul3A_264 : i32 to index
      %get3A_598 = tpu.vector_load %arg22[%get3A_595, %get3A_596, %get3A_597] {strides = array<i32>} : memref<2x13x256xf32, #tpu.memory_space<vmem>>, vector<16xf32>,
      %get3A_599 = arith.constant 1 : i32
      %get3A_600 = arith.constant 9 : i32
      %get3A_601 = arith.index_cast %get3A_599 : i32 to index
      %get3A_602 = arith.index_cast %get3A_600 : i32 to index
      %get3A_603 = arith.index_cast %mul3A_264 : i32 to index
      %get3A_604 = tpu.vector_load %arg22[%get3A_601, %get3A_602, %get3A_603] {strides = array<i32>} : memref<2x13x256xf32, #tpu.memory_space<vmem>>, vector<16xf32>,
      %get3A_605 = arith.constant 1 : i32
      %get3A_606 = arith.constant 10 : i32
      %get3A_607 = arith.index_cast %get3A_605 : i32 to index
      %get3A_608 = arith.index_cast %get3A_606 : i32 to index
      %get3A_609 = arith.index_cast %mul3A_264 : i32 to index
      %get3A_610 = tpu.vector_load %arg22[%get3A_607, %get3A_608, %get3A_609] {strides = array<i32>} : memref<2x13x256xf32, #tpu.memory_space<vmem>>, vector<16xf32>,
      %get3A_611 = arith.constant 1 : i32
      %get3A_612 = arith.constant 11 : i32
      %get3A_613 = arith.index_cast %get3A_611 : i32 to index
      %get3A_614 = arith.index_cast %get3A_612 : i32 to index
      %get3A_615 = arith.index_cast %mul3A_264 : i32 to index
      %get3A_616 = tpu.vector_load %arg22[%get3A_613, %get3A_614, %get3A_615] {strides = array<i32>} : memref<2x13x256xf32, #tpu.memory_space<vmem>>, vector<16xf32>,
      %get3A_617 = arith.constant 1 : i32
      %get3A_618 = arith.constant 12 : i32
      %get3A_619 = arith.index_cast %get3A_617 : i32 to index
      %get3A_620 = arith.index_cast %get3A_618 : i32 to index
      %get3A_621 = arith.index_cast %mul3A_264 : i32 to index
      %get3A_622 = tpu.vector_load %arg22[%get3A_619, %get3A_620, %get3A_621] {strides = array<i32>} : memref<2x13x256xf32, #tpu.memory_space<vmem>>, vector<16xf32>,
      %broadcast_in_dim3A = arith.constant 0 : i32
      %broadcast_in_dim3A_623 = vector.broadcast %broadcast_in_dim3A : i32 to vector<16xi32>
      %gather3A = tpu.vector_load_idx %arg30[%broadcast_in_dim3A_623, %get3A_269] : memref<32x400xf32, #tpu.memory_space<vmem>>[vector<16xi32>, vector<16xi32>], vector<16xf32>,
      %broadcast_in_dim3A_624 = arith.constant 1 : i32
      %broadcast_in_dim3A_625 = vector.broadcast %broadcast_in_dim3A_624 : i32 to vector<16xi32>
      %gather3A_626 = tpu.vector_load_idx %arg30[%broadcast_in_dim3A_625, %get3A_269] : memref<32x400xf32, #tpu.memory_space<vmem>>[vector<16xi32>, vector<16xi32>], vector<16xf32>,
      %broadcast_in_dim3A_627 = arith.constant 2 : i32
      %broadcast_in_dim3A_628 = vector.broadcast %broadcast_in_dim3A_627 : i32 to vector<16xi32>
      %gather3A_629 = tpu.vector_load_idx %arg30[%broadcast_in_dim3A_628, %get3A_269] : memref<32x400xf32, #tpu.memory_space<vmem>>[vector<16xi32>, vector<16xi32>], vector<16xf32>,
      %swap3A_630 = arith.constant 1 : i32
      %swap3A_631 = arith.constant 24 : i32
      %swap3A_632 = arith.index_cast %swap3A_630 : i32 to index
      %swap3A_633 = arith.index_cast %swap3A_631 : i32 to index
      %swap3A_634 = arith.index_cast %mul3A_264 : i32 to index
      %swap3A_635 = tpu.vector_load %arg37[%swap3A_632, %swap3A_633, %swap3A_634] {strides = array<i32>} : memref<2x89x256xf32, #tpu.memory_space<vmem>>, vector<16xf32>,
      tpu.vector_store %arg37[%swap3A_632, %swap3A_633, %swap3A_634], %get3A_598 {strides = array<i32>} : memref<2x89x256xf32, #tpu.memory_space<vmem>>, vector<16xf32>,
      %swap3A_636 = arith.constant 1 : i32
      %swap3A_637 = arith.constant 25 : i32
      %swap3A_638 = arith.index_cast %swap3A_636 : i32 to index
      %swap3A_639 = arith.index_cast %swap3A_637 : i32 to index
      %swap3A_640 = arith.index_cast %mul3A_264 : i32 to index
      %swap3A_641 = tpu.vector_load %arg37[%swap3A_638, %swap3A_639, %swap3A_640] {strides = array<i32>} : memref<2x89x256xf32, #tpu.memory_space<vmem>>, vector<16xf32>,
      tpu.vector_store %arg37[%swap3A_638, %swap3A_639, %swap3A_640], %get3A_604 {strides = array<i32>} : memref<2x89x256xf32, #tpu.memory_space<vmem>>, vector<16xf32>,
      %swap3A_642 = arith.constant 1 : i32
      %swap3A_643 = arith.constant 26 : i32
      %swap3A_644 = arith.index_cast %swap3A_642 : i32 to index
      %swap3A_645 = arith.index_cast %swap3A_643 : i32 to index
      %swap3A_646 = arith.index_cast %mul3A_264 : i32 to index
      %swap3A_647 = tpu.vector_load %arg37[%swap3A_644, %swap3A_645, %swap3A_646] {strides = array<i32>} : memref<2x89x256xf32, #tpu.memory_space<vmem>>, vector<16xf32>,
      tpu.vector_store %arg37[%swap3A_644, %swap3A_645, %swap3A_646], %get3A_610 {strides = array<i32>} : memref<2x89x256xf32, #tpu.memory_space<vmem>>, vector<16xf32>,
      %swap3A_648 = arith.constant 1 : i32
      %swap3A_649 = arith.constant 27 : i32
      %swap3A_650 = arith.index_cast %swap3A_648 : i32 to index
      %swap3A_651 = arith.index_cast %swap3A_649 : i32 to index
      %swap3A_652 = arith.index_cast %mul3A_264 : i32 to index
      %swap3A_653 = tpu.vector_load %arg37[%swap3A_650, %swap3A_651, %swap3A_652] {strides = array<i32>} : memref<2x89x256xf32, #tpu.memory_space<vmem>>, vector<16xf32>,
      tpu.vector_store %arg37[%swap3A_650, %swap3A_651, %swap3A_652], %get3A_616 {strides = array<i32>} : memref<2x89x256xf32, #tpu.memory_space<vmem>>, vector<16xf32>,
      %swap3A_654 = arith.constant 1 : i32
      %swap3A_655 = arith.constant 28 : i32
      %swap3A_656 = arith.index_cast %swap3A_654 : i32 to index
      %swap3A_657 = arith.index_cast %swap3A_655 : i32 to index
      %swap3A_658 = arith.index_cast %mul3A_264 : i32 to index
      %swap3A_659 = tpu.vector_load %arg37[%swap3A_656, %swap3A_657, %swap3A_658] {strides = array<i32>} : memref<2x89x256xf32, #tpu.memory_space<vmem>>, vector<16xf32>,
      tpu.vector_store %arg37[%swap3A_656, %swap3A_657, %swap3A_658], %get3A_622 {strides = array<i32>} : memref<2x89x256xf32, #tpu.memory_space<vmem>>, vector<16xf32>,
      %swap3A_660 = arith.constant 1 : i32
      %swap3A_661 = arith.constant 29 : i32
      %swap3A_662 = arith.index_cast %swap3A_660 : i32 to index
      %swap3A_663 = arith.index_cast %swap3A_661 : i32 to index
      %swap3A_664 = arith.index_cast %mul3A_264 : i32 to index
      %swap3A_665 = tpu.vector_load %arg37[%swap3A_662, %swap3A_663, %swap3A_664] {strides = array<i32>} : memref<2x89x256xf32, #tpu.memory_space<vmem>>, vector<16xf32>,
      tpu.vector_store %arg37[%swap3A_662, %swap3A_663, %swap3A_664], %gather3A {strides = array<i32>} : memref<2x89x256xf32, #tpu.memory_space<vmem>>, vector<16xf32>,
      %swap3A_666 = arith.constant 1 : i32
      %swap3A_667 = arith.constant 30 : i32
      %swap3A_668 = arith.index_cast %swap3A_666 : i32 to index
      %swap3A_669 = arith.index_cast %swap3A_667 : i32 to index
      %swap3A_670 = arith.index_cast %mul3A_264 : i32 to index
      %swap3A_671 = tpu.vector_load %arg37[%swap3A_668, %swap3A_669, %swap3A_670] {strides = array<i32>} : memref<2x89x256xf32, #tpu.memory_space<vmem>>, vector<16xf32>,
      tpu.vector_store %arg37[%swap3A_668, %swap3A_669, %swap3A_670], %gather3A_626 {strides = array<i32>} : memref<2x89x256xf32, #tpu.memory_space<vmem>>, vector<16xf32>,
      %swap3A_672 = arith.constant 1 : i32
      %swap3A_673 = arith.constant 31 : i32
      %swap3A_674 = arith.index_cast %swap3A_672 : i32 to index
      %swap3A_675 = arith.index_cast %swap3A_673 : i32 to index
      %swap3A_676 = arith.index_cast %mul3A_264 : i32 to index
      %swap3A_677 = tpu.vector_load %arg37[%swap3A_674, %swap3A_675, %swap3A_676] {strides = array<i32>} : memref<2x89x256xf32, #tpu.memory_space<vmem>>, vector<16xf32>,
      tpu.vector_store %arg37[%swap3A_674, %swap3A_675, %swap3A_676], %gather3A_629 {strides = array<i32>} : memref<2x89x256xf32, #tpu.memory_space<vmem>>, vector<16xf32>,
      %broadcast_in_dim3A_678 = arith.constant 3 : i32
      %broadcast_in_dim3A_679 = vector.broadcast %broadcast_in_dim3A_678 : i32 to vector<16xi32>
      %gather3A_680 = tpu.vector_load_idx %arg30[%broadcast_in_dim3A_679, %get3A_269] : memref<32x400xf32, #tpu.memory_space<vmem>>[vector<16xi32>, vector<16xi32>], vector<16xf32>,
      %broadcast_in_dim3A_681 = arith.constant 4 : i32
      %broadcast_in_dim3A_682 = vector.broadcast %broadcast_in_dim3A_681 : i32 to vector<16xi32>
      %gather3A_683 = tpu.vector_load_idx %arg30[%broadcast_in_dim3A_682, %get3A_269] : memref<32x400xf32, #tpu.memory_space<vmem>>[vector<16xi32>, vector<16xi32>], vector<16xf32>,
      %broadcast_in_dim3A_684 = arith.constant 5 : i32
      %broadcast_in_dim3A_685 = vector.broadcast %broadcast_in_dim3A_684 : i32 to vector<16xi32>
      %gather3A_686 = tpu.vector_load_idx %arg30[%broadcast_in_dim3A_685, %get3A_269] : memref<32x400xf32, #tpu.memory_space<vmem>>[vector<16xi32>, vector<16xi32>], vector<16xf32>,
      %broadcast_in_dim3A_687 = arith.constant 6 : i32
      %broadcast_in_dim3A_688 = vector.broadcast %broadcast_in_dim3A_687 : i32 to vector<16xi32>
      %gather3A_689 = tpu.vector_load_idx %arg30[%broadcast_in_dim3A_688, %get3A_269] : memref<32x400xf32, #tpu.memory_space<vmem>>[vector<16xi32>, vector<16xi32>], vector<16xf32>,
      %broadcast_in_dim3A_690 = arith.constant 7 : i32
      %broadcast_in_dim3A_691 = vector.broadcast %broadcast_in_dim3A_690 : i32 to vector<16xi32>
      %gather3A_692 = tpu.vector_load_idx %arg30[%broadcast_in_dim3A_691, %get3A_269] : memref<32x400xf32, #tpu.memory_space<vmem>>[vector<16xi32>, vector<16xi32>], vector<16xf32>,
      %broadcast_in_dim3A_693 = arith.constant 8 : i32
      %broadcast_in_dim3A_694 = vector.broadcast %broadcast_in_dim3A_693 : i32 to vector<16xi32>
      %gather3A_695 = tpu.vector_load_idx %arg30[%broadcast_in_dim3A_694, %get3A_269] : memref<32x400xf32, #tpu.memory_space<vmem>>[vector<16xi32>, vector<16xi32>], vector<16xf32>,
      %broadcast_in_dim3A_696 = arith.constant 9 : i32
      %broadcast_in_dim3A_697 = vector.broadcast %broadcast_in_dim3A_696 : i32 to vector<16xi32>
      %gather3A_698 = tpu.vector_load_idx %arg30[%broadcast_in_dim3A_697, %get3A_269] : memref<32x400xf32, #tpu.memory_space<vmem>>[vector<16xi32>, vector<16xi32>], vector<16xf32>,
      %broadcast_in_dim3A_699 = arith.constant 10 : i32
      %broadcast_in_dim3A_700 = vector.broadcast %broadcast_in_dim3A_699 : i32 to vector<16xi32>
      %gather3A_701 = tpu.vector_load_idx %arg30[%broadcast_in_dim3A_700, %get3A_269] : memref<32x400xf32, #tpu.memory_space<vmem>>[vector<16xi32>, vector<16xi32>], vector<16xf32>,
      %swap3A_702 = arith.constant 1 : i32
      %swap3A_703 = arith.constant 32 : i32
      %swap3A_704 = arith.index_cast %swap3A_702 : i32 to index
      %swap3A_705 = arith.index_cast %swap3A_703 : i32 to index
      %swap3A_706 = arith.index_cast %mul3A_264 : i32 to index
      %swap3A_707 = tpu.vector_load %arg37[%swap3A_704, %swap3A_705, %swap3A_706] {strides = array<i32>} : memref<2x89x256xf32, #tpu.memory_space<vmem>>, vector<16xf32>,
      tpu.vector_store %arg37[%swap3A_704, %swap3A_705, %swap3A_706], %gather3A_680 {strides = array<i32>} : memref<2x89x256xf32, #tpu.memory_space<vmem>>, vector<16xf32>,
      %swap3A_708 = arith.constant 1 : i32
      %swap3A_709 = arith.constant 33 : i32
      %swap3A_710 = arith.index_cast %swap3A_708 : i32 to index
      %swap3A_711 = arith.index_cast %swap3A_709 : i32 to index
      %swap3A_712 = arith.index_cast %mul3A_264 : i32 to index
      %swap3A_713 = tpu.vector_load %arg37[%swap3A_710, %swap3A_711, %swap3A_712] {strides = array<i32>} : memref<2x89x256xf32, #tpu.memory_space<vmem>>, vector<16xf32>,
      tpu.vector_store %arg37[%swap3A_710, %swap3A_711, %swap3A_712], %gather3A_683 {strides = array<i32>} : memref<2x89x256xf32, #tpu.memory_space<vmem>>, vector<16xf32>,
      %swap3A_714 = arith.constant 1 : i32
      %swap3A_715 = arith.constant 34 : i32
      %swap3A_716 = arith.index_cast %swap3A_714 : i32 to index
      %swap3A_717 = arith.index_cast %swap3A_715 : i32 to index
      %swap3A_718 = arith.index_cast %mul3A_264 : i32 to index
      %swap3A_719 = tpu.vector_load %arg37[%swap3A_716, %swap3A_717, %swap3A_718] {strides = array<i32>} : memref<2x89x256xf32, #tpu.memory_space<vmem>>, vector<16xf32>,
      tpu.vector_store %arg37[%swap3A_716, %swap3A_717, %swap3A_718], %gather3A_686 {strides = array<i32>} : memref<2x89x256xf32, #tpu.memory_space<vmem>>, vector<16xf32>,
      %swap3A_720 = arith.constant 1 : i32
      %swap3A_721 = arith.constant 35 : i32
      %swap3A_722 = arith.index_cast %swap3A_720 : i32 to index
      %swap3A_723 = arith.index_cast %swap3A_721 : i32 to index
      %swap3A_724 = arith.index_cast %mul3A_264 : i32 to index
      %swap3A_725 = tpu.vector_load %arg37[%swap3A_722, %swap3A_723, %swap3A_724] {strides = array<i32>} : memref<2x89x256xf32, #tpu.memory_space<vmem>>, vector<16xf32>,
      tpu.vector_store %arg37[%swap3A_722, %swap3A_723, %swap3A_724], %gather3A_689 {strides = array<i32>} : memref<2x89x256xf32, #tpu.memory_space<vmem>>, vector<16xf32>,
      %swap3A_726 = arith.constant 1 : i32
      %swap3A_727 = arith.constant 36 : i32
      %swap3A_728 = arith.index_cast %swap3A_726 : i32 to index
      %swap3A_729 = arith.index_cast %swap3A_727 : i32 to index
      %swap3A_730 = arith.index_cast %mul3A_264 : i32 to index
      %swap3A_731 = tpu.vector_load %arg37[%swap3A_728, %swap3A_729, %swap3A_730] {strides = array<i32>} : memref<2x89x256xf32, #tpu.memory_space<vmem>>, vector<16xf32>,
      tpu.vector_store %arg37[%swap3A_728, %swap3A_729, %swap3A_730], %gather3A_692 {strides = array<i32>} : memref<2x89x256xf32, #tpu.memory_space<vmem>>, vector<16xf32>,
      %swap3A_732 = arith.constant 1 : i32
      %swap3A_733 = arith.constant 37 : i32
      %swap3A_734 = arith.index_cast %swap3A_732 : i32 to index
      %swap3A_735 = arith.index_cast %swap3A_733 : i32 to index
      %swap3A_736 = arith.index_cast %mul3A_264 : i32 to index
      %swap3A_737 = tpu.vector_load %arg37[%swap3A_734, %swap3A_735, %swap3A_736] {strides = array<i32>} : memref<2x89x256xf32, #tpu.memory_space<vmem>>, vector<16xf32>,
      tpu.vector_store %arg37[%swap3A_734, %swap3A_735, %swap3A_736], %gather3A_695 {strides = array<i32>} : memref<2x89x256xf32, #tpu.memory_space<vmem>>, vector<16xf32>,
      %swap3A_738 = arith.constant 1 : i32
      %swap3A_739 = arith.constant 38 : i32
      %swap3A_740 = arith.index_cast %swap3A_738 : i32 to index
      %swap3A_741 = arith.index_cast %swap3A_739 : i32 to index
      %swap3A_742 = arith.index_cast %mul3A_264 : i32 to index
      %swap3A_743 = tpu.vector_load %arg37[%swap3A_740, %swap3A_741, %swap3A_742] {strides = array<i32>} : memref<2x89x256xf32, #tpu.memory_space<vmem>>, vector<16xf32>,
      tpu.vector_store %arg37[%swap3A_740, %swap3A_741, %swap3A_742], %gather3A_698 {strides = array<i32>} : memref<2x89x256xf32, #tpu.memory_space<vmem>>, vector<16xf32>,
      %swap3A_744 = arith.constant 1 : i32
      %swap3A_745 = arith.constant 39 : i32
      %swap3A_746 = arith.index_cast %swap3A_744 : i32 to index
      %swap3A_747 = arith.index_cast %swap3A_745 : i32 to index
      %swap3A_748 = arith.index_cast %mul3A_264 : i32 to index
      %swap3A_749 = tpu.vector_load %arg37[%swap3A_746, %swap3A_747, %swap3A_748] {strides = array<i32>} : memref<2x89x256xf32, #tpu.memory_space<vmem>>, vector<16xf32>,
      tpu.vector_store %arg37[%swap3A_746, %swap3A_747, %swap3A_748], %gather3A_701 {strides = array<i32>} : memref<2x89x256xf32, #tpu.memory_space<vmem>>, vector<16xf32>,
      %broadcast_in_dim3A_750 = arith.constant 11 : i32
      %broadcast_in_dim3A_751 = vector.broadcast %broadcast_in_dim3A_750 : i32 to vector<16xi32>
      %gather3A_752 = tpu.vector_load_idx %arg30[%broadcast_in_dim3A_751, %get3A_269] : memref<32x400xf32, #tpu.memory_space<vmem>>[vector<16xi32>, vector<16xi32>], vector<16xf32>,
      %broadcast_in_dim3A_753 = arith.constant 12 : i32
      %broadcast_in_dim3A_754 = vector.broadcast %broadcast_in_dim3A_753 : i32 to vector<16xi32>
      %gather3A_755 = tpu.vector_load_idx %arg30[%broadcast_in_dim3A_754, %get3A_269] : memref<32x400xf32, #tpu.memory_space<vmem>>[vector<16xi32>, vector<16xi32>], vector<16xf32>,
      %broadcast_in_dim3A_756 = arith.constant 13 : i32
      %broadcast_in_dim3A_757 = vector.broadcast %broadcast_in_dim3A_756 : i32 to vector<16xi32>
      %gather3A_758 = tpu.vector_load_idx %arg30[%broadcast_in_dim3A_757, %get3A_269] : memref<32x400xf32, #tpu.memory_space<vmem>>[vector<16xi32>, vector<16xi32>], vector<16xf32>,
      %broadcast_in_dim3A_759 = arith.constant 14 : i32
      %broadcast_in_dim3A_760 = vector.broadcast %broadcast_in_dim3A_759 : i32 to vector<16xi32>
      %gather3A_761 = tpu.vector_load_idx %arg30[%broadcast_in_dim3A_760, %get3A_269] : memref<32x400xf32, #tpu.memory_space<vmem>>[vector<16xi32>, vector<16xi32>], vector<16xf32>,
      %broadcast_in_dim3A_762 = arith.constant 15 : i32
      %broadcast_in_dim3A_763 = vector.broadcast %broadcast_in_dim3A_762 : i32 to vector<16xi32>
      %gather3A_764 = tpu.vector_load_idx %arg30[%broadcast_in_dim3A_763, %get3A_269] : memref<32x400xf32, #tpu.memory_space<vmem>>[vector<16xi32>, vector<16xi32>], vector<16xf32>,
      %broadcast_in_dim3A_765 = arith.constant 16 : i32
      %broadcast_in_dim3A_766 = vector.broadcast %broadcast_in_dim3A_765 : i32 to vector<16xi32>
      %gather3A_767 = tpu.vector_load_idx %arg30[%broadcast_in_dim3A_766, %get3A_269] : memref<32x400xf32, #tpu.memory_space<vmem>>[vector<16xi32>, vector<16xi32>], vector<16xf32>,
      %broadcast_in_dim3A_768 = arith.constant 17 : i32
      %broadcast_in_dim3A_769 = vector.broadcast %broadcast_in_dim3A_768 : i32 to vector<16xi32>
      %gather3A_770 = tpu.vector_load_idx %arg30[%broadcast_in_dim3A_769, %get3A_269] : memref<32x400xf32, #tpu.memory_space<vmem>>[vector<16xi32>, vector<16xi32>], vector<16xf32>,
      %broadcast_in_dim3A_771 = arith.constant 18 : i32
      %broadcast_in_dim3A_772 = vector.broadcast %broadcast_in_dim3A_771 : i32 to vector<16xi32>
      %gather3A_773 = tpu.vector_load_idx %arg30[%broadcast_in_dim3A_772, %get3A_269] : memref<32x400xf32, #tpu.memory_space<vmem>>[vector<16xi32>, vector<16xi32>], vector<16xf32>,
      %swap3A_774 = arith.constant 1 : i32
      %swap3A_775 = arith.constant 40 : i32
      %swap3A_776 = arith.index_cast %swap3A_774 : i32 to index
      %swap3A_777 = arith.index_cast %swap3A_775 : i32 to index
      %swap3A_778 = arith.index_cast %mul3A_264 : i32 to index
      %swap3A_779 = tpu.vector_load %arg37[%swap3A_776, %swap3A_777, %swap3A_778] {strides = array<i32>} : memref<2x89x256xf32, #tpu.memory_space<vmem>>, vector<16xf32>,
      tpu.vector_store %arg37[%swap3A_776, %swap3A_777, %swap3A_778], %gather3A_752 {strides = array<i32>} : memref<2x89x256xf32, #tpu.memory_space<vmem>>, vector<16xf32>,
      %swap3A_780 = arith.constant 1 : i32
      %swap3A_781 = arith.constant 41 : i32
      %swap3A_782 = arith.index_cast %swap3A_780 : i32 to index
      %swap3A_783 = arith.index_cast %swap3A_781 : i32 to index
      %swap3A_784 = arith.index_cast %mul3A_264 : i32 to index
      %swap3A_785 = tpu.vector_load %arg37[%swap3A_782, %swap3A_783, %swap3A_784] {strides = array<i32>} : memref<2x89x256xf32, #tpu.memory_space<vmem>>, vector<16xf32>,
      tpu.vector_store %arg37[%swap3A_782, %swap3A_783, %swap3A_784], %gather3A_755 {strides = array<i32>} : memref<2x89x256xf32, #tpu.memory_space<vmem>>, vector<16xf32>,
      %swap3A_786 = arith.constant 1 : i32
      %swap3A_787 = arith.constant 42 : i32
      %swap3A_788 = arith.index_cast %swap3A_786 : i32 to index
      %swap3A_789 = arith.index_cast %swap3A_787 : i32 to index
      %swap3A_790 = arith.index_cast %mul3A_264 : i32 to index
      %swap3A_791 = tpu.vector_load %arg37[%swap3A_788, %swap3A_789, %swap3A_790] {strides = array<i32>} : memref<2x89x256xf32, #tpu.memory_space<vmem>>, vector<16xf32>,
      tpu.vector_store %arg37[%swap3A_788, %swap3A_789, %swap3A_790], %gather3A_758 {strides = array<i32>} : memref<2x89x256xf32, #tpu.memory_space<vmem>>, vector<16xf32>,
      %swap3A_792 = arith.constant 1 : i32
      %swap3A_793 = arith.constant 43 : i32
      %swap3A_794 = arith.index_cast %swap3A_792 : i32 to index
      %swap3A_795 = arith.index_cast %swap3A_793 : i32 to index
      %swap3A_796 = arith.index_cast %mul3A_264 : i32 to index
      %swap3A_797 = tpu.vector_load %arg37[%swap3A_794, %swap3A_795, %swap3A_796] {strides = array<i32>} : memref<2x89x256xf32, #tpu.memory_space<vmem>>, vector<16xf32>,
      tpu.vector_store %arg37[%swap3A_794, %swap3A_795, %swap3A_796], %gather3A_761 {strides = array<i32>} : memref<2x89x256xf32, #tpu.memory_space<vmem>>, vector<16xf32>,
      %swap3A_798 = arith.constant 1 : i32
      %swap3A_799 = arith.constant 44 : i32
      %swap3A_800 = arith.index_cast %swap3A_798 : i32 to index
      %swap3A_801 = arith.index_cast %swap3A_799 : i32 to index
      %swap3A_802 = arith.index_cast %mul3A_264 : i32 to index
      %swap3A_803 = tpu.vector_load %arg37[%swap3A_800, %swap3A_801, %swap3A_802] {strides = array<i32>} : memref<2x89x256xf32, #tpu.memory_space<vmem>>, vector<16xf32>,
      tpu.vector_store %arg37[%swap3A_800, %swap3A_801, %swap3A_802], %gather3A_764 {strides = array<i32>} : memref<2x89x256xf32, #tpu.memory_space<vmem>>, vector<16xf32>,
      %swap3A_804 = arith.constant 1 : i32
      %swap3A_805 = arith.constant 45 : i32
      %swap3A_806 = arith.index_cast %swap3A_804 : i32 to index
      %swap3A_807 = arith.index_cast %swap3A_805 : i32 to index
      %swap3A_808 = arith.index_cast %mul3A_264 : i32 to index
      %swap3A_809 = tpu.vector_load %arg37[%swap3A_806, %swap3A_807, %swap3A_808] {strides = array<i32>} : memref<2x89x256xf32, #tpu.memory_space<vmem>>, vector<16xf32>,
      tpu.vector_store %arg37[%swap3A_806, %swap3A_807, %swap3A_808], %gather3A_767 {strides = array<i32>} : memref<2x89x256xf32, #tpu.memory_space<vmem>>, vector<16xf32>,
      %swap3A_810 = arith.constant 1 : i32
      %swap3A_811 = arith.constant 46 : i32
      %swap3A_812 = arith.index_cast %swap3A_810 : i32 to index
      %swap3A_813 = arith.index_cast %swap3A_811 : i32 to index
      %swap3A_814 = arith.index_cast %mul3A_264 : i32 to index
      %swap3A_815 = tpu.vector_load %arg37[%swap3A_812, %swap3A_813, %swap3A_814] {strides = array<i32>} : memref<2x89x256xf32, #tpu.memory_space<vmem>>, vector<16xf32>,
      tpu.vector_store %arg37[%swap3A_812, %swap3A_813, %swap3A_814], %gather3A_770 {strides = array<i32>} : memref<2x89x256xf32, #tpu.memory_space<vmem>>, vector<16xf32>,
      %swap3A_816 = arith.constant 1 : i32
      %swap3A_817 = arith.constant 47 : i32
      %swap3A_818 = arith.index_cast %swap3A_816 : i32 to index
      %swap3A_819 = arith.index_cast %swap3A_817 : i32 to index
      %swap3A_820 = arith.index_cast %mul3A_264 : i32 to index
      %swap3A_821 = tpu.vector_load %arg37[%swap3A_818, %swap3A_819, %swap3A_820] {strides = array<i32>} : memref<2x89x256xf32, #tpu.memory_space<vmem>>, vector<16xf32>,
      tpu.vector_store %arg37[%swap3A_818, %swap3A_819, %swap3A_820], %gather3A_773 {strides = array<i32>} : memref<2x89x256xf32, #tpu.memory_space<vmem>>, vector<16xf32>,
      %broadcast_in_dim3A_822 = arith.constant 19 : i32
      %broadcast_in_dim3A_823 = vector.broadcast %broadcast_in_dim3A_822 : i32 to vector<16xi32>
      %gather3A_824 = tpu.vector_load_idx %arg30[%broadcast_in_dim3A_823, %get3A_269] : memref<32x400xf32, #tpu.memory_space<vmem>>[vector<16xi32>, vector<16xi32>], vector<16xf32>,
      %broadcast_in_dim3A_825 = arith.constant 20 : i32
      %broadcast_in_dim3A_826 = vector.broadcast %broadcast_in_dim3A_825 : i32 to vector<16xi32>
      %gather3A_827 = tpu.vector_load_idx %arg30[%broadcast_in_dim3A_826, %get3A_269] : memref<32x400xf32, #tpu.memory_space<vmem>>[vector<16xi32>, vector<16xi32>], vector<16xf32>,
      %broadcast_in_dim3A_828 = arith.constant 21 : i32
      %broadcast_in_dim3A_829 = vector.broadcast %broadcast_in_dim3A_828 : i32 to vector<16xi32>
      %gather3A_830 = tpu.vector_load_idx %arg30[%broadcast_in_dim3A_829, %get3A_269] : memref<32x400xf32, #tpu.memory_space<vmem>>[vector<16xi32>, vector<16xi32>], vector<16xf32>,
      %broadcast_in_dim3A_831 = arith.constant 22 : i32
      %broadcast_in_dim3A_832 = vector.broadcast %broadcast_in_dim3A_831 : i32 to vector<16xi32>
      %gather3A_833 = tpu.vector_load_idx %arg30[%broadcast_in_dim3A_832, %get3A_269] : memref<32x400xf32, #tpu.memory_space<vmem>>[vector<16xi32>, vector<16xi32>], vector<16xf32>,
      %broadcast_in_dim3A_834 = arith.constant 23 : i32
      %broadcast_in_dim3A_835 = vector.broadcast %broadcast_in_dim3A_834 : i32 to vector<16xi32>
      %gather3A_836 = tpu.vector_load_idx %arg30[%broadcast_in_dim3A_835, %get3A_269] : memref<32x400xf32, #tpu.memory_space<vmem>>[vector<16xi32>, vector<16xi32>], vector<16xf32>,
      %broadcast_in_dim3A_837 = arith.constant 24 : i32
      %broadcast_in_dim3A_838 = vector.broadcast %broadcast_in_dim3A_837 : i32 to vector<16xi32>
      %gather3A_839 = tpu.vector_load_idx %arg30[%broadcast_in_dim3A_838, %get3A_269] : memref<32x400xf32, #tpu.memory_space<vmem>>[vector<16xi32>, vector<16xi32>], vector<16xf32>,
      %broadcast_in_dim3A_840 = arith.constant 25 : i32
      %broadcast_in_dim3A_841 = vector.broadcast %broadcast_in_dim3A_840 : i32 to vector<16xi32>
      %gather3A_842 = tpu.vector_load_idx %arg30[%broadcast_in_dim3A_841, %get3A_269] : memref<32x400xf32, #tpu.memory_space<vmem>>[vector<16xi32>, vector<16xi32>], vector<16xf32>,
      %broadcast_in_dim3A_843 = arith.constant 26 : i32
      %broadcast_in_dim3A_844 = vector.broadcast %broadcast_in_dim3A_843 : i32 to vector<16xi32>
      %gather3A_845 = tpu.vector_load_idx %arg30[%broadcast_in_dim3A_844, %get3A_269] : memref<32x400xf32, #tpu.memory_space<vmem>>[vector<16xi32>, vector<16xi32>], vector<16xf32>,
      %swap3A_846 = arith.constant 1 : i32
      %swap3A_847 = arith.constant 48 : i32
      %swap3A_848 = arith.index_cast %swap3A_846 : i32 to index
      %swap3A_849 = arith.index_cast %swap3A_847 : i32 to index
      %swap3A_850 = arith.index_cast %mul3A_264 : i32 to index
      %swap3A_851 = tpu.vector_load %arg37[%swap3A_848, %swap3A_849, %swap3A_850] {strides = array<i32>} : memref<2x89x256xf32, #tpu.memory_space<vmem>>, vector<16xf32>,
      tpu.vector_store %arg37[%swap3A_848, %swap3A_849, %swap3A_850], %gather3A_824 {strides = array<i32>} : memref<2x89x256xf32, #tpu.memory_space<vmem>>, vector<16xf32>,
      %swap3A_852 = arith.constant 1 : i32
      %swap3A_853 = arith.constant 49 : i32
      %swap3A_854 = arith.index_cast %swap3A_852 : i32 to index
      %swap3A_855 = arith.index_cast %swap3A_853 : i32 to index
      %swap3A_856 = arith.index_cast %mul3A_264 : i32 to index
      %swap3A_857 = tpu.vector_load %arg37[%swap3A_854, %swap3A_855, %swap3A_856] {strides = array<i32>} : memref<2x89x256xf32, #tpu.memory_space<vmem>>, vector<16xf32>,
      tpu.vector_store %arg37[%swap3A_854, %swap3A_855, %swap3A_856], %gather3A_827 {strides = array<i32>} : memref<2x89x256xf32, #tpu.memory_space<vmem>>, vector<16xf32>,
      %swap3A_858 = arith.constant 1 : i32
      %swap3A_859 = arith.constant 50 : i32
      %swap3A_860 = arith.index_cast %swap3A_858 : i32 to index
      %swap3A_861 = arith.index_cast %swap3A_859 : i32 to index
      %swap3A_862 = arith.index_cast %mul3A_264 : i32 to index
      %swap3A_863 = tpu.vector_load %arg37[%swap3A_860, %swap3A_861, %swap3A_862] {strides = array<i32>} : memref<2x89x256xf32, #tpu.memory_space<vmem>>, vector<16xf32>,
      tpu.vector_store %arg37[%swap3A_860, %swap3A_861, %swap3A_862], %gather3A_830 {strides = array<i32>} : memref<2x89x256xf32, #tpu.memory_space<vmem>>, vector<16xf32>,
      %swap3A_864 = arith.constant 1 : i32
      %swap3A_865 = arith.constant 51 : i32
      %swap3A_866 = arith.index_cast %swap3A_864 : i32 to index
      %swap3A_867 = arith.index_cast %swap3A_865 : i32 to index
      %swap3A_868 = arith.index_cast %mul3A_264 : i32 to index
      %swap3A_869 = tpu.vector_load %arg37[%swap3A_866, %swap3A_867, %swap3A_868] {strides = array<i32>} : memref<2x89x256xf32, #tpu.memory_space<vmem>>, vector<16xf32>,
      tpu.vector_store %arg37[%swap3A_866, %swap3A_867, %swap3A_868], %gather3A_833 {strides = array<i32>} : memref<2x89x256xf32, #tpu.memory_space<vmem>>, vector<16xf32>,
      %swap3A_870 = arith.constant 1 : i32
      %swap3A_871 = arith.constant 52 : i32
      %swap3A_872 = arith.index_cast %swap3A_870 : i32 to index
      %swap3A_873 = arith.index_cast %swap3A_871 : i32 to index
      %swap3A_874 = arith.index_cast %mul3A_264 : i32 to index
      %swap3A_875 = tpu.vector_load %arg37[%swap3A_872, %swap3A_873, %swap3A_874] {strides = array<i32>} : memref<2x89x256xf32, #tpu.memory_space<vmem>>, vector<16xf32>,
      tpu.vector_store %arg37[%swap3A_872, %swap3A_873, %swap3A_874], %gather3A_836 {strides = array<i32>} : memref<2x89x256xf32, #tpu.memory_space<vmem>>, vector<16xf32>,
      %swap3A_876 = arith.constant 1 : i32
      %swap3A_877 = arith.constant 53 : i32
      %swap3A_878 = arith.index_cast %swap3A_876 : i32 to index
      %swap3A_879 = arith.index_cast %swap3A_877 : i32 to index
      %swap3A_880 = arith.index_cast %mul3A_264 : i32 to index
      %swap3A_881 = tpu.vector_load %arg37[%swap3A_878, %swap3A_879, %swap3A_880] {strides = array<i32>} : memref<2x89x256xf32, #tpu.memory_space<vmem>>, vector<16xf32>,
      tpu.vector_store %arg37[%swap3A_878, %swap3A_879, %swap3A_880], %gather3A_839 {strides = array<i32>} : memref<2x89x256xf32, #tpu.memory_space<vmem>>, vector<16xf32>,
      %swap3A_882 = arith.constant 1 : i32
      %swap3A_883 = arith.constant 54 : i32
      %swap3A_884 = arith.index_cast %swap3A_882 : i32 to index
      %swap3A_885 = arith.index_cast %swap3A_883 : i32 to index
      %swap3A_886 = arith.index_cast %mul3A_264 : i32 to index
      %swap3A_887 = tpu.vector_load %arg37[%swap3A_884, %swap3A_885, %swap3A_886] {strides = array<i32>} : memref<2x89x256xf32, #tpu.memory_space<vmem>>, vector<16xf32>,
      tpu.vector_store %arg37[%swap3A_884, %swap3A_885, %swap3A_886], %gather3A_842 {strides = array<i32>} : memref<2x89x256xf32, #tpu.memory_space<vmem>>, vector<16xf32>,
      %swap3A_888 = arith.constant 1 : i32
      %swap3A_889 = arith.constant 55 : i32
      %swap3A_890 = arith.index_cast %swap3A_888 : i32 to index
      %swap3A_891 = arith.index_cast %swap3A_889 : i32 to index
      %swap3A_892 = arith.index_cast %mul3A_264 : i32 to index
      %swap3A_893 = tpu.vector_load %arg37[%swap3A_890, %swap3A_891, %swap3A_892] {strides = array<i32>} : memref<2x89x256xf32, #tpu.memory_space<vmem>>, vector<16xf32>,
      tpu.vector_store %arg37[%swap3A_890, %swap3A_891, %swap3A_892], %gather3A_845 {strides = array<i32>} : memref<2x89x256xf32, #tpu.memory_space<vmem>>, vector<16xf32>,
      %broadcast_in_dim3A_894 = arith.constant 27 : i32
      %broadcast_in_dim3A_895 = vector.broadcast %broadcast_in_dim3A_894 : i32 to vector<16xi32>
      %gather3A_896 = tpu.vector_load_idx %arg30[%broadcast_in_dim3A_895, %get3A_269] : memref<32x400xf32, #tpu.memory_space<vmem>>[vector<16xi32>, vector<16xi32>], vector<16xf32>,
      %broadcast_in_dim3A_897 = arith.constant 28 : i32
      %broadcast_in_dim3A_898 = vector.broadcast %broadcast_in_dim3A_897 : i32 to vector<16xi32>
      %gather3A_899 = tpu.vector_load_idx %arg30[%broadcast_in_dim3A_898, %get3A_269] : memref<32x400xf32, #tpu.memory_space<vmem>>[vector<16xi32>, vector<16xi32>], vector<16xf32>,
      %broadcast_in_dim3A_900 = arith.constant 29 : i32
      %broadcast_in_dim3A_901 = vector.broadcast %broadcast_in_dim3A_900 : i32 to vector<16xi32>
      %gather3A_902 = tpu.vector_load_idx %arg30[%broadcast_in_dim3A_901, %get3A_269] : memref<32x400xf32, #tpu.memory_space<vmem>>[vector<16xi32>, vector<16xi32>], vector<16xf32>,
      %broadcast_in_dim3A_903 = arith.constant 30 : i32
      %broadcast_in_dim3A_904 = vector.broadcast %broadcast_in_dim3A_903 : i32 to vector<16xi32>
      %gather3A_905 = tpu.vector_load_idx %arg30[%broadcast_in_dim3A_904, %get3A_269] : memref<32x400xf32, #tpu.memory_space<vmem>>[vector<16xi32>, vector<16xi32>], vector<16xf32>,
      %broadcast_in_dim3A_906 = arith.constant 31 : i32
      %broadcast_in_dim3A_907 = vector.broadcast %broadcast_in_dim3A_906 : i32 to vector<16xi32>
      %gather3A_908 = tpu.vector_load_idx %arg30[%broadcast_in_dim3A_907, %get3A_269] : memref<32x400xf32, #tpu.memory_space<vmem>>[vector<16xi32>, vector<16xi32>], vector<16xf32>,
      %broadcast_in_dim3A_909 = arith.constant 0 : i32
      %broadcast_in_dim3A_910 = vector.broadcast %broadcast_in_dim3A_909 : i32 to vector<16xi32>
      %gather3A_911 = tpu.vector_load_idx %arg31[%broadcast_in_dim3A_910, %get3A_275] : memref<4x8xf32, #tpu.memory_space<vmem>>[vector<16xi32>, vector<16xi32>], vector<16xf32>,
      %broadcast_in_dim3A_912 = arith.constant 1 : i32
      %broadcast_in_dim3A_913 = vector.broadcast %broadcast_in_dim3A_912 : i32 to vector<16xi32>
      %gather3A_914 = tpu.vector_load_idx %arg31[%broadcast_in_dim3A_913, %get3A_275] : memref<4x8xf32, #tpu.memory_space<vmem>>[vector<16xi32>, vector<16xi32>], vector<16xf32>,
      %broadcast_in_dim3A_915 = arith.constant 2 : i32
      %broadcast_in_dim3A_916 = vector.broadcast %broadcast_in_dim3A_915 : i32 to vector<16xi32>
      %gather3A_917 = tpu.vector_load_idx %arg31[%broadcast_in_dim3A_916, %get3A_275] : memref<4x8xf32, #tpu.memory_space<vmem>>[vector<16xi32>, vector<16xi32>], vector<16xf32>,
      %swap3A_918 = arith.constant 1 : i32
      %swap3A_919 = arith.constant 56 : i32
      %swap3A_920 = arith.index_cast %swap3A_918 : i32 to index
      %swap3A_921 = arith.index_cast %swap3A_919 : i32 to index
      %swap3A_922 = arith.index_cast %mul3A_264 : i32 to index
      %swap3A_923 = tpu.vector_load %arg37[%swap3A_920, %swap3A_921, %swap3A_922] {strides = array<i32>} : memref<2x89x256xf32, #tpu.memory_space<vmem>>, vector<16xf32>,
      tpu.vector_store %arg37[%swap3A_920, %swap3A_921, %swap3A_922], %gather3A_896 {strides = array<i32>} : memref<2x89x256xf32, #tpu.memory_space<vmem>>, vector<16xf32>,
      %swap3A_924 = arith.constant 1 : i32
      %swap3A_925 = arith.constant 57 : i32
      %swap3A_926 = arith.index_cast %swap3A_924 : i32 to index
      %swap3A_927 = arith.index_cast %swap3A_925 : i32 to index
      %swap3A_928 = arith.index_cast %mul3A_264 : i32 to index
      %swap3A_929 = tpu.vector_load %arg37[%swap3A_926, %swap3A_927, %swap3A_928] {strides = array<i32>} : memref<2x89x256xf32, #tpu.memory_space<vmem>>, vector<16xf32>,
      tpu.vector_store %arg37[%swap3A_926, %swap3A_927, %swap3A_928], %gather3A_899 {strides = array<i32>} : memref<2x89x256xf32, #tpu.memory_space<vmem>>, vector<16xf32>,
      %swap3A_930 = arith.constant 1 : i32
      %swap3A_931 = arith.constant 58 : i32
      %swap3A_932 = arith.index_cast %swap3A_930 : i32 to index
      %swap3A_933 = arith.index_cast %swap3A_931 : i32 to index
      %swap3A_934 = arith.index_cast %mul3A_264 : i32 to index
      %swap3A_935 = tpu.vector_load %arg37[%swap3A_932, %swap3A_933, %swap3A_934] {strides = array<i32>} : memref<2x89x256xf32, #tpu.memory_space<vmem>>, vector<16xf32>,
      tpu.vector_store %arg37[%swap3A_932, %swap3A_933, %swap3A_934], %gather3A_902 {strides = array<i32>} : memref<2x89x256xf32, #tpu.memory_space<vmem>>, vector<16xf32>,
      %swap3A_936 = arith.constant 1 : i32
      %swap3A_937 = arith.constant 59 : i32
      %swap3A_938 = arith.index_cast %swap3A_936 : i32 to index
      %swap3A_939 = arith.index_cast %swap3A_937 : i32 to index
      %swap3A_940 = arith.index_cast %mul3A_264 : i32 to index
      %swap3A_941 = tpu.vector_load %arg37[%swap3A_938, %swap3A_939, %swap3A_940] {strides = array<i32>} : memref<2x89x256xf32, #tpu.memory_space<vmem>>, vector<16xf32>,
      tpu.vector_store %arg37[%swap3A_938, %swap3A_939, %swap3A_940], %gather3A_905 {strides = array<i32>} : memref<2x89x256xf32, #tpu.memory_space<vmem>>, vector<16xf32>,
      %swap3A_942 = arith.constant 1 : i32
      %swap3A_943 = arith.constant 60 : i32
      %swap3A_944 = arith.index_cast %swap3A_942 : i32 to index
      %swap3A_945 = arith.index_cast %swap3A_943 : i32 to index
      %swap3A_946 = arith.index_cast %mul3A_264 : i32 to index
      %swap3A_947 = tpu.vector_load %arg37[%swap3A_944, %swap3A_945, %swap3A_946] {strides = array<i32>} : memref<2x89x256xf32, #tpu.memory_space<vmem>>, vector<16xf32>,
      tpu.vector_store %arg37[%swap3A_944, %swap3A_945, %swap3A_946], %gather3A_908 {strides = array<i32>} : memref<2x89x256xf32, #tpu.memory_space<vmem>>, vector<16xf32>,
      %swap3A_948 = arith.constant 1 : i32
      %swap3A_949 = arith.constant 61 : i32
      %swap3A_950 = arith.index_cast %swap3A_948 : i32 to index
      %swap3A_951 = arith.index_cast %swap3A_949 : i32 to index
      %swap3A_952 = arith.index_cast %mul3A_264 : i32 to index
      %swap3A_953 = tpu.vector_load %arg37[%swap3A_950, %swap3A_951, %swap3A_952] {strides = array<i32>} : memref<2x89x256xf32, #tpu.memory_space<vmem>>, vector<16xf32>,
      tpu.vector_store %arg37[%swap3A_950, %swap3A_951, %swap3A_952], %gather3A_911 {strides = array<i32>} : memref<2x89x256xf32, #tpu.memory_space<vmem>>, vector<16xf32>,
      %swap3A_954 = arith.constant 1 : i32
      %swap3A_955 = arith.constant 62 : i32
      %swap3A_956 = arith.index_cast %swap3A_954 : i32 to index
      %swap3A_957 = arith.index_cast %swap3A_955 : i32 to index
      %swap3A_958 = arith.index_cast %mul3A_264 : i32 to index
      %swap3A_959 = tpu.vector_load %arg37[%swap3A_956, %swap3A_957, %swap3A_958] {strides = array<i32>} : memref<2x89x256xf32, #tpu.memory_space<vmem>>, vector<16xf32>,
      tpu.vector_store %arg37[%swap3A_956, %swap3A_957, %swap3A_958], %gather3A_914 {strides = array<i32>} : memref<2x89x256xf32, #tpu.memory_space<vmem>>, vector<16xf32>,
      %swap3A_960 = arith.constant 1 : i32
      %swap3A_961 = arith.constant 63 : i32
      %swap3A_962 = arith.index_cast %swap3A_960 : i32 to index
      %swap3A_963 = arith.index_cast %swap3A_961 : i32 to index
      %swap3A_964 = arith.index_cast %mul3A_264 : i32 to index
      %swap3A_965 = tpu.vector_load %arg37[%swap3A_962, %swap3A_963, %swap3A_964] {strides = array<i32>} : memref<2x89x256xf32, #tpu.memory_space<vmem>>, vector<16xf32>,
      tpu.vector_store %arg37[%swap3A_962, %swap3A_963, %swap3A_964], %gather3A_917 {strides = array<i32>} : memref<2x89x256xf32, #tpu.memory_space<vmem>>, vector<16xf32>,
      %broadcast_in_dim3A_966 = arith.constant 3 : i32
      %broadcast_in_dim3A_967 = vector.broadcast %broadcast_in_dim3A_966 : i32 to vector<16xi32>
      %gather3A_968 = tpu.vector_load_idx %arg31[%broadcast_in_dim3A_967, %get3A_275] : memref<4x8xf32, #tpu.memory_space<vmem>>[vector<16xi32>, vector<16xi32>], vector<16xf32>,
      %broadcast_in_dim3A_969 = arith.constant 0 : i32
      %broadcast_in_dim3A_970 = vector.broadcast %broadcast_in_dim3A_969 : i32 to vector<16xi32>
      %gather3A_971 = tpu.vector_load_idx %arg32[%broadcast_in_dim3A_970, %get3A_281] : memref<8x33xf32, #tpu.memory_space<vmem>>[vector<16xi32>, vector<16xi32>], vector<16xf32>,
      %broadcast_in_dim3A_972 = arith.constant 1 : i32
      %broadcast_in_dim3A_973 = vector.broadcast %broadcast_in_dim3A_972 : i32 to vector<16xi32>
      %gather3A_974 = tpu.vector_load_idx %arg32[%broadcast_in_dim3A_973, %get3A_281] : memref<8x33xf32, #tpu.memory_space<vmem>>[vector<16xi32>, vector<16xi32>], vector<16xf32>,
      %broadcast_in_dim3A_975 = arith.constant 2 : i32
      %broadcast_in_dim3A_976 = vector.broadcast %broadcast_in_dim3A_975 : i32 to vector<16xi32>
      %gather3A_977 = tpu.vector_load_idx %arg32[%broadcast_in_dim3A_976, %get3A_281] : memref<8x33xf32, #tpu.memory_space<vmem>>[vector<16xi32>, vector<16xi32>], vector<16xf32>,
      %broadcast_in_dim3A_978 = arith.constant 3 : i32
      %broadcast_in_dim3A_979 = vector.broadcast %broadcast_in_dim3A_978 : i32 to vector<16xi32>
      %gather3A_980 = tpu.vector_load_idx %arg32[%broadcast_in_dim3A_979, %get3A_281] : memref<8x33xf32, #tpu.memory_space<vmem>>[vector<16xi32>, vector<16xi32>], vector<16xf32>,
      %broadcast_in_dim3A_981 = arith.constant 4 : i32
      %broadcast_in_dim3A_982 = vector.broadcast %broadcast_in_dim3A_981 : i32 to vector<16xi32>
      %gather3A_983 = tpu.vector_load_idx %arg32[%broadcast_in_dim3A_982, %get3A_281] : memref<8x33xf32, #tpu.memory_space<vmem>>[vector<16xi32>, vector<16xi32>], vector<16xf32>,
      %broadcast_in_dim3A_984 = arith.constant 5 : i32
      %broadcast_in_dim3A_985 = vector.broadcast %broadcast_in_dim3A_984 : i32 to vector<16xi32>
      %gather3A_986 = tpu.vector_load_idx %arg32[%broadcast_in_dim3A_985, %get3A_281] : memref<8x33xf32, #tpu.memory_space<vmem>>[vector<16xi32>, vector<16xi32>], vector<16xf32>,
      %broadcast_in_dim3A_987 = arith.constant 6 : i32
      %broadcast_in_dim3A_988 = vector.broadcast %broadcast_in_dim3A_987 : i32 to vector<16xi32>
      %gather3A_989 = tpu.vector_load_idx %arg32[%broadcast_in_dim3A_988, %get3A_281] : memref<8x33xf32, #tpu.memory_space<vmem>>[vector<16xi32>, vector<16xi32>], vector<16xf32>,
      %swap3A_990 = arith.constant 1 : i32
      %swap3A_991 = arith.constant 64 : i32
      %swap3A_992 = arith.index_cast %swap3A_990 : i32 to index
      %swap3A_993 = arith.index_cast %swap3A_991 : i32 to index
      %swap3A_994 = arith.index_cast %mul3A_264 : i32 to index
      %swap3A_995 = tpu.vector_load %arg37[%swap3A_992, %swap3A_993, %swap3A_994] {strides = array<i32>} : memref<2x89x256xf32, #tpu.memory_space<vmem>>, vector<16xf32>,
      tpu.vector_store %arg37[%swap3A_992, %swap3A_993, %swap3A_994], %gather3A_968 {strides = array<i32>} : memref<2x89x256xf32, #tpu.memory_space<vmem>>, vector<16xf32>,
      %swap3A_996 = arith.constant 1 : i32
      %swap3A_997 = arith.constant 65 : i32
      %swap3A_998 = arith.index_cast %swap3A_996 : i32 to index
      %swap3A_999 = arith.index_cast %swap3A_997 : i32 to index
      %swap3A_1000 = arith.index_cast %mul3A_264 : i32 to index
      %swap3A_1001 = tpu.vector_load %arg37[%swap3A_998, %swap3A_999, %swap3A_1000] {strides = array<i32>} : memref<2x89x256xf32, #tpu.memory_space<vmem>>, vector<16xf32>,
      tpu.vector_store %arg37[%swap3A_998, %swap3A_999, %swap3A_1000], %gather3A_971 {strides = array<i32>} : memref<2x89x256xf32, #tpu.memory_space<vmem>>, vector<16xf32>,
      %swap3A_1002 = arith.constant 1 : i32
      %swap3A_1003 = arith.constant 66 : i32
      %swap3A_1004 = arith.index_cast %swap3A_1002 : i32 to index
      %swap3A_1005 = arith.index_cast %swap3A_1003 : i32 to index
      %swap3A_1006 = arith.index_cast %mul3A_264 : i32 to index
      %swap3A_1007 = tpu.vector_load %arg37[%swap3A_1004, %swap3A_1005, %swap3A_1006] {strides = array<i32>} : memref<2x89x256xf32, #tpu.memory_space<vmem>>, vector<16xf32>,
      tpu.vector_store %arg37[%swap3A_1004, %swap3A_1005, %swap3A_1006], %gather3A_974 {strides = array<i32>} : memref<2x89x256xf32, #tpu.memory_space<vmem>>, vector<16xf32>,
      %swap3A_1008 = arith.constant 1 : i32
      %swap3A_1009 = arith.constant 67 : i32
      %swap3A_1010 = arith.index_cast %swap3A_1008 : i32 to index
      %swap3A_1011 = arith.index_cast %swap3A_1009 : i32 to index
      %swap3A_1012 = arith.index_cast %mul3A_264 : i32 to index
      %swap3A_1013 = tpu.vector_load %arg37[%swap3A_1010, %swap3A_1011, %swap3A_1012] {strides = array<i32>} : memref<2x89x256xf32, #tpu.memory_space<vmem>>, vector<16xf32>,
      tpu.vector_store %arg37[%swap3A_1010, %swap3A_1011, %swap3A_1012], %gather3A_977 {strides = array<i32>} : memref<2x89x256xf32, #tpu.memory_space<vmem>>, vector<16xf32>,
      %swap3A_1014 = arith.constant 1 : i32
      %swap3A_1015 = arith.constant 68 : i32
      %swap3A_1016 = arith.index_cast %swap3A_1014 : i32 to index
      %swap3A_1017 = arith.index_cast %swap3A_1015 : i32 to index
      %swap3A_1018 = arith.index_cast %mul3A_264 : i32 to index
      %swap3A_1019 = tpu.vector_load %arg37[%swap3A_1016, %swap3A_1017, %swap3A_1018] {strides = array<i32>} : memref<2x89x256xf32, #tpu.memory_space<vmem>>, vector<16xf32>,
      tpu.vector_store %arg37[%swap3A_1016, %swap3A_1017, %swap3A_1018], %gather3A_980 {strides = array<i32>} : memref<2x89x256xf32, #tpu.memory_space<vmem>>, vector<16xf32>,
      %swap3A_1020 = arith.constant 1 : i32
      %swap3A_1021 = arith.constant 69 : i32
      %swap3A_1022 = arith.index_cast %swap3A_1020 : i32 to index
      %swap3A_1023 = arith.index_cast %swap3A_1021 : i32 to index
      %swap3A_1024 = arith.index_cast %mul3A_264 : i32 to index
      %swap3A_1025 = tpu.vector_load %arg37[%swap3A_1022, %swap3A_1023, %swap3A_1024] {strides = array<i32>} : memref<2x89x256xf32, #tpu.memory_space<vmem>>, vector<16xf32>,
      tpu.vector_store %arg37[%swap3A_1022, %swap3A_1023, %swap3A_1024], %gather3A_983 {strides = array<i32>} : memref<2x89x256xf32, #tpu.memory_space<vmem>>, vector<16xf32>,
      %swap3A_1026 = arith.constant 1 : i32
      %swap3A_1027 = arith.constant 70 : i32
      %swap3A_1028 = arith.index_cast %swap3A_1026 : i32 to index
      %swap3A_1029 = arith.index_cast %swap3A_1027 : i32 to index
      %swap3A_1030 = arith.index_cast %mul3A_264 : i32 to index
      %swap3A_1031 = tpu.vector_load %arg37[%swap3A_1028, %swap3A_1029, %swap3A_1030] {strides = array<i32>} : memref<2x89x256xf32, #tpu.memory_space<vmem>>, vector<16xf32>,
      tpu.vector_store %arg37[%swap3A_1028, %swap3A_1029, %swap3A_1030], %gather3A_986 {strides = array<i32>} : memref<2x89x256xf32, #tpu.memory_space<vmem>>, vector<16xf32>,
      %swap3A_1032 = arith.constant 1 : i32
      %swap3A_1033 = arith.constant 71 : i32
      %swap3A_1034 = arith.index_cast %swap3A_1032 : i32 to index
      %swap3A_1035 = arith.index_cast %swap3A_1033 : i32 to index
      %swap3A_1036 = arith.index_cast %mul3A_264 : i32 to index
      %swap3A_1037 = tpu.vector_load %arg37[%swap3A_1034, %swap3A_1035, %swap3A_1036] {strides = array<i32>} : memref<2x89x256xf32, #tpu.memory_space<vmem>>, vector<16xf32>,
      tpu.vector_store %arg37[%swap3A_1034, %swap3A_1035, %swap3A_1036], %gather3A_989 {strides = array<i32>} : memref<2x89x256xf32, #tpu.memory_space<vmem>>, vector<16xf32>,
      %broadcast_in_dim3A_1038 = arith.constant 7 : i32
      %broadcast_in_dim3A_1039 = vector.broadcast %broadcast_in_dim3A_1038 : i32 to vector<16xi32>
      %gather3A_1040 = tpu.vector_load_idx %arg32[%broadcast_in_dim3A_1039, %get3A_281] : memref<8x33xf32, #tpu.memory_space<vmem>>[vector<16xi32>, vector<16xi32>], vector<16xf32>,
      %broadcast_in_dim3A_1041 = arith.constant 0 : i32
      %broadcast_in_dim3A_1042 = vector.broadcast %broadcast_in_dim3A_1041 : i32 to vector<16xi32>
      %gather3A_1043 = tpu.vector_load_idx %arg33[%broadcast_in_dim3A_1042, %get3A_287] : memref<2x3xf32, #tpu.memory_space<vmem>>[vector<16xi32>, vector<16xi32>], vector<16xf32>,
      %broadcast_in_dim3A_1044 = arith.constant 1 : i32
      %broadcast_in_dim3A_1045 = vector.broadcast %broadcast_in_dim3A_1044 : i32 to vector<16xi32>
      %gather3A_1046 = tpu.vector_load_idx %arg33[%broadcast_in_dim3A_1045, %get3A_287] : memref<2x3xf32, #tpu.memory_space<vmem>>[vector<16xi32>, vector<16xi32>], vector<16xf32>,
      %broadcast_in_dim3A_1047 = arith.constant 0 : i32
      %broadcast_in_dim3A_1048 = vector.broadcast %broadcast_in_dim3A_1047 : i32 to vector<16xi32>
      %gather3A_1049 = tpu.vector_load_idx %arg34[%broadcast_in_dim3A_1048, %get3A_293] : memref<2x3xf32, #tpu.memory_space<vmem>>[vector<16xi32>, vector<16xi32>], vector<16xf32>,
      %broadcast_in_dim3A_1050 = arith.constant 1 : i32
      %broadcast_in_dim3A_1051 = vector.broadcast %broadcast_in_dim3A_1050 : i32 to vector<16xi32>
      %gather3A_1052 = tpu.vector_load_idx %arg34[%broadcast_in_dim3A_1051, %get3A_293] : memref<2x3xf32, #tpu.memory_space<vmem>>[vector<16xi32>, vector<16xi32>], vector<16xf32>,
      %broadcast_in_dim3A_1053 = arith.constant 0 : i32
      %broadcast_in_dim3A_1054 = vector.broadcast %broadcast_in_dim3A_1053 : i32 to vector<16xi32>
      %gather3A_1055 = tpu.vector_load_idx %arg35[%broadcast_in_dim3A_1054, %get3A_299] : memref<4x32xf32, #tpu.memory_space<vmem>>[vector<16xi32>, vector<16xi32>], vector<16xf32>,
      %broadcast_in_dim3A_1056 = arith.constant 1 : i32
      %broadcast_in_dim3A_1057 = vector.broadcast %broadcast_in_dim3A_1056 : i32 to vector<16xi32>
      %gather3A_1058 = tpu.vector_load_idx %arg35[%broadcast_in_dim3A_1057, %get3A_299] : memref<4x32xf32, #tpu.memory_space<vmem>>[vector<16xi32>, vector<16xi32>], vector<16xf32>,
      %broadcast_in_dim3A_1059 = arith.constant 2 : i32
      %broadcast_in_dim3A_1060 = vector.broadcast %broadcast_in_dim3A_1059 : i32 to vector<16xi32>
      %gather3A_1061 = tpu.vector_load_idx %arg35[%broadcast_in_dim3A_1060, %get3A_299] : memref<4x32xf32, #tpu.memory_space<vmem>>[vector<16xi32>, vector<16xi32>], vector<16xf32>,
      %swap3A_1062 = arith.constant 1 : i32
      %swap3A_1063 = arith.constant 72 : i32
      %swap3A_1064 = arith.index_cast %swap3A_1062 : i32 to index
      %swap3A_1065 = arith.index_cast %swap3A_1063 : i32 to index
      %swap3A_1066 = arith.index_cast %mul3A_264 : i32 to index
      %swap3A_1067 = tpu.vector_load %arg37[%swap3A_1064, %swap3A_1065, %swap3A_1066] {strides = array<i32>} : memref<2x89x256xf32, #tpu.memory_space<vmem>>, vector<16xf32>,
      tpu.vector_store %arg37[%swap3A_1064, %swap3A_1065, %swap3A_1066], %gather3A_1040 {strides = array<i32>} : memref<2x89x256xf32, #tpu.memory_space<vmem>>, vector<16xf32>,
      %swap3A_1068 = arith.constant 1 : i32
      %swap3A_1069 = arith.constant 73 : i32
      %swap3A_1070 = arith.index_cast %swap3A_1068 : i32 to index
      %swap3A_1071 = arith.index_cast %swap3A_1069 : i32 to index
      %swap3A_1072 = arith.index_cast %mul3A_264 : i32 to index
      %swap3A_1073 = tpu.vector_load %arg37[%swap3A_1070, %swap3A_1071, %swap3A_1072] {strides = array<i32>} : memref<2x89x256xf32, #tpu.memory_space<vmem>>, vector<16xf32>,
      tpu.vector_store %arg37[%swap3A_1070, %swap3A_1071, %swap3A_1072], %gather3A_1043 {strides = array<i32>} : memref<2x89x256xf32, #tpu.memory_space<vmem>>, vector<16xf32>,
      %swap3A_1074 = arith.constant 1 : i32
      %swap3A_1075 = arith.constant 74 : i32
      %swap3A_1076 = arith.index_cast %swap3A_1074 : i32 to index
      %swap3A_1077 = arith.index_cast %swap3A_1075 : i32 to index
      %swap3A_1078 = arith.index_cast %mul3A_264 : i32 to index
      %swap3A_1079 = tpu.vector_load %arg37[%swap3A_1076, %swap3A_1077, %swap3A_1078] {strides = array<i32>} : memref<2x89x256xf32, #tpu.memory_space<vmem>>, vector<16xf32>,
      tpu.vector_store %arg37[%swap3A_1076, %swap3A_1077, %swap3A_1078], %gather3A_1046 {strides = array<i32>} : memref<2x89x256xf32, #tpu.memory_space<vmem>>, vector<16xf32>,
      %swap3A_1080 = arith.constant 1 : i32
      %swap3A_1081 = arith.constant 75 : i32
      %swap3A_1082 = arith.index_cast %swap3A_1080 : i32 to index
      %swap3A_1083 = arith.index_cast %swap3A_1081 : i32 to index
      %swap3A_1084 = arith.index_cast %mul3A_264 : i32 to index
      %swap3A_1085 = tpu.vector_load %arg37[%swap3A_1082, %swap3A_1083, %swap3A_1084] {strides = array<i32>} : memref<2x89x256xf32, #tpu.memory_space<vmem>>, vector<16xf32>,
      tpu.vector_store %arg37[%swap3A_1082, %swap3A_1083, %swap3A_1084], %gather3A_1049 {strides = array<i32>} : memref<2x89x256xf32, #tpu.memory_space<vmem>>, vector<16xf32>,
      %swap3A_1086 = arith.constant 1 : i32
      %swap3A_1087 = arith.constant 76 : i32
      %swap3A_1088 = arith.index_cast %swap3A_1086 : i32 to index
      %swap3A_1089 = arith.index_cast %swap3A_1087 : i32 to index
      %swap3A_1090 = arith.index_cast %mul3A_264 : i32 to index
      %swap3A_1091 = tpu.vector_load %arg37[%swap3A_1088, %swap3A_1089, %swap3A_1090] {strides = array<i32>} : memref<2x89x256xf32, #tpu.memory_space<vmem>>, vector<16xf32>,
      tpu.vector_store %arg37[%swap3A_1088, %swap3A_1089, %swap3A_1090], %gather3A_1052 {strides = array<i32>} : memref<2x89x256xf32, #tpu.memory_space<vmem>>, vector<16xf32>,
      %swap3A_1092 = arith.constant 1 : i32
      %swap3A_1093 = arith.constant 77 : i32
      %swap3A_1094 = arith.index_cast %swap3A_1092 : i32 to index
      %swap3A_1095 = arith.index_cast %swap3A_1093 : i32 to index
      %swap3A_1096 = arith.index_cast %mul3A_264 : i32 to index
      %swap3A_1097 = tpu.vector_load %arg37[%swap3A_1094, %swap3A_1095, %swap3A_1096] {strides = array<i32>} : memref<2x89x256xf32, #tpu.memory_space<vmem>>, vector<16xf32>,
      tpu.vector_store %arg37[%swap3A_1094, %swap3A_1095, %swap3A_1096], %gather3A_1055 {strides = array<i32>} : memref<2x89x256xf32, #tpu.memory_space<vmem>>, vector<16xf32>,
      %swap3A_1098 = arith.constant 1 : i32
      %swap3A_1099 = arith.constant 78 : i32
      %swap3A_1100 = arith.index_cast %swap3A_1098 : i32 to index
      %swap3A_1101 = arith.index_cast %swap3A_1099 : i32 to index
      %swap3A_1102 = arith.index_cast %mul3A_264 : i32 to index
      %swap3A_1103 = tpu.vector_load %arg37[%swap3A_1100, %swap3A_1101, %swap3A_1102] {strides = array<i32>} : memref<2x89x256xf32, #tpu.memory_space<vmem>>, vector<16xf32>,
      tpu.vector_store %arg37[%swap3A_1100, %swap3A_1101, %swap3A_1102], %gather3A_1058 {strides = array<i32>} : memref<2x89x256xf32, #tpu.memory_space<vmem>>, vector<16xf32>,
      %swap3A_1104 = arith.constant 1 : i32
      %swap3A_1105 = arith.constant 79 : i32
      %swap3A_1106 = arith.index_cast %swap3A_1104 : i32 to index
      %swap3A_1107 = arith.index_cast %swap3A_1105 : i32 to index
      %swap3A_1108 = arith.index_cast %mul3A_264 : i32 to index
      %swap3A_1109 = tpu.vector_load %arg37[%swap3A_1106, %swap3A_1107, %swap3A_1108] {strides = array<i32>} : memref<2x89x256xf32, #tpu.memory_space<vmem>>, vector<16xf32>,
      tpu.vector_store %arg37[%swap3A_1106, %swap3A_1107, %swap3A_1108], %gather3A_1061 {strides = array<i32>} : memref<2x89x256xf32, #tpu.memory_space<vmem>>, vector<16xf32>,
      %broadcast_in_dim3A_1110 = arith.constant 3 : i32
      %broadcast_in_dim3A_1111 = vector.broadcast %broadcast_in_dim3A_1110 : i32 to vector<16xi32>
      %gather3A_1112 = tpu.vector_load_idx %arg35[%broadcast_in_dim3A_1111, %get3A_299] : memref<4x32xf32, #tpu.memory_space<vmem>>[vector<16xi32>, vector<16xi32>], vector<16xf32>,
      %broadcast_in_dim3A_1113 = arith.constant 0 : i32
      %broadcast_in_dim3A_1114 = vector.broadcast %broadcast_in_dim3A_1113 : i32 to vector<16xi32>
      %gather3A_1115 = tpu.vector_load_idx %arg36[%broadcast_in_dim3A_1114, %get3A_305] : memref<8x64xf32, #tpu.memory_space<vmem>>[vector<16xi32>, vector<16xi32>], vector<16xf32>,
      %broadcast_in_dim3A_1116 = arith.constant 1 : i32
      %broadcast_in_dim3A_1117 = vector.broadcast %broadcast_in_dim3A_1116 : i32 to vector<16xi32>
      %gather3A_1118 = tpu.vector_load_idx %arg36[%broadcast_in_dim3A_1117, %get3A_305] : memref<8x64xf32, #tpu.memory_space<vmem>>[vector<16xi32>, vector<16xi32>], vector<16xf32>,
      %broadcast_in_dim3A_1119 = arith.constant 2 : i32
      %broadcast_in_dim3A_1120 = vector.broadcast %broadcast_in_dim3A_1119 : i32 to vector<16xi32>
      %gather3A_1121 = tpu.vector_load_idx %arg36[%broadcast_in_dim3A_1120, %get3A_305] : memref<8x64xf32, #tpu.memory_space<vmem>>[vector<16xi32>, vector<16xi32>], vector<16xf32>,
      %broadcast_in_dim3A_1122 = arith.constant 3 : i32
      %broadcast_in_dim3A_1123 = vector.broadcast %broadcast_in_dim3A_1122 : i32 to vector<16xi32>
      %gather3A_1124 = tpu.vector_load_idx %arg36[%broadcast_in_dim3A_1123, %get3A_305] : memref<8x64xf32, #tpu.memory_space<vmem>>[vector<16xi32>, vector<16xi32>], vector<16xf32>,
      %broadcast_in_dim3A_1125 = arith.constant 4 : i32
      %broadcast_in_dim3A_1126 = vector.broadcast %broadcast_in_dim3A_1125 : i32 to vector<16xi32>
      %gather3A_1127 = tpu.vector_load_idx %arg36[%broadcast_in_dim3A_1126, %get3A_305] : memref<8x64xf32, #tpu.memory_space<vmem>>[vector<16xi32>, vector<16xi32>], vector<16xf32>,
      %broadcast_in_dim3A_1128 = arith.constant 5 : i32
      %broadcast_in_dim3A_1129 = vector.broadcast %broadcast_in_dim3A_1128 : i32 to vector<16xi32>
      %gather3A_1130 = tpu.vector_load_idx %arg36[%broadcast_in_dim3A_1129, %get3A_305] : memref<8x64xf32, #tpu.memory_space<vmem>>[vector<16xi32>, vector<16xi32>], vector<16xf32>,
      %broadcast_in_dim3A_1131 = arith.constant 6 : i32
      %broadcast_in_dim3A_1132 = vector.broadcast %broadcast_in_dim3A_1131 : i32 to vector<16xi32>
      %gather3A_1133 = tpu.vector_load_idx %arg36[%broadcast_in_dim3A_1132, %get3A_305] : memref<8x64xf32, #tpu.memory_space<vmem>>[vector<16xi32>, vector<16xi32>], vector<16xf32>,
      %swap3A_1134 = arith.constant 1 : i32
      %swap3A_1135 = arith.constant 80 : i32
      %swap3A_1136 = arith.index_cast %swap3A_1134 : i32 to index
      %swap3A_1137 = arith.index_cast %swap3A_1135 : i32 to index
      %swap3A_1138 = arith.index_cast %mul3A_264 : i32 to index
      %swap3A_1139 = tpu.vector_load %arg37[%swap3A_1136, %swap3A_1137, %swap3A_1138] {strides = array<i32>} : memref<2x89x256xf32, #tpu.memory_space<vmem>>, vector<16xf32>,
      tpu.vector_store %arg37[%swap3A_1136, %swap3A_1137, %swap3A_1138], %gather3A_1112 {strides = array<i32>} : memref<2x89x256xf32, #tpu.memory_space<vmem>>, vector<16xf32>,
      %swap3A_1140 = arith.constant 1 : i32
      %swap3A_1141 = arith.constant 81 : i32
      %swap3A_1142 = arith.index_cast %swap3A_1140 : i32 to index
      %swap3A_1143 = arith.index_cast %swap3A_1141 : i32 to index
      %swap3A_1144 = arith.index_cast %mul3A_264 : i32 to index
      %swap3A_1145 = tpu.vector_load %arg37[%swap3A_1142, %swap3A_1143, %swap3A_1144] {strides = array<i32>} : memref<2x89x256xf32, #tpu.memory_space<vmem>>, vector<16xf32>,
      tpu.vector_store %arg37[%swap3A_1142, %swap3A_1143, %swap3A_1144], %gather3A_1115 {strides = array<i32>} : memref<2x89x256xf32, #tpu.memory_space<vmem>>, vector<16xf32>,
      %swap3A_1146 = arith.constant 1 : i32
      %swap3A_1147 = arith.constant 82 : i32
      %swap3A_1148 = arith.index_cast %swap3A_1146 : i32 to index
      %swap3A_1149 = arith.index_cast %swap3A_1147 : i32 to index
      %swap3A_1150 = arith.index_cast %mul3A_264 : i32 to index
      %swap3A_1151 = tpu.vector_load %arg37[%swap3A_1148, %swap3A_1149, %swap3A_1150] {strides = array<i32>} : memref<2x89x256xf32, #tpu.memory_space<vmem>>, vector<16xf32>,
      tpu.vector_store %arg37[%swap3A_1148, %swap3A_1149, %swap3A_1150], %gather3A_1118 {strides = array<i32>} : memref<2x89x256xf32, #tpu.memory_space<vmem>>, vector<16xf32>,
      %swap3A_1152 = arith.constant 1 : i32
      %swap3A_1153 = arith.constant 83 : i32
      %swap3A_1154 = arith.index_cast %swap3A_1152 : i32 to index
      %swap3A_1155 = arith.index_cast %swap3A_1153 : i32 to index
      %swap3A_1156 = arith.index_cast %mul3A_264 : i32 to index
      %swap3A_1157 = tpu.vector_load %arg37[%swap3A_1154, %swap3A_1155, %swap3A_1156] {strides = array<i32>} : memref<2x89x256xf32, #tpu.memory_space<vmem>>, vector<16xf32>,
      tpu.vector_store %arg37[%swap3A_1154, %swap3A_1155, %swap3A_1156], %gather3A_1121 {strides = array<i32>} : memref<2x89x256xf32, #tpu.memory_space<vmem>>, vector<16xf32>,
      %swap3A_1158 = arith.constant 1 : i32
      %swap3A_1159 = arith.constant 84 : i32
      %swap3A_1160 = arith.index_cast %swap3A_1158 : i32 to index
      %swap3A_1161 = arith.index_cast %swap3A_1159 : i32 to index
      %swap3A_1162 = arith.index_cast %mul3A_264 : i32 to index
      %swap3A_1163 = tpu.vector_load %arg37[%swap3A_1160, %swap3A_1161, %swap3A_1162] {strides = array<i32>} : memref<2x89x256xf32, #tpu.memory_space<vmem>>, vector<16xf32>,
      tpu.vector_store %arg37[%swap3A_1160, %swap3A_1161, %swap3A_1162], %gather3A_1124 {strides = array<i32>} : memref<2x89x256xf32, #tpu.memory_space<vmem>>, vector<16xf32>,
      %swap3A_1164 = arith.constant 1 : i32
      %swap3A_1165 = arith.constant 85 : i32
      %swap3A_1166 = arith.index_cast %swap3A_1164 : i32 to index
      %swap3A_1167 = arith.index_cast %swap3A_1165 : i32 to index
      %swap3A_1168 = arith.index_cast %mul3A_264 : i32 to index
      %swap3A_1169 = tpu.vector_load %arg37[%swap3A_1166, %swap3A_1167, %swap3A_1168] {strides = array<i32>} : memref<2x89x256xf32, #tpu.memory_space<vmem>>, vector<16xf32>,
      tpu.vector_store %arg37[%swap3A_1166, %swap3A_1167, %swap3A_1168], %gather3A_1127 {strides = array<i32>} : memref<2x89x256xf32, #tpu.memory_space<vmem>>, vector<16xf32>,
      %swap3A_1170 = arith.constant 1 : i32
      %swap3A_1171 = arith.constant 86 : i32
      %swap3A_1172 = arith.index_cast %swap3A_1170 : i32 to index
      %swap3A_1173 = arith.index_cast %swap3A_1171 : i32 to index
      %swap3A_1174 = arith.index_cast %mul3A_264 : i32 to index
      %swap3A_1175 = tpu.vector_load %arg37[%swap3A_1172, %swap3A_1173, %swap3A_1174] {strides = array<i32>} : memref<2x89x256xf32, #tpu.memory_space<vmem>>, vector<16xf32>,
      tpu.vector_store %arg37[%swap3A_1172, %swap3A_1173, %swap3A_1174], %gather3A_1130 {strides = array<i32>} : memref<2x89x256xf32, #tpu.memory_space<vmem>>, vector<16xf32>,
      %swap3A_1176 = arith.constant 1 : i32
      %swap3A_1177 = arith.constant 87 : i32
      %swap3A_1178 = arith.index_cast %swap3A_1176 : i32 to index
      %swap3A_1179 = arith.index_cast %swap3A_1177 : i32 to index
      %swap3A_1180 = arith.index_cast %mul3A_264 : i32 to index
      %swap3A_1181 = tpu.vector_load %arg37[%swap3A_1178, %swap3A_1179, %swap3A_1180] {strides = array<i32>} : memref<2x89x256xf32, #tpu.memory_space<vmem>>, vector<16xf32>,
      tpu.vector_store %arg37[%swap3A_1178, %swap3A_1179, %swap3A_1180], %gather3A_1133 {strides = array<i32>} : memref<2x89x256xf32, #tpu.memory_space<vmem>>, vector<16xf32>,
      %broadcast_in_dim3A_1182 = arith.constant 7 : i32
      %broadcast_in_dim3A_1183 = vector.broadcast %broadcast_in_dim3A_1182 : i32 to vector<16xi32>
      %gather3A_1184 = tpu.vector_load_idx %arg36[%broadcast_in_dim3A_1183, %get3A_305] : memref<8x64xf32, #tpu.memory_space<vmem>>[vector<16xi32>, vector<16xi32>], vector<16xf32>,
      %swap3A_1185 = arith.constant 1 : i32
      %swap3A_1186 = arith.constant 88 : i32
      %swap3A_1187 = arith.index_cast %swap3A_1185 : i32 to index
      %swap3A_1188 = arith.index_cast %swap3A_1186 : i32 to index
      %swap3A_1189 = arith.index_cast %mul3A_264 : i32 to index
      %swap3A_1190 = tpu.vector_load %arg37[%swap3A_1187, %swap3A_1188, %swap3A_1189] {strides = array<i32>} : memref<2x89x256xf32, #tpu.memory_space<vmem>>, vector<16xf32>,
      tpu.vector_store %arg37[%swap3A_1187, %swap3A_1188, %swap3A_1189], %gather3A_1184 {strides = array<i32>} : memref<2x89x256xf32, #tpu.memory_space<vmem>>, vector<16xf32>,
    }
    %scan3A_220 = arith.constant 16 : i32
    %add3A_221 = arith.constant 256 : i32
    %add3A_222 = arith.addi %mul3A_2, %add3A_221 : i32
    %dma_start3A_223 = arith.constant 1 : i32
    %dma_start3A_224 = arith.constant 0 : i32
    %dma_start3A_225 = arith.constant 0 : i32
    %dma_start3A_226 = tpu.memref_slice %arg37[%dma_start3A_223, %dma_start3A_224, %dma_start3A_225] : memref<2x89x256xf32, #tpu.memory_space<vmem>> -> memref<1x89x256xf32, #tpu.memory_space<vmem>>
    %dma_start3A_227 = tpu.memref_squeeze %dma_start3A_226 : memref<1x89x256xf32, #tpu.memory_space<vmem>> -> memref<89x256xf32, #tpu.memory_space<vmem>>
    %dma_start3A_228 = arith.constant 0 : i32
    %dma_start3A_229 = tpu.memref_slice %arg19[%dma_start3A_228, %add3A_222] : memref<89x16384xf32, #tpu.memory_space<hbm>> -> memref<89x256xf32, #tpu.memory_space<hbm>>
    %dma_start3A_230 = arith.constant 0 : i32
    %dma_start3A_231 = tpu.memref_slice %arg19[%dma_start3A_230, %add3A_222] : memref<89x16384xf32, #tpu.memory_space<hbm>> -> memref<89x256xf32, #tpu.memory_space<hbm>>
    %dma_start3A_232 = arith.constant 0 : i32
    %dma_start3A_233 = arith.constant 0 : i32
    %dma_start3A_234 = tpu.memref_slice %arg37[%dma_start3A_223, %dma_start3A_232, %dma_start3A_233] : memref<2x89x256xf32, #tpu.memory_space<vmem>> -> memref<1x89x256xf32, #tpu.memory_space<vmem>>
    %dma_start3A_235 = tpu.memref_squeeze %dma_start3A_234 : memref<1x89x256xf32, #tpu.memory_space<vmem>> -> memref<89x256xf32, #tpu.memory_space<vmem>>
    tpu.enqueue_dma source(%dma_start3A_235 : memref<89x256xf32, #tpu.memory_space<vmem>>) target(%dma_start3A_231 : memref<89x256xf32, #tpu.memory_space<hbm>>) target_semaphore(%arg40 : memref<!tpu.dma_semaphore, #tpu.memory_space<semaphore_mem>>)
    %dma_wait3A_236 = arith.constant 0 : i32
    %dma_wait3A_237 = arith.constant 0 : i32
    %dma_wait3A_238 = arith.constant 0 : i32
    %dma_wait3A_239 = tpu.memref_slice %arg37[%dma_wait3A_236, %dma_wait3A_237, %dma_wait3A_238] : memref<2x89x256xf32, #tpu.memory_space<vmem>> -> memref<1x89x256xf32, #tpu.memory_space<vmem>>
    %dma_wait3A_240 = tpu.memref_squeeze %dma_wait3A_239 : memref<1x89x256xf32, #tpu.memory_space<vmem>> -> memref<89x256xf32, #tpu.memory_space<vmem>>
    %dma_wait3A_241 = arith.constant 0 : i32
    %dma_wait3A_242 = tpu.memref_slice %arg19[%dma_wait3A_241, %mul3A_2] : memref<89x16384xf32, #tpu.memory_space<hbm>> -> memref<89x256xf32, #tpu.memory_space<hbm>>
    %dma_wait3A_243 = arith.constant 0 : i32
    %dma_wait3A_244 = tpu.memref_slice %arg19[%dma_wait3A_243, %mul3A_2] : memref<89x16384xf32, #tpu.memory_space<hbm>> -> memref<89x256xf32, #tpu.memory_space<hbm>>
    %dma_wait3A_245 = arith.constant 0 : i32
    %dma_wait3A_246 = arith.constant 0 : i32
    %dma_wait3A_247 = tpu.memref_slice %arg37[%dma_wait3A_236, %dma_wait3A_245, %dma_wait3A_246] : memref<2x89x256xf32, #tpu.memory_space<vmem>> -> memref<1x89x256xf32, #tpu.memory_space<vmem>>
    %dma_wait3A_248 = tpu.memref_squeeze %dma_wait3A_247 : memref<1x89x256xf32, #tpu.memory_space<vmem>> -> memref<89x256xf32, #tpu.memory_space<vmem>>
    tpu.wait_dma2 semaphore(%arg40 : memref<!tpu.dma_semaphore, #tpu.memory_space<semaphore_mem>>) src(%dma_wait3A_248 : memref<89x256xf32, #tpu.memory_space<vmem>>) dst(%dma_wait3A_244 : memref<89x256xf32, #tpu.memory_space<hbm>>)
    %dma_wait3A_249 = arith.constant 1 : i32
    %dma_wait3A_250 = arith.constant 0 : i32
    %dma_wait3A_251 = arith.constant 0 : i32
    %dma_wait3A_252 = tpu.memref_slice %arg37[%dma_wait3A_249, %dma_wait3A_250, %dma_wait3A_251] : memref<2x89x256xf32, #tpu.memory_space<vmem>> -> memref<1x89x256xf32, #tpu.memory_space<vmem>>
    %dma_wait3A_253 = tpu.memref_squeeze %dma_wait3A_252 : memref<1x89x256xf32, #tpu.memory_space<vmem>> -> memref<89x256xf32, #tpu.memory_space<vmem>>
    %dma_wait3A_254 = arith.constant 0 : i32
    %dma_wait3A_255 = tpu.memref_slice %arg19[%dma_wait3A_254, %add3A_222] : memref<89x16384xf32, #tpu.memory_space<hbm>> -> memref<89x256xf32, #tpu.memory_space<hbm>>
    %dma_wait3A_256 = arith.constant 0 : i32
    %dma_wait3A_257 = tpu.memref_slice %arg19[%dma_wait3A_256, %add3A_222] : memref<89x16384xf32, #tpu.memory_space<hbm>> -> memref<89x256xf32, #tpu.memory_space<hbm>>
    %dma_wait3A_258 = arith.constant 0 : i32
    %dma_wait3A_259 = arith.constant 0 : i32
    %dma_wait3A_260 = tpu.memref_slice %arg37[%dma_wait3A_249, %dma_wait3A_258, %dma_wait3A_259] : memref<2x89x256xf32, #tpu.memory_space<vmem>> -> memref<1x89x256xf32, #tpu.memory_space<vmem>>
    %dma_wait3A_261 = tpu.memref_squeeze %dma_wait3A_260 : memref<1x89x256xf32, #tpu.memory_space<vmem>> -> memref<89x256xf32, #tpu.memory_space<vmem>>
    tpu.wait_dma2 semaphore(%arg40 : memref<!tpu.dma_semaphore, #tpu.memory_space<semaphore_mem>>) src(%dma_wait3A_261 : memref<89x256xf32, #tpu.memory_space<vmem>>) dst(%dma_wait3A_257 : memref<89x256xf32, #tpu.memory_space<hbm>>)
    return
  }
}

</mosaic_0001>

<sc_bundles>
// kernel: kernel.3.cloned.1.call-start
scs
__scs_entry_jumppad:
0x0: {  	(pc) =	sbr.rel $0x88, $3  }
0x1: {  	(tag) =	ssettag $0x0;
	lr =	simm.s32 $0x1  }
0x2: {  	[smem:$0x3F90] =	sst lr;
	_ =	strace $0xD0000000  }
0x3: {  	_ = 	snop  }
0x4: {  	_ = 	snop  }
0x5: {  	_ = 	snop  }
0x6: {  	_ = 	snop  }
0x7: {  	_ = 	snop  }
__scs_overlays_trampoline_lowered:
0x8: {  	[smem:$0x3F9F] =	sst s0  }
0x9: {  	[smem:$0x3FA0] =	sst s1  }
0xa: {  	[smem:$0x3FA1] =	sst s2  }
0xb: {  	[smem:$0x3FA2] =	sst s3  }
0xc: {  	[smem:$0x3FA3] =	sst s4  }
0xd: {  	[smem:$0x3FA4] =	sst s5  }
0xe: {  	[smem:$0x3FA5] =	sst s6  }
0xf: {  	[smem:$0x3FA6] =	sst s7  }
0x10: {  	[smem:$0x3FA7] =	sst s8  }
0x11: {  	[smem:$0x3FA8] =	sst s9;
	s0 =	simm.s32 @!p0 $0x0  }
0x12: {  	s1 =	sld [smem:$0x3F8E];
	s0 =	simm.s32 @p0 $0x1  }
0x13: {  	[smem:$0x3FA9] =	sst s0;
	s0 =	simm.s32 @!p1 $0x0  }
0x14: {  	s2 =	sld [smem:$0x3F8D];
	s0 =	simm.s32 @p1 $0x1  }
0x15: {  	[smem:$0x3FAA] =	sst s0;
	s0 =	simm.s32 @!p2 $0x0  }
0x16: {  	s3 =	sld [smem:$0x3FDB];
	s0 =	simm.s32 @p2 $0x1  }
0x17: {  	s4 =	simm.s32 $0x1BF5;
	[smem:$0x3FAC] =	sst s0  }
0x18: {  	s0 =	sld [smem:$0x3F8F];
	_ =	swait.ge [sflag:s4], $0x0  }
0x19: {  	s7 =	sld [smem:$0x3F90]  }
0x1a: {  	s8 =	sadd.s32 $0xFFFFE003, lr  }
0x1b: {  	s9 =	sadd.s32 $0xFFFFFEF7, lr;
	s5 =	simm.s32 $0xFFFFFFFF;
	p2 =	slt.u32 s8, $0xFFFFF086  }
0x1c: {  	p1 =	slt.u32 s9, $0xF7A;
	s5 =	simm.s32 @!p2 $0x0  }
0x1d: {  	s5 =	simm.s32 @p1 $0x1;
	p0 =	seq.s32 s7, s2  }
0x1e: {  	s7 =	smul.u32 @!p0 $0xF7A, s2;
	p2 =	seq.s32 @!p0 s5, $0x0  }
0x1f: {  	s9 =	smul.u32 $0xF7A, s1;
	s8 =	simm.s32 @!p0 $0x1BF5;
	p2 =	por !p2, p0  }
0x20: {  	[sflag:s8] =	ssyncset.s32 @!p0 $0xFFFFF086;
	s6 =	sadd.s32 @!p0 s3, s7;
	s7 =	simm.s32 @!p0 $0x108  }
0x21: {  	s3 =	sadd.s32 s3, s9;
	s6 =	sadd.s32 @!p0 $0x88, s6;
	s7 =	simm.s32 @p2 $0x1082  }
0x22: {  	[simem:s7], [sflag:s8] =	dma.local @!p0 [hbm:s6], $0xF7A  }
0x23: {  	s9 =	sor.u32 $0xD0000000, s2;
	s6 =	simm.s32 $0x108;
	_ =	swait.ge @!p0 [sflag:s8], $0x0  }
0x24: {  	s3 =	sadd.s32 $0x88, s3;
	s6 =	simm.s32 @!p1 $0x1082;
	[sflag:s4] =	ssyncset.s32 $0xFFFFF086  }
0x25: {  	[simem:s6], [sflag:s4] =	dma.local [hbm:s3], $0xF7A  }
0x26: {  	[smem:$0x3F90] =	sst s1;
	(tag) =	ssettag s2;
	_ =	strace s9  }
0x27: {  	s1 =	sld [smem:$0x3FA0]  }
0x28: {  	s2 =	sld [smem:$0x3FA1]  }
0x29: {  	s4 =	sld [smem:$0x3FA3]  }
0x2a: {  	p0 =	seq.s32 s5, $0x0;
	s5 =	sld [smem:$0x3FA4]  }
0x2b: {  	s6 =	sld [smem:$0x3FA5]  }
0x2c: {  	s7 =	sld [smem:$0x3FA6]  }
0x2d: {  	s3 =	simm.s32 $0x108;
	s8 =	sld [smem:$0x3FA7]  }
0x2e: {  	s3 =	simm.s32 @!p0 $0x1082;
	s9 =	sld [smem:$0x3FA8]  }
0x2f: {  	lr =	sadd.s32 s0, s3;
	s0 =	sld [smem:$0x3F9F]  }
0x30: {  	s3 =	sld [smem:$0x3FA2]  }
0x31: {  	[smem:$0x3FAB] =	sst s10  }
0x32: {  	s10 =	sld [smem:$0x3FA9];
	_ =	sdelay $0x3  }
0x33: {  	p0 =	seq.s32 s10, $0x1;
	s10 =	sld [smem:$0x3FAB];
	_ =	sdelay $0x3  }
0x34: {  	[smem:$0x3FAB] =	sst s10  }
0x35: {  	s10 =	sld [smem:$0x3FAA];
	_ =	sdelay $0x3  }
0x36: {  	p1 =	seq.s32 s10, $0x1;
	s10 =	sld [smem:$0x3FAB];
	_ =	sdelay $0x3  }
0x37: {  	[smem:$0x3FAB] =	sst s10  }
0x38: {  	s10 =	sld [smem:$0x3FAC]  }
0x39: {  	_ = 	snop;
	(pc) =	sbr.ind lr, $3  }
0x3a: {  	_ = 	snop  }
0x3b: {  	_ = 	snop  }
0x3c: {  	p2 =	seq.s32 s10, $0x1;
	s10 =	sld [smem:$0x3FAB]  }
0x3d: {  	_ =	shalt  }
0x3e: {  	_ =	shalt  }
0x3f: {  	_ =	shalt  }
0x40: {  	_ =	shalt  }
0x41: {  	_ =	shalt  }
0x42: {  	_ =	shalt  }
0x43: {  	_ =	shalt  }
0x44: {  	_ =	shalt  }
0x45: {  	_ =	shalt  }
0x46: {  	_ =	shalt  }
0x47: {  	_ =	shalt  }
0x48: {  	_ =	shalt  }
0x49: {  	_ =	shalt  }
0x4a: {  	_ =	shalt  }
0x4b: {  	_ =	shalt  }
0x4c: {  	_ =	shalt  }
0x4d: {  	_ =	shalt  }
0x4e: {  	_ =	shalt  }
0x4f: {  	_ =	shalt  }
0x50: {  	_ =	shalt  }
0x51: {  	_ =	shalt  }
0x52: {  	_ =	shalt  }
0x53: {  	_ =	shalt  }
0x54: {  	_ =	shalt  }
0x55: {  	_ =	shalt  }
0x56: {  	_ =	shalt  }
0x57: {  	_ =	shalt  }
0x58: {  	_ =	shalt  }
0x59: {  	_ =	shalt  }
0x5a: {  	_ =	shalt  }
0x5b: {  	_ =	shalt  }
0x5c: {  	_ =	shalt  }
0x5d: {  	_ =	shalt  }
0x5e: {  	_ =	shalt  }
0x5f: {  	_ =	shalt  }
0x60: {  	_ =	shalt  }
0x61: {  	_ =	shalt  }
0x62: {  	_ =	shalt  }
0x63: {  	_ =	shalt  }
0x64: {  	_ =	shalt  }
0x65: {  	_ =	shalt  }
0x66: {  	_ =	shalt  }
0x67: {  	_ =	shalt  }
0x68: {  	_ =	shalt  }
0x69: {  	_ =	shalt  }
0x6a: {  	_ =	shalt  }
0x6b: {  	_ =	shalt  }
0x6c: {  	_ =	shalt  }
0x6d: {  	_ =	shalt  }
0x6e: {  	_ =	shalt  }
0x6f: {  	_ =	shalt  }
0x70: {  	_ =	shalt  }
0x71: {  	_ =	shalt  }
0x72: {  	_ =	shalt  }
0x73: {  	_ =	shalt  }
0x74: {  	_ =	shalt  }
0x75: {  	_ =	shalt  }
0x76: {  	_ =	shalt  }
0x77: {  	_ =	shalt  }
0x78: {  	_ =	shalt  }
0x79: {  	_ =	shalt  }
0x7a: {  	_ =	shalt  }
0x7b: {  	_ =	shalt  }
0x7c: {  	_ =	shalt  }
0x7d: {  	_ =	shalt  }
0x7e: {  	_ =	shalt  }
0x7f: {  	_ =	shalt  }
0x80: {  	_ =	shalt  }
0x81: {  	_ =	shalt  }
0x82: {  	_ =	shalt  }
0x83: {  	_ =	shalt  }
0x84: {  	_ =	shalt  }
0x85: {  	_ =	shalt  }
0x86: {  	_ =	shalt  }
0x87: {  	_ =	shalt  }
.Lfunc_end0:
.L_simem_size_0:
called_computation_lowered:
.L_overlay_start_0:
0x88: {  	s2 =	sld [smem:$0x3FD9]  }
0x89: {  	s3 =	sld [smem:$0x3FFE];
	_ =	sdelay $0x1  }
0x8a: {  	s1 =	srdreg.scid  }
0x8b: {  	s0 =	sand.u32 $0x1, s1  }
0x8c: {  	s29 =	sshll.u32 s0, $0xA;
	s2 =	sadd.s32 s3, s2  }
0x8d: {  	s2 =	sadd.s32 s2, s29  }
0x8e: {  	[smem:$0x3FB7] =	sst s2  }
0x8f: {  	_ = 	snop  }
0x90: {  	s2 =	sld [smem:$0x3FC9]  }
0x91: {  	s3 =	sld [smem:$0x3FC8]  }
0x92: {  	s4 =	sld [smem:$0x3FC7]  }
0x93: {  	s5 =	sld [smem:$0x3FC6]  }
0x94: {  	s6 =	sld [smem:$0x3FC5]  }
0x95: {  	s7 =	sld [smem:$0x3FC4]  }
0x96: {  	s8 =	sld [smem:$0x3FC3]  }
0x97: {  	s9 =	sld [smem:$0x3FC2]  }
0x98: {  	s10 =	sld [smem:$0x3FC1]  }
0x99: {  	s11 =	sld [smem:$0x3FC0]  }
0x9a: {  	s12 =	sld [smem:$0x3FBF]  }
0x9b: {  	s13 =	sld [smem:$0x3FBE]  }
0x9c: {  	s14 =	sld [smem:$0x3FBD]  }
0x9d: {  	s15 =	sld [smem:$0x3FBC]  }
0x9e: {  	s17 =	sld [smem:$0x3FBB]  }
0x9f: {  	s18 =	sld [smem:$0x3FBA]  }
0xa0: {  	s19 =	sld [smem:$0x3FB9]  }
0xa1: {  	s20 =	sld [smem:$0x3FD0];
	(tm) =	ssettm $0x1  }
0xa2: {  	s16 =	sld [smem:$0x3FFB];
	_ =	sdelay $0x3  }
0xa3: {  	_ =	strace s16  }
0xa4: {  	s16 =	sld [smem:$0x3FFC];
	_ =	sdelay $0x3  }
0xa5: {  	_ =	strace s16  }
0xa6: {  	s16 =	sld [smem:$0x3FFD];
	_ =	sdelay $0x3  }
0xa7: {  	_ =	strace s16  }
0xa8: {  	_ =	strace $0x8FFFFFFF  }
0xa9: {  	s30 =	sld [smem:$0x3FDB];
	_ =	sdelay $0x1  }
0xaa: {  	s21 =	simm.s32 $_scs_section_size  }
0xab: {  	s22 =	simm.s32 $_size__tile_task_arg_handler_lowered;
	s23 =	simm.s32 $_tile_task_arg_handler_lowered  }
0xac: {  	s26 =	simm.s32 $0x1BFF;
	s25 =	sshll.u32 s23, $0x1;
	s21 =	sadd.s32 s21, s30  }
0xad: {  	s24 =	simm.s32 $0x60;
	s31 =	sshll.u32 s22, $0x1;
	s22 =	sadd.s32 s25, s21  }
0xae: {  	[timem:s24], [sflag:s26] =	dma.local [hbm:s22], s31  }
0xaf: {  	_ =	swait.ge [sflag:s26], s31  }
0xb0: {  	s28 =	simm.s32 $_tile_overlayer_lowered;
	s16 =	ssub.s32 $0x0, s31;
	[sflag:s26] =	ssyncset.done $0x0  }
0xb1: {  	s29 =	simm.s32 $_size__tile_overlayer_lowered;
	s22 =	sshll.u32 s28, $0x1;
	[sflag:s26] =	ssyncadd.s32 s16  }
0xb2: {  	s30 =	sshll.u32 s29, $0x1;
	s22 =	sadd.s32 s22, s21;
	s16 =	simm.s32 $0x0  }
0xb3: {  	[timem:s16], [sflag:s26] =	dma.local [hbm:s22], s30  }
0xb4: {  	_ =	swait.ge [sflag:s26], s30  }
0xb5: {  	s31 =	ssub.s32 $0x0, s30;
	[sflag:s26] =	ssyncset.done $0x0  }
0xb6: {  	[sflag:s26] =	ssyncadd.s32 s31;
	_ =	sdelay $0x1  }
0xb7: {  	s24 =	simm.s32 $0x1B8B  }
0xb8: {  	_ =	swait.ge [sflag:s24], $0x1  }
0xb9: {  	[sflag:s24] =	ssyncset.done $0x0  }
0xba: {  	s25 =	simm.s32 $0x1B8E;
	[sflag:s24] =	ssyncadd.s32 $0xFFFFFFFF  }
0xbb: {  	s26 =	simm.s32 $execute0_lowered;
	[smem:$0x3FD2] =	sst s25  }
0xbc: {  	s22 =	sshll.u32 s26, $0x1;
	_ =	strace $0x80000046;
	[dreg:$0x1] =	wrdreg $0xFFFFFFFF  }
0xbd: {  	s28 =	simm.s32 $_size_execute0_lowered;
	s21 =	sadd.s32 s21, s22;
	[dreg:$0x0] =	wrdreg $0x0  }
0xbe: {  	s22 =	sshll.u32 s28, $0x1;
	[dreg:$0x2] =	wrdreg s21  }
0xbf: {  	[dreg:$0x3] =	wrdreg s22  }
0xc0: {  	[dreg:$0x4] =	wrdreg $0xC0  }
0xc1: {  	_ =	task [dreg:s16], $0x5FFFF  }
0xc2: {  	[dreg:$0x1] =	wrdreg $0xFFFFFFFF  }
0xc3: {  	[dreg:$0x0] =	wrdreg $0x30  }
0xc4: {  	[dreg:$0x2] =	wrdreg $0x0  }
0xc5: {  	[dreg:$0x3] =	wrdreg s17  }
0xc6: {  	[dreg:$0x4] =	wrdreg s18  }
0xc7: {  	[dreg:$0x5] =	wrdreg s19  }
0xc8: {  	[dreg:$0x6] =	wrdreg s20  }
0xc9: {  	[dreg:$0x7] =	wrdreg $0x9  }
0xca: {  	_ =	task [dreg:s16], $0x8FFFF  }
0xcb: {  	[dreg:$0x1] =	wrdreg $0xFFFFFFFF  }
0xcc: {  	[dreg:$0x0] =	wrdreg $0x60  }
0xcd: {  	[dreg:$0x2] =	wrdreg s2  }
0xce: {  	[dreg:$0x3] =	wrdreg s3  }
0xcf: {  	[dreg:$0x4] =	wrdreg s4  }
0xd0: {  	[dreg:$0x5] =	wrdreg s5  }
0xd1: {  	[dreg:$0x6] =	wrdreg s6  }
0xd2: {  	[dreg:$0x7] =	wrdreg s7  }
0xd3: {  	[dreg:$0x8] =	wrdreg s8  }
0xd4: {  	[dreg:$0x9] =	wrdreg s9  }
0xd5: {  	[dreg:$0xa] =	wrdreg s10  }
0xd6: {  	[dreg:$0xb] =	wrdreg s11  }
0xd7: {  	[dreg:$0xc] =	wrdreg s12  }
0xd8: {  	[dreg:$0xd] =	wrdreg s13  }
0xd9: {  	[dreg:$0xe] =	wrdreg s14  }
0xda: {  	[dreg:$0xf] =	wrdreg s15  }
0xdb: {  	_ =	task.clear_ibuf [dreg:s16], $0x10FFFF;
	_ =	strace $0x90000046  }
0xdc: {  	s29 =	simm.s32 $0x9;
	_ =	strace $0x80000048  }
0xdd: {  	_ =	swait.ge [sflag:s29], $0x1  }
0xde: {  	[sflag:s29] =	ssyncadd.s32 $0xFFFFFFFF  }
0xdf: {  	_ =	strace $0x90000048  }
0xe0: {  	_ =	sfence  }
0xe1: {  	s30 =	sld [smem:$0x0];
	_ =	sdelay $0x2  }
0xe2: {  	s31 =	sshll.u32 s1, $0xD;
	s1 =	sshrl.u32 s1, $0x2  }
0xe3: {  	s3 =	sand.u32 $0x4000, s31;
	s1 =	sadd.s32 s1, s30  }
0xe4: {  	s0 =	sor.u32 s3, s0;
	s1 =	sshll.u32 s1, $0x11  }
0xe5: {  	s0 =	sor.u32 s1, s0  }
0xe6: {  	s0 =	sadd.s32 $0x8F2B, s0  }
0xe7: {  	[sflag:s0] =	ssyncadd.remote.s32 $0x1  }
0xe8: {  	_ =	sfence.sel $0xFFFF  }
0xe9: {  	[dreg:$0x0] =	wrdreg $0xFFFFFFFF;
	(pc) =	sbr.abs _section_cstart, $3  }
0xea: {  	[dreg:$0x1] =	wrdreg $0xFFFFFFFF  }
0xeb: {  	_ =	task.clear_ibuf [dreg:s16], $0x2FFFF;
	_ =	strace $0x9FFFFFFF  }
0xec: {  	(tm) =	ssettm $0x7FFFFFFF  }
0xed: {  	_ =	shalt  }
tec
_tile_task_arg_handler_lowered:
.L_overlay_start_1:
0x0: {  	(tag) =	ssettag $0x1  }
0x1: {  	s0 =	rddreg [dreg:$0x0]  }
0x2: {  	s1 =	rddreg [dreg:$0x1]  }
0x3: {  	s2 =	rddreg [dreg:$0x2]  }
0x4: {  	s3 =	rddreg [dreg:$0x3]  }
0x5: {  	s4 =	rddreg [dreg:$0x4]  }
0x6: {  	s5 =	rddreg [dreg:$0x5]  }
0x7: {  	s6 =	rddreg [dreg:$0x6]  }
0x8: {  	s7 =	rddreg [dreg:$0x7]  }
0x9: {  	s8 =	rddreg [dreg:$0x8]  }
0xa: {  	s9 =	rddreg [dreg:$0x9]  }
0xb: {  	s10 =	rddreg [dreg:$0xa]  }
0xc: {  	s11 =	rddreg [dreg:$0xb]  }
0xd: {  	s12 =	rddreg [dreg:$0xc]  }
0xe: {  	s13 =	rddreg [dreg:$0xd]  }
0xf: {  	[smem:s0] =	sst s1  }
0x10: {  	[smem:s0+$0x1] =	sst s2  }
0x11: {  	[smem:s0+$0x2] =	sst s3  }
0x12: {  	[smem:s0+$0x3] =	sst s4  }
0x13: {  	[smem:s0+$0x4] =	sst s5  }
0x14: {  	[smem:s0+$0x5] =	sst s6  }
0x15: {  	[smem:s0+$0x6] =	sst s7  }
0x16: {  	[smem:s0+$0x7] =	sst s8  }
0x17: {  	[smem:s0+$0x8] =	sst s9  }
0x18: {  	[smem:s0+$0x9] =	sst s10  }
0x19: {  	[smem:s0+$0xA] =	sst s11  }
0x1a: {  	[smem:s0+$0xB] =	sst s12  }
0x1b: {  	[smem:s0+$0xC] =	sst s13;
	_ =	shalt  }
.Lfunc_end2:
execute0_lowered:
.L_overlay_start_2:
0x1c: {  	(tag) =	ssettag $0x2  }
0x1d: {  	s0 =	rddreg [dreg:$0x0]  }
0x1e: {  	s1 =	rddreg [dreg:$0x1]  }
0x1f: {  	s2 =	rddreg [dreg:$0x2]  }
0x20: {  	s3 =	rddreg [dreg:$0x3]  }
0x21: {  	s5 =	rddreg [dreg:$0x4]  }
0x22: {  	s6 =	rddreg [dreg:$0x5]  }
0x23: {  	s7 =	rddreg [dreg:$0x6]  }
0x24: {  	s8 =	rddreg [dreg:$0x7]  }
0x25: {  	s9 =	rddreg [dreg:$0x8]  }
0x26: {  	s10 =	rddreg [dreg:$0x9];
	s4 =	simm.s32 $0x0  }
0x27: {  	[smem:$0x7FF] =	sst s4  }
0x28: {  	s11 =	sld [smem:$0x0]  }
0x29: {  	s21 =	srdreg.scid;
	s12 =	sld [smem:$0x1]  }
0x2a: {  	s14 =	stileid.u32;
	s22 =	sld [smem:$0x2]  }
0x2b: {  	s14 =	sshll.u32 s14, $0xA;
	[dreg:$0xe] =	wrdreg s11;
	s11 =	sand.u32 $0x1, s21  }
0x2c: {  	s18 =	sld [smem:$0x3];
	s23 =	ssub.s32 $0x2, s11;
	s11 =	sshll.u32 s11, $0x9  }
0x2d: {  	s28 =	simm.s32 $0x20000;
	[dreg:$0xf] =	wrdreg s12;
	s11 =	sor.u32 s11, s14  }
0x2e: {  	s29 =	simm.s32 $0x5600;
	[dreg:$0x10] =	wrdreg s22;
	s24 =	sadd.s32 s0, s11  }
0x2f: {  	s30 =	simm.s32 $0x9600;
	s26 =	sshrl.u32 s11, $0x1;
	[dreg:$0x11] =	wrdreg s24  }
0x30: {  	s17 =	sshrl.u32 s11, $0x3;
	s12 =	sadd.s32 s1, s26;
	s26 =	sld [smem:$0x4]  }
0x31: {  	s31 =	simm.s32 $0x9800;
	s3 =	sadd.s32 s3, s17;
	[dreg:$0x12] =	wrdreg s12  }
0x32: {  	s13 =	sshrl.u32 s23, $0x1;
	s5 =	sadd.s32 s5, s17;
	[dreg:$0x13] =	wrdreg s3  }
0x33: {  	s25 =	ssub.s32 s23, s13;
	s13 =	sadd.s32 s7, s17;
	[dreg:$0x14] =	wrdreg s5  }
0x34: {  	s14 =	sshrl.u32 s11, $0x7;
	s15 =	sadd.s32 s8, s17;
	[dreg:$0x16] =	wrdreg s13  }
0x35: {  	s23 =	sadd.s32 s18, s11;
	s16 =	sadd.s32 s9, s17;
	[dreg:$0x17] =	wrdreg s15  }
0x36: {  	s19 =	sadd.s32 s10, s17;
	s24 =	sadd.s32 s2, s11;
	[dreg:$0x18] =	wrdreg s16  }
0x37: {  	s25 =	smax.u32 s25, $0x1;
	s7 =	simm.s32 $0x0;
	[dreg:$0x19] =	wrdreg s19  }
0x38: {  	s12 =	sadd.s32 s6, s17;
	s3 =	sor.u32 $0x2, s14;
	[dreg:$0x1c] =	wrdreg s24  }
0x39: {  	s6 =	simm.s32 $0x9C00;
	s20 =	sshll.u32 s3, $0x7;
	s3 =	sshll.u32 s3, $0x6  }
0x3a: {  	s5 =	simm.s32 $0x3;
	[dreg:$0x15] =	wrdreg s12;
	s1 =	sadd.s32 s1, s3  }
0x3b: {  	s21 =	sadd.s32 s0, s20;
	s22 =	sadd.s32 s2, s20;
	[dreg:$0x1a] =	wrdreg s26  }
0x3c: {  	s24 =	sadd.s32 s18, s20;
	s26 =	simm.s32 $0x800;
	s18 =	simm.s32 $0x9D00  }
0x3d: {  	s0 =	simm.s32 $0x9E00;
	s3 =	simm.s32 $0x1;
	[dreg:$0x1b] =	wrdreg s1  }
0x3e: {  	s2 =	simm.s32 $0x2;
	s1 =	simm.s32 $0xA000;
	_ =	strace $0x80000047  }
.LBB3_1:
0x3f: {  	s8 =	rddreg [dreg:$0x11]  }
0x40: {  	[tilespmem:s4], [sflag:$0x1] =	stream.strided.gather [hbm4b:s8+s26], $0x1000, s28, s26, $0x38;
	[tilespmem:$0x16400] =	vst v63  }
0x41: {  	s13 =	rddreg [dreg:$0x12];
	s9 =	simm.s32 $0x2000  }
0x42: {  	[tilespmem:s9], [sflag:$0x1] =	stream.linear.gather [hbm4b:s13+s4], $0x400, $0x38;
	[tilespmem:$0x16400] =	vst v63  }
0x43: {  	s14 =	rddreg [dreg:$0x1c];
	s15 =	simm.s32 $0x2800  }
0x44: {  	[tilespmem:s15], [sflag:$0x1] =	stream.strided.gather [hbm4b:s14+s26], $0x1000, s28, s26, $0x38;
	[tilespmem:$0x16400] =	vst v63  }
0x45: {  	s16 =	rddreg [dreg:$0x13];
	s17 =	simm.s32 $0x4800  }
0x46: {  	[tilespmem:s17], [sflag:$0x1] =	stream.linear.gather [hbm4b:s16+s4], $0x200, $0x38;
	[tilespmem:$0x16400] =	vst v63  }
0x47: {  	s19 =	rddreg [dreg:$0x14];
	s20 =	simm.s32 $0x4A00  }
0x48: {  	[tilespmem:s20], [sflag:$0x1] =	stream.linear.gather [hbm4b:s19+s4], $0x200, $0x38;
	[tilespmem:$0x16400] =	vst v63  }
0x49: {  	s10 =	rddreg [dreg:$0x15];
	s11 =	simm.s32 $0x4C00  }
0x4a: {  	[tilespmem:s11], [sflag:$0x1] =	stream.linear.gather [hbm4b:s10+s4], $0x200, $0x38;
	[tilespmem:$0x16400] =	vst v63  }
0x4b: {  	s12 =	rddreg [dreg:$0x16];
	s13 =	simm.s32 $0x4E00  }
0x4c: {  	[tilespmem:s13], [sflag:$0x1] =	stream.linear.gather [hbm4b:s12+s4], $0x200, $0x38;
	[tilespmem:$0x16400] =	vst v63  }
0x4d: {  	s14 =	rddreg [dreg:$0x17];
	s15 =	simm.s32 $0x5000  }
0x4e: {  	[tilespmem:s15], [sflag:$0x1] =	stream.linear.gather [hbm4b:s14+s4], $0x200, $0x38;
	[tilespmem:$0x16400] =	vst v63  }
0x4f: {  	s16 =	rddreg [dreg:$0x18];
	s17 =	simm.s32 $0x5200  }
0x50: {  	[tilespmem:s17], [sflag:$0x1] =	stream.linear.gather [hbm4b:s16+s4], $0x200, $0x38;
	[tilespmem:$0x16400] =	vst v63  }
0x51: {  	s19 =	rddreg [dreg:$0x19];
	s20 =	simm.s32 $0x5400  }
0x52: {  	[tilespmem:s20], [sflag:$0x1] =	stream.linear.gather [hbm4b:s19+s4], $0x200, $0x38;
	[tilespmem:$0x16400] =	vst v63  }
0x53: {  	s9 =	rddreg [dreg:$0xa]  }
0x54: {  	[tilespmem:s29], [sflag:$0x1] =	stream.linear.gather [hbm4b:s9+s4], $0x4000, $0x38;
	[tilespmem:$0x16400] =	vst v63  }
0x55: {  	s10 =	rddreg [dreg:$0xb]  }
0x56: {  	[tilespmem:s30], [sflag:$0x1] =	stream.linear.gather [hbm4b:s10+s4], $0x200, $0x38;
	[tilespmem:$0x16400] =	vst v63  }
0x57: {  	s11 =	rddreg [dreg:$0xc]  }
0x58: {  	[tilespmem:s31], [sflag:$0x1] =	stream.linear.gather [hbm4b:s11+s4], $0x400, $0x38;
	[tilespmem:$0x16400] =	vst v63  }
0x59: {  	s12 =	rddreg [dreg:$0xd]  }
0x5a: {  	[tilespmem:s6], [sflag:$0x1] =	stream.linear.gather [hbm4b:s12+s4], $0x100, $0x38;
	[tilespmem:$0x16400] =	vst v63  }
0x5b: {  	s13 =	rddreg [dreg:$0xe]  }
0x5c: {  	[tilespmem:s18], [sflag:$0x1] =	stream.linear.gather [hbm4b:s13+s4], $0x100, $0x38;
	[tilespmem:$0x16400] =	vst v63  }
0x5d: {  	s14 =	rddreg [dreg:$0xf]  }
0x5e: {  	[tilespmem:s0], [sflag:$0x1] =	stream.linear.gather [hbm4b:s14+s4], $0x200, $0x38;
	[tilespmem:$0x16400] =	vst v63  }
0x5f: {  	s15 =	rddreg [dreg:$0x10]  }
0x60: {  	[tilespmem:s1], [sflag:$0x1] =	stream.linear.gather [hbm4b:s15+s4], $0x400, $0x38;
	[tilespmem:$0x16400] =	vst v63  }
0x61: {  	s16 =	simm.s32 $0x1000  }
0x62: {  	[tilespmem:s16], [sflag:$0x2] =	stream.strided.gather [hbm4b:s21+s26], $0x1000, s28, s26, $0x38;
	[tilespmem:$0x16400] =	vst v63  }
0x63: {  	s17 =	rddreg [dreg:$0x1b];
	s19 =	simm.s32 $0x2400  }
0x64: {  	[tilespmem:s19], [sflag:$0x2] =	stream.linear.gather [hbm4b:s17+s4], $0x400, $0x38;
	[tilespmem:$0x16400] =	vst v63  }
0x65: {  	s20 =	simm.s32 $0x3800  }
0x66: {  	[tilespmem:s20], [sflag:$0x2] =	stream.strided.gather [hbm4b:s22+s26], $0x1000, s28, s26, $0x38;
	[tilespmem:$0x16400] =	vst v63  }
0x67: {  	_ =	swait.ge [sflag:s3], $0x1000  }
0x68: {  	[sflag:s3] =	ssyncset.done $0x0  }
0x69: {  	[sflag:s3] =	ssyncadd.s32 $0xFFFFF000  }
0x6a: {  	_ =	swait.ge [sflag:s3], $0x400  }
0x6b: {  	[sflag:s3] =	ssyncset.done $0x0  }
0x6c: {  	[sflag:s3] =	ssyncadd.s32 $0xFFFFFC00  }
0x6d: {  	_ =	swait.ge [sflag:s3], $0x1000  }
0x6e: {  	[sflag:s3] =	ssyncset.done $0x0  }
0x6f: {  	[sflag:s3] =	ssyncadd.s32 $0xFFFFF000  }
0x70: {  	_ =	swait.ge [sflag:s3], $0x200  }
0x71: {  	[sflag:s3] =	ssyncset.done $0x0  }
0x72: {  	[sflag:s3] =	ssyncadd.s32 $0xFFFFFE00  }
0x73: {  	_ =	swait.ge [sflag:s3], $0x200  }
0x74: {  	[sflag:s3] =	ssyncset.done $0x0  }
0x75: {  	[sflag:s3] =	ssyncadd.s32 $0xFFFFFE00  }
0x76: {  	_ =	swait.ge [sflag:s3], $0x200  }
0x77: {  	[sflag:s3] =	ssyncset.done $0x0  }
0x78: {  	[sflag:s3] =	ssyncadd.s32 $0xFFFFFE00  }
0x79: {  	_ =	swait.ge [sflag:s3], $0x200  }
0x7a: {  	[sflag:s3] =	ssyncset.done $0x0  }
0x7b: {  	[sflag:s3] =	ssyncadd.s32 $0xFFFFFE00  }
0x7c: {  	_ =	swait.ge [sflag:s3], $0x200  }
0x7d: {  	[sflag:s3] =	ssyncset.done $0x0  }
0x7e: {  	[sflag:s3] =	ssyncadd.s32 $0xFFFFFE00  }
0x7f: {  	_ =	swait.ge [sflag:s3], $0x200  }
0x80: {  	[sflag:s3] =	ssyncset.done $0x0  }
0x81: {  	[sflag:s3] =	ssyncadd.s32 $0xFFFFFE00  }
0x82: {  	_ =	swait.ge [sflag:s3], $0x200  }
0x83: {  	[sflag:s3] =	ssyncset.done $0x0  }
0x84: {  	[sflag:s3] =	ssyncadd.s32 $0xFFFFFE00  }
0x85: {  	_ =	swait.ge [sflag:s3], $0x4000  }
0x86: {  	[sflag:s3] =	ssyncset.done $0x0  }
0x87: {  	[sflag:s3] =	ssyncadd.s32 $0xFFFFC000  }
0x88: {  	_ =	swait.ge [sflag:s3], $0x200  }
0x89: {  	[sflag:s3] =	ssyncset.done $0x0  }
0x8a: {  	[sflag:s3] =	ssyncadd.s32 $0xFFFFFE00  }
0x8b: {  	_ =	swait.ge [sflag:s3], $0x400  }
0x8c: {  	[sflag:s3] =	ssyncset.done $0x0  }
0x8d: {  	[sflag:s3] =	ssyncadd.s32 $0xFFFFFC00  }
0x8e: {  	_ =	swait.ge [sflag:s3], $0x100  }
0x8f: {  	[sflag:s3] =	ssyncset.done $0x0  }
0x90: {  	[sflag:s3] =	ssyncadd.s32 $0xFFFFFF00  }
0x91: {  	_ =	swait.ge [sflag:s3], $0x100  }
0x92: {  	[sflag:s3] =	ssyncset.done $0x0  }
0x93: {  	[sflag:s3] =	ssyncadd.s32 $0xFFFFFF00  }
0x94: {  	_ =	swait.ge [sflag:s3], $0x200  }
0x95: {  	[sflag:s3] =	ssyncset.done $0x0  }
0x96: {  	[sflag:s3] =	ssyncadd.s32 $0xFFFFFE00  }
0x97: {  	_ =	swait.ge [sflag:s3], $0x400  }
0x98: {  	s8 =	simm.s32 $0x0;
	[sflag:s3] =	ssyncset.done $0x0  }
0x99: {  	s9 =	simm.s32 $0x0;
	s10 =	simm.s32 $0x0;
	[sflag:s3] =	ssyncadd.s32 $0xFFFFFC00  }
.LBB3_2:
0x9a: {  	s11 =	sshra.s32 s9, $0x2  }
0x9b: {  	v6 =	vld [tilespmem:s11+$0x4800]  }
0x9c: {  	v5 =	vld [tilespmem:s11+$0x4A00]  }
0x9d: {  	v4 =	vld [tilespmem:s11+$0x4C00]  }
0x9e: {  	v3 =	vld [tilespmem:s11+$0x4E00]  }
0x9f: {  	s12 =	sshll.u32 s10, $0x7;
	v2 =	vld [tilespmem:s11+$0x5000]  }
0xa0: {  	s13 =	sand.u32 $0x70, s8;
	s12 =	sand.u32 $0xFFFFFC00, s12;
	v1 =	vld [tilespmem:s11+$0x5200]  }
0xa1: {  	v0 =	vld [tilespmem:s11+$0x5400];
	s11 =	sor.u32 s13, s12  }
0xa2: {  	s14 =	sadd.s32 s12, s8;
	v7 =	vld [tilespmem:s11+$0x0]  }
0xa3: {  	s12 =	sor.u32 $0x80, s14;
	v9 =	vld [tilespmem:s11+$0x100]  }
0xa4: {  	v8 =	vld [tilespmem:s12+$0x0]  }
0xa5: {  	s15 =	sor.u32 $0x180, s14;
	v11 =	vld [tilespmem:s11+$0x200]  }
0xa6: {  	s16 =	sor.u32 $0x280, s14;
	v10 =	vld [tilespmem:s15+$0x0]  }
0xa7: {  	s17 =	sor.u32 $0x380, s14;
	v12 =	vld [tilespmem:s16+$0x0]  }
0xa8: {  	v13 =	vld [tilespmem:s17+$0x0];
	[tilespmem:s11+$0xA400] =	vst v7  }
0xa9: {  	v14 =	vld [tilespmem:s11+$0x300];
	[tilespmem:s12+$0xA400] =	vst v8  }
0xaa: {  	[tilespmem:s11+$0xA500] =	vst v9  }
0xab: {  	[tilespmem:s15+$0xA400] =	vst v10  }
0xac: {  	[tilespmem:s11+$0xA600] =	vst v11  }
0xad: {  	[tilespmem:s16+$0xA400] =	vst v12  }
0xae: {  	[tilespmem:s11+$0xA700] =	vst v14  }
0xaf: {  	s19 =	sor.u32 $0x800, s11;
	[tilespmem:s17+$0xA400] =	vst v13  }
0xb0: {  	s20 =	sor.u32 $0x900, s11;
	v7 =	vld [tilespmem:s19+$0x0]  }
0xb1: {  	v8 =	vld [tilespmem:s20+$0x0];
	s19 =	sor.u32 $0xA00, s11  }
0xb2: {  	s20 =	sor.u32 $0x880, s14;
	v9 =	vld [tilespmem:s19+$0x0];
	s19 =	sshll.u32 s10, $0x6  }
0xb3: {  	s14 =	sor.u32 $0x980, s14;
	v10 =	vld [tilespmem:s20+$0x0];
	s19 =	sand.u32 $0x3FFFFE00, s19  }
0xb4: {  	v11 =	vld [tilespmem:s14+$0x0];
	s13 =	sor.u32 s13, s19  }
0xb5: {  	v12 =	vld [tilespmem:s13+$0x2000]  }
0xb6: {  	v13 =	vld [tilespmem:s13+$0x2080]  }
0xb7: {  	v14 =	vld [tilespmem:s13+$0x2100];
	[tilespmem:s11+$0xAC00] =	vst v7  }
0xb8: {  	[tilespmem:s20+$0xA400] =	vst v10  }
0xb9: {  	[tilespmem:s11+$0xAD00] =	vst v8  }
0xba: {  	[tilespmem:s14+$0xA400] =	vst v11  }
0xbb: {  	[tilespmem:s11+$0xAE00] =	vst v9;
	v55 =	vld [tilespmem:s11+$0x2800]  }
0xbc: {  	[tilespmem:s11+$0xAE80] =	vst v12;
	v56 =	vld [tilespmem:s11+$0x2900]  }
0xbd: {  	[tilespmem:s11+$0xAF00] =	vst v13;
	v11 =	vld [tilespmem:s11+$0x2A00]  }
0xbe: {  	[tilespmem:s11+$0xAF80] =	vst v14;
	v57 =	vld [tilespmem:s11+$0x2B00]  }
0xbf: {  	v8 =	vld [tilespmem:s12+$0x2800]  }
0xc0: {  	v10 =	vld [tilespmem:s15+$0x2800]  }
0xc1: {  	v12 =	vld [tilespmem:s16+$0x2800]  }
0xc2: {  	v13 =	vld [tilespmem:s17+$0x2800];
	[tilespmem:s11+$0xB400] =	vst v55  }
0xc3: {  	[tilespmem:s11+$0xB500] =	vst v56  }
0xc4: {  	[tilespmem:s11+$0xB600] =	vst v11  }
0xc5: {  	v58 =	vshll.u32 v6, $0x3;
	[tilespmem:s11+$0xB700] =	vst v57  }
0xc6: {  	v6 =	vand.u32 $0x7F, v6;
	v59 =	vand.u32 $0xFFFFFC00, v58;
	[tilespmem:s11+$0xB480] =	vst v8  }
0xc7: {  	v6 =	vor.u32 v6, v59;
	v60 =	vld [tilespmem:s11+$0x3000];
	[tilespmem:s11+$0xB580] =	vst v10  }
0xc8: {  	v62 =	vor.u32 $0x80, v6;
	v63 =	vld [tilespmem:s11+$0x3100];
	[tilespmem:s11+$0xB680] =	vst v12  }
0xc9: {  	v16 =	vor.u32 $0x100, v6;
	v17 =	vld [tilespmem:s11+$0x3200];
	[tilespmem:s11+$0xB780] =	vst v13  }
0xca: {  	v61 =	vld [tilespmem:s20+$0x2800]  }
0xcb: {  	v12 =	vld [tilespmem:s14+$0x2800]  }
0xcc: {  	v14 =	vld.idx.msk [tilespmem:v6+s29+$0x0], $0xffff  }
0xcd: {  	v9 =	vld.idx.msk [tilespmem:v62+s29+$0x0], $0xffff  }
0xce: {  	v11 =	vld.idx.msk [tilespmem:v16+s29+$0x0], $0xffff;
	[tilespmem:s11+$0xBC00] =	vst v60  }
0xcf: {  	[tilespmem:s11+$0xBD00] =	vst v63  }
0xd0: {  	[tilespmem:s11+$0xBE00] =	vst v17  }
0xd1: {  	v18 =	vor.u32 $0x180, v6;
	[tilespmem:s11+$0xBC80] =	vst v61  }
0xd2: {  	v19 =	vor.u32 $0x200, v6;
	[tilespmem:s11+$0xBD80] =	vst v12  }
0xd3: {  	v20 =	vor.u32 $0x280, v6;
	[tilespmem:s11+$0xBE80] =	vst v14  }
0xd4: {  	v21 =	vor.u32 $0x300, v6;
	[tilespmem:s11+$0xBF00] =	vst v9  }
0xd5: {  	v22 =	vor.u32 $0x380, v6;
	[tilespmem:s11+$0xBF80] =	vst v11  }
0xd6: {  	v23 =	vadd.s32 $0x1000, v6;
	v7 =	vld.idx.msk [tilespmem:v18+s29+$0x0], $0xffff  }
0xd7: {  	v24 =	vadd.s32 $0x1080, v6;
	v8 =	vld.idx.msk [tilespmem:v19+s29+$0x0], $0xffff  }
0xd8: {  	v25 =	vadd.s32 $0x1100, v6;
	v10 =	vld.idx.msk [tilespmem:v20+s29+$0x0], $0xffff  }
0xd9: {  	v9 =	vld.idx.msk [tilespmem:v21+s29+$0x0], $0xffff  }
0xda: {  	v11 =	vld.idx.msk [tilespmem:v22+s29+$0x0], $0xffff  }
0xdb: {  	v12 =	vld.idx.msk [tilespmem:v23+s29+$0x0], $0xffff  }
0xdc: {  	v13 =	vld.idx.msk [tilespmem:v24+s29+$0x0], $0xffff  }
0xdd: {  	v14 =	vld.idx.msk [tilespmem:v25+s29+$0x0], $0xffff;
	[tilespmem:s11+$0xC400] =	vst v7  }
0xde: {  	[tilespmem:s11+$0xC480] =	vst v8  }
0xdf: {  	[tilespmem:s11+$0xC500] =	vst v10  }
0xe0: {  	v26 =	vadd.s32 $0x1180, v6;
	[tilespmem:s11+$0xC580] =	vst v9  }
0xe1: {  	v27 =	vadd.s32 $0x1200, v6;
	[tilespmem:s11+$0xC600] =	vst v11  }
0xe2: {  	v28 =	vadd.s32 $0x1280, v6;
	[tilespmem:s11+$0xC680] =	vst v12  }
0xe3: {  	v29 =	vadd.s32 $0x1300, v6;
	[tilespmem:s11+$0xC700] =	vst v13  }
0xe4: {  	v30 =	vadd.s32 $0x1380, v6;
	[tilespmem:s11+$0xC780] =	vst v14  }
0xe5: {  	v31 =	vadd.s32 $0x2000, v6;
	v7 =	vld.idx.msk [tilespmem:v26+s29+$0x0], $0xffff  }
0xe6: {  	v32 =	vadd.s32 $0x2080, v6;
	v8 =	vld.idx.msk [tilespmem:v27+s29+$0x0], $0xffff  }
0xe7: {  	v33 =	vadd.s32 $0x2100, v6;
	v9 =	vld.idx.msk [tilespmem:v28+s29+$0x0], $0xffff  }
0xe8: {  	v10 =	vld.idx.msk [tilespmem:v29+s29+$0x0], $0xffff  }
0xe9: {  	v11 =	vld.idx.msk [tilespmem:v30+s29+$0x0], $0xffff  }
0xea: {  	v12 =	vld.idx.msk [tilespmem:v31+s29+$0x0], $0xffff  }
0xeb: {  	v13 =	vld.idx.msk [tilespmem:v32+s29+$0x0], $0xffff  }
0xec: {  	v14 =	vld.idx.msk [tilespmem:v33+s29+$0x0], $0xffff;
	[tilespmem:s11+$0xCC00] =	vst v7  }
0xed: {  	[tilespmem:s11+$0xCC80] =	vst v8  }
0xee: {  	[tilespmem:s11+$0xCD00] =	vst v9  }
0xef: {  	v34 =	vadd.s32 $0x2180, v6;
	[tilespmem:s11+$0xCD80] =	vst v10  }
0xf0: {  	v35 =	vadd.s32 $0x2200, v6;
	[tilespmem:s11+$0xCE00] =	vst v11  }
0xf1: {  	v36 =	vadd.s32 $0x2280, v6;
	[tilespmem:s11+$0xCE80] =	vst v12  }
0xf2: {  	v37 =	vadd.s32 $0x2300, v6;
	[tilespmem:s11+$0xCF00] =	vst v13  }
0xf3: {  	v38 =	vadd.s32 $0x2380, v6;
	[tilespmem:s11+$0xCF80] =	vst v14  }
0xf4: {  	v39 =	vadd.s32 $0x3000, v6;
	v7 =	vld.idx.msk [tilespmem:v34+s29+$0x0], $0xffff  }
0xf5: {  	v40 =	vadd.s32 $0x3080, v6;
	v8 =	vld.idx.msk [tilespmem:v35+s29+$0x0], $0xffff  }
0xf6: {  	v41 =	vadd.s32 $0x3100, v6;
	v9 =	vld.idx.msk [tilespmem:v36+s29+$0x0], $0xffff  }
0xf7: {  	v10 =	vld.idx.msk [tilespmem:v37+s29+$0x0], $0xffff  }
0xf8: {  	v11 =	vld.idx.msk [tilespmem:v38+s29+$0x0], $0xffff  }
0xf9: {  	v12 =	vld.idx.msk [tilespmem:v39+s29+$0x0], $0xffff  }
0xfa: {  	v13 =	vld.idx.msk [tilespmem:v40+s29+$0x0], $0xffff  }
0xfb: {  	v14 =	vld.idx.msk [tilespmem:v41+s29+$0x0], $0xffff;
	[tilespmem:s11+$0xD400] =	vst v7  }
0xfc: {  	[tilespmem:s11+$0xD480] =	vst v8  }
0xfd: {  	[tilespmem:s11+$0xD500] =	vst v9  }
0xfe: {  	v42 =	vadd.s32 $0x3180, v6;
	[tilespmem:s11+$0xD580] =	vst v10  }
0xff: {  	v43 =	vadd.s32 $0x3200, v6;
	[tilespmem:s11+$0xD600] =	vst v11  }
0x100: {  	v44 =	vadd.s32 $0x3280, v6;
	[tilespmem:s11+$0xD680] =	vst v12  }
0x101: {  	v45 =	vadd.s32 $0x3300, v6;
	[tilespmem:s11+$0xD700] =	vst v13  }
0x102: {  	v6 =	vadd.s32 $0x3380, v6;
	[tilespmem:s11+$0xD780] =	vst v14  }
0x103: {  	v7 =	vld.idx.msk [tilespmem:v42+s29+$0x0], $0xffff  }
0x104: {  	v46 =	vadd.s32 $0x80, v5;
	v8 =	vld.idx.msk [tilespmem:v43+s29+$0x0], $0xffff  }
0x105: {  	v47 =	vadd.s32 $0x100, v5;
	v9 =	vld.idx.msk [tilespmem:v44+s29+$0x0], $0xffff  }
0x106: {  	v10 =	vld.idx.msk [tilespmem:v45+s29+$0x0], $0xffff  }
0x107: {  	v6 =	vld.idx.msk [tilespmem:v6+s29+$0x0], $0xffff  }
0x108: {  	v13 =	vld.idx.msk [tilespmem:v5+s30+$0x0], $0xffff  }
0x109: {  	v11 =	vld.idx.msk [tilespmem:v46+s30+$0x0], $0xffff  }
0x10a: {  	v12 =	vld.idx.msk [tilespmem:v47+s30+$0x0], $0xffff;
	[tilespmem:s11+$0xDC00] =	vst v7  }
0x10b: {  	[tilespmem:s11+$0xDC80] =	vst v8  }
0x10c: {  	[tilespmem:s11+$0xDD00] =	vst v9  }
0x10d: {  	v5 =	vadd.s32 $0x180, v5;
	[tilespmem:s11+$0xDD80] =	vst v10  }
0x10e: {  	[tilespmem:s11+$0xDE00] =	vst v6  }
0x10f: {  	v48 =	vadd.s32 $0x80, v4;
	[tilespmem:s11+$0xDE80] =	vst v13  }
0x110: {  	v49 =	vadd.s32 $0x100, v4;
	[tilespmem:s11+$0xDF00] =	vst v11  }
0x111: {  	v50 =	vadd.s32 $0x180, v4;
	[tilespmem:s11+$0xDF80] =	vst v12  }
0x112: {  	v51 =	vadd.s32 $0x200, v4;
	v5 =	vld.idx.msk [tilespmem:v5+s30+$0x0], $0xffff  }
0x113: {  	v52 =	vadd.s32 $0x280, v4;
	v10 =	vld.idx.msk [tilespmem:v4+s31+$0x0], $0xffff  }
0x114: {  	v53 =	vadd.s32 $0x300, v4;
	v6 =	vld.idx.msk [tilespmem:v48+s31+$0x0], $0xffff  }
0x115: {  	v7 =	vld.idx.msk [tilespmem:v49+s31+$0x0], $0xffff  }
0x116: {  	v8 =	vld.idx.msk [tilespmem:v50+s31+$0x0], $0xffff  }
0x117: {  	v9 =	vld.idx.msk [tilespmem:v51+s31+$0x0], $0xffff  }
0x118: {  	v11 =	vld.idx.msk [tilespmem:v52+s31+$0x0], $0xffff  }
0x119: {  	v12 =	vld.idx.msk [tilespmem:v53+s31+$0x0], $0xffff;
	[tilespmem:s11+$0xE400] =	vst v5  }
0x11a: {  	[tilespmem:s11+$0xE480] =	vst v10  }
0x11b: {  	[tilespmem:s11+$0xE500] =	vst v6  }
0x11c: {  	v4 =	vadd.s32 $0x380, v4;
	[tilespmem:s11+$0xE580] =	vst v7  }
0x11d: {  	[tilespmem:s11+$0xE600] =	vst v8  }
0x11e: {  	v54 =	vadd.s32 $0x80, v3;
	[tilespmem:s11+$0xE680] =	vst v9  }
0x11f: {  	[tilespmem:s11+$0xE700] =	vst v11  }
0x120: {  	v55 =	vadd.s32 $0x80, v2;
	[tilespmem:s11+$0xE780] =	vst v12  }
0x121: {  	v4 =	vld.idx.msk [tilespmem:v4+s31+$0x0], $0xffff  }
0x122: {  	v56 =	vadd.s32 $0x80, v1;
	v3 =	vld.idx.msk [tilespmem:v3+s6+$0x0], $0xffff  }
0x123: {  	v57 =	vadd.s32 $0x100, v1;
	v5 =	vld.idx.msk [tilespmem:v54+s6+$0x0], $0xffff  }
0x124: {  	v2 =	vld.idx.msk [tilespmem:v2+s18+$0x0], $0xffff  }
0x125: {  	v6 =	vld.idx.msk [tilespmem:v55+s18+$0x0], $0xffff  }
0x126: {  	v9 =	vld.idx.msk [tilespmem:v1+s0+$0x0], $0xffff  }
0x127: {  	v7 =	vld.idx.msk [tilespmem:v56+s0+$0x0], $0xffff  }
0x128: {  	v8 =	vld.idx.msk [tilespmem:v57+s0+$0x0], $0xffff;
	[tilespmem:s11+$0xEC00] =	vst v4  }
0x129: {  	[tilespmem:s11+$0xEC80] =	vst v3  }
0x12a: {  	[tilespmem:s11+$0xED00] =	vst v5  }
0x12b: {  	v1 =	vadd.s32 $0x180, v1;
	[tilespmem:s11+$0xED80] =	vst v2  }
0x12c: {  	[tilespmem:s11+$0xEE00] =	vst v6  }
0x12d: {  	v58 =	vadd.s32 $0x80, v0;
	[tilespmem:s11+$0xEE80] =	vst v9  }
0x12e: {  	v59 =	vadd.s32 $0x100, v0;
	[tilespmem:s11+$0xEF00] =	vst v7  }
0x12f: {  	v60 =	vadd.s32 $0x180, v0;
	[tilespmem:s11+$0xEF80] =	vst v8  }
0x130: {  	v61 =	vadd.s32 $0x200, v0;
	v1 =	vld.idx.msk [tilespmem:v1+s0+$0x0], $0xffff  }
0x131: {  	v62 =	vadd.s32 $0x280, v0;
	v6 =	vld.idx.msk [tilespmem:v0+s1+$0x0], $0xffff  }
0x132: {  	v63 =	vadd.s32 $0x300, v0;
	v2 =	vld.idx.msk [tilespmem:v58+s1+$0x0], $0xffff  }
0x133: {  	v3 =	vld.idx.msk [tilespmem:v59+s1+$0x0], $0xffff  }
0x134: {  	v4 =	vld.idx.msk [tilespmem:v60+s1+$0x0], $0xffff  }
0x135: {  	v5 =	vld.idx.msk [tilespmem:v61+s1+$0x0], $0xffff  }
0x136: {  	v7 =	vld.idx.msk [tilespmem:v62+s1+$0x0], $0xffff  }
0x137: {  	v8 =	vld.idx.msk [tilespmem:v63+s1+$0x0], $0xffff;
	[tilespmem:s11+$0xF400] =	vst v1  }
0x138: {  	[tilespmem:s11+$0xF480] =	vst v6  }
0x139: {  	[tilespmem:s11+$0xF500] =	vst v2  }
0x13a: {  	v0 =	vadd.s32 $0x380, v0;
	[tilespmem:s11+$0xF580] =	vst v3  }
0x13b: {  	[tilespmem:s11+$0xF600] =	vst v4  }
0x13c: {  	[tilespmem:s11+$0xF680] =	vst v5  }
0x13d: {  	[tilespmem:s11+$0xF700] =	vst v7  }
0x13e: {  	[tilespmem:s11+$0xF780] =	vst v8  }
0x13f: {  	p0 =	sne.s32 s9, $0x3C0;
	v0 =	vld.idx.msk [tilespmem:v0+s1+$0x0], $0xffff  }
.Ltmp0:
0x140: {  	_ = 	snop;
	(pc) =	sbr.rel @p0 .LBB3_2-.Ltmp0, $2  }
0x141: {  	_ =	sdelay $0x2  }
0x142: {  	s9 =	sadd.s32 $0x40, s9;
	s8 =	sadd.s32 $0x10, s8;
	s10 =	sadd.s32 $0x1, s10;
	[tilespmem:s11+$0xFC00] =	vst v0  }
0x143: {  	s8 =	simm.s32 $0xA400  }
0x144: {  	[hbm4b:s23+s26] =	stream.strided.scatter [tilespmem:s8], [sflag:$0x3], $0x6000, s28, s26, $0x38;
	[tilespmem:$0x16400] =	vst v63  }
0x145: {  	_ =	swait.ge [sflag:s2], $0x1000  }
0x146: {  	[sflag:s2] =	ssyncset.done $0x0  }
0x147: {  	[sflag:s2] =	ssyncadd.s32 $0xFFFFF000  }
0x148: {  	_ =	swait.ge [sflag:s2], $0x400  }
0x149: {  	[sflag:s2] =	ssyncset.done $0x0  }
0x14a: {  	[sflag:s2] =	ssyncadd.s32 $0xFFFFFC00  }
0x14b: {  	_ =	swait.ge [sflag:s2], $0x1000  }
0x14c: {  	s9 =	simm.s32 $0x0;
	[sflag:s2] =	ssyncset.done $0x0  }
0x14d: {  	s10 =	simm.s32 $0x0;
	s8 =	simm.s32 $0x400;
	[sflag:s2] =	ssyncadd.s32 $0xFFFFF000  }
.LBB3_4:
0x14e: {  	s12 =	sshra.s32 s8, $0x2  }
0x14f: {  	v6 =	vld [tilespmem:s12+$0x4800]  }
0x150: {  	v5 =	vld [tilespmem:s12+$0x4A00]  }
0x151: {  	v4 =	vld [tilespmem:s12+$0x4C00]  }
0x152: {  	s11 =	sshll.u32 s10, $0x7;
	v3 =	vld [tilespmem:s12+$0x4E00]  }
0x153: {  	s14 =	sand.u32 $0x70, s9;
	s13 =	sand.u32 $0xFFFFFC00, s11;
	v2 =	vld [tilespmem:s12+$0x5000]  }
0x154: {  	v1 =	vld [tilespmem:s12+$0x5200];
	s11 =	sor.u32 s14, s13  }
0x155: {  	v0 =	vld [tilespmem:s12+$0x5400];
	s13 =	sadd.s32 s13, s9;
	s19 =	sor.u32 $0x1000, s11  }
0x156: {  	s12 =	sor.u32 $0x1080, s13;
	v7 =	vld [tilespmem:s19+$0x0]  }
0x157: {  	s15 =	sor.u32 $0x1100, s11;
	v8 =	vld [tilespmem:s12+$0x0]  }
0x158: {  	s16 =	sor.u32 $0x1200, s11;
	v9 =	vld [tilespmem:s15+$0x0]  }
0x159: {  	s17 =	sor.u32 $0x1300, s11;
	v11 =	vld [tilespmem:s16+$0x0]  }
0x15a: {  	s15 =	sor.u32 $0x1180, s13;
	v13 =	vld [tilespmem:s17+$0x0]  }
0x15b: {  	s16 =	sor.u32 $0x1280, s13;
	v10 =	vld [tilespmem:s15+$0x0]  }
0x15c: {  	s17 =	sor.u32 $0x1380, s13;
	v12 =	vld [tilespmem:s16+$0x0]  }
0x15d: {  	v14 =	vld [tilespmem:s17+$0x0];
	[tilespmem:s11+$0x10400] =	vst v7  }
0x15e: {  	[tilespmem:s11+$0x10480] =	vst v8  }
0x15f: {  	[tilespmem:s11+$0x10500] =	vst v9  }
0x160: {  	[tilespmem:s11+$0x10600] =	vst v11  }
0x161: {  	[tilespmem:s11+$0x10700] =	vst v13  }
0x162: {  	[tilespmem:s11+$0x10580] =	vst v10  }
0x163: {  	[tilespmem:s11+$0x10680] =	vst v12  }
0x164: {  	s19 =	sor.u32 $0x1800, s11;
	[tilespmem:s11+$0x10780] =	vst v14  }
0x165: {  	s20 =	sor.u32 $0x1900, s11;
	v7 =	vld [tilespmem:s19+$0x0]  }
0x166: {  	v8 =	vld [tilespmem:s20+$0x0];
	s19 =	sor.u32 $0x1A00, s11  }
0x167: {  	s20 =	sor.u32 $0x1880, s13;
	v9 =	vld [tilespmem:s19+$0x0];
	s19 =	sshll.u32 s10, $0x6  }
0x168: {  	s13 =	sor.u32 $0x1980, s13;
	v10 =	vld [tilespmem:s20+$0x0];
	s19 =	sand.u32 $0x3FFFFE00, s19  }
0x169: {  	v11 =	vld [tilespmem:s13+$0x0];
	s14 =	sor.u32 s14, s19  }
0x16a: {  	v12 =	vld [tilespmem:s14+$0x2400]  }
0x16b: {  	v13 =	vld [tilespmem:s14+$0x2480]  }
0x16c: {  	v14 =	vld [tilespmem:s14+$0x2500];
	[tilespmem:s11+$0x10C00] =	vst v7  }
0x16d: {  	[tilespmem:s11+$0x10D00] =	vst v8  }
0x16e: {  	[tilespmem:s11+$0x10C80] =	vst v10  }
0x16f: {  	[tilespmem:s11+$0x10D80] =	vst v11  }
0x170: {  	v54 =	vld [tilespmem:s11+$0x3800];
	[tilespmem:s11+$0x10E00] =	vst v9  }
0x171: {  	v55 =	vld [tilespmem:s11+$0x3900];
	[tilespmem:s11+$0x10E80] =	vst v12  }
0x172: {  	v56 =	vld [tilespmem:s11+$0x3A00];
	[tilespmem:s11+$0x10F00] =	vst v13  }
0x173: {  	v57 =	vld [tilespmem:s11+$0x3B00];
	[tilespmem:s11+$0x10F80] =	vst v14  }
0x174: {  	v8 =	vld [tilespmem:s12+$0x2800]  }
0x175: {  	v10 =	vld [tilespmem:s15+$0x2800]  }
0x176: {  	v12 =	vld [tilespmem:s16+$0x2800]  }
0x177: {  	v13 =	vld [tilespmem:s17+$0x2800];
	[tilespmem:s11+$0x11400] =	vst v54  }
0x178: {  	[tilespmem:s11+$0x11500] =	vst v55  }
0x179: {  	[tilespmem:s11+$0x11600] =	vst v56  }
0x17a: {  	v58 =	vshll.u32 v6, $0x3;
	[tilespmem:s11+$0x11700] =	vst v57  }
0x17b: {  	v6 =	vand.u32 $0x7F, v6;
	v59 =	vand.u32 $0xFFFFFC00, v58;
	[tilespmem:s11+$0x11480] =	vst v8  }
0x17c: {  	v60 =	vld [tilespmem:s11+$0x4000];
	v6 =	vor.u32 v6, v59;
	[tilespmem:s11+$0x11580] =	vst v10  }
0x17d: {  	v63 =	vld [tilespmem:s11+$0x4100];
	v62 =	vor.u32 $0x80, v6;
	[tilespmem:s11+$0x11680] =	vst v12  }
0x17e: {  	v17 =	vld [tilespmem:s11+$0x4200];
	v16 =	vor.u32 $0x100, v6;
	[tilespmem:s11+$0x11780] =	vst v13  }
0x17f: {  	v61 =	vld [tilespmem:s20+$0x2800]  }
0x180: {  	v12 =	vld [tilespmem:s13+$0x2800]  }
0x181: {  	v14 =	vld.idx.msk [tilespmem:v6+s29+$0x0], $0xffff  }
0x182: {  	v9 =	vld.idx.msk [tilespmem:v62+s29+$0x0], $0xffff  }
0x183: {  	v11 =	vld.idx.msk [tilespmem:v16+s29+$0x0], $0xffff;
	[tilespmem:s11+$0x11C00] =	vst v60  }
0x184: {  	[tilespmem:s11+$0x11D00] =	vst v63  }
0x185: {  	[tilespmem:s11+$0x11E00] =	vst v17  }
0x186: {  	v18 =	vor.u32 $0x180, v6;
	[tilespmem:s11+$0x11C80] =	vst v61  }
0x187: {  	v19 =	vor.u32 $0x200, v6;
	[tilespmem:s11+$0x11D80] =	vst v12  }
0x188: {  	v20 =	vor.u32 $0x280, v6;
	[tilespmem:s11+$0x11E80] =	vst v14  }
0x189: {  	v21 =	vor.u32 $0x300, v6;
	[tilespmem:s11+$0x11F00] =	vst v9  }
0x18a: {  	v22 =	vor.u32 $0x380, v6;
	[tilespmem:s11+$0x11F80] =	vst v11  }
0x18b: {  	v23 =	vadd.s32 $0x1000, v6;
	v7 =	vld.idx.msk [tilespmem:v18+s29+$0x0], $0xffff  }
0x18c: {  	v24 =	vadd.s32 $0x1080, v6;
	v8 =	vld.idx.msk [tilespmem:v19+s29+$0x0], $0xffff  }
0x18d: {  	v25 =	vadd.s32 $0x1100, v6;
	v10 =	vld.idx.msk [tilespmem:v20+s29+$0x0], $0xffff  }
0x18e: {  	v9 =	vld.idx.msk [tilespmem:v21+s29+$0x0], $0xffff  }
0x18f: {  	v11 =	vld.idx.msk [tilespmem:v22+s29+$0x0], $0xffff  }
0x190: {  	v12 =	vld.idx.msk [tilespmem:v23+s29+$0x0], $0xffff  }
0x191: {  	v13 =	vld.idx.msk [tilespmem:v24+s29+$0x0], $0xffff  }
0x192: {  	v14 =	vld.idx.msk [tilespmem:v25+s29+$0x0], $0xffff;
	[tilespmem:s11+$0x12400] =	vst v7  }
0x193: {  	[tilespmem:s11+$0x12480] =	vst v8  }
0x194: {  	[tilespmem:s11+$0x12500] =	vst v10  }
0x195: {  	v26 =	vadd.s32 $0x1180, v6;
	[tilespmem:s11+$0x12580] =	vst v9  }
0x196: {  	v27 =	vadd.s32 $0x1200, v6;
	[tilespmem:s11+$0x12600] =	vst v11  }
0x197: {  	v28 =	vadd.s32 $0x1280, v6;
	[tilespmem:s11+$0x12680] =	vst v12  }
0x198: {  	v29 =	vadd.s32 $0x1300, v6;
	[tilespmem:s11+$0x12700] =	vst v13  }
0x199: {  	v30 =	vadd.s32 $0x1380, v6;
	[tilespmem:s11+$0x12780] =	vst v14  }
0x19a: {  	v31 =	vadd.s32 $0x2000, v6;
	v7 =	vld.idx.msk [tilespmem:v26+s29+$0x0], $0xffff  }
0x19b: {  	v32 =	vadd.s32 $0x2080, v6;
	v8 =	vld.idx.msk [tilespmem:v27+s29+$0x0], $0xffff  }
0x19c: {  	v33 =	vadd.s32 $0x2100, v6;
	v9 =	vld.idx.msk [tilespmem:v28+s29+$0x0], $0xffff  }
0x19d: {  	v10 =	vld.idx.msk [tilespmem:v29+s29+$0x0], $0xffff  }
0x19e: {  	v11 =	vld.idx.msk [tilespmem:v30+s29+$0x0], $0xffff  }
0x19f: {  	v12 =	vld.idx.msk [tilespmem:v31+s29+$0x0], $0xffff  }
0x1a0: {  	v13 =	vld.idx.msk [tilespmem:v32+s29+$0x0], $0xffff  }
0x1a1: {  	v14 =	vld.idx.msk [tilespmem:v33+s29+$0x0], $0xffff;
	[tilespmem:s11+$0x12C00] =	vst v7  }
0x1a2: {  	[tilespmem:s11+$0x12C80] =	vst v8  }
0x1a3: {  	[tilespmem:s11+$0x12D00] =	vst v9  }
0x1a4: {  	v34 =	vadd.s32 $0x2180, v6;
	[tilespmem:s11+$0x12D80] =	vst v10  }
0x1a5: {  	v35 =	vadd.s32 $0x2200, v6;
	[tilespmem:s11+$0x12E00] =	vst v11  }
0x1a6: {  	v36 =	vadd.s32 $0x2280, v6;
	[tilespmem:s11+$0x12E80] =	vst v12  }
0x1a7: {  	v37 =	vadd.s32 $0x2300, v6;
	[tilespmem:s11+$0x12F00] =	vst v13  }
0x1a8: {  	v38 =	vadd.s32 $0x2380, v6;
	[tilespmem:s11+$0x12F80] =	vst v14  }
0x1a9: {  	v39 =	vadd.s32 $0x3000, v6;
	v7 =	vld.idx.msk [tilespmem:v34+s29+$0x0], $0xffff  }
0x1aa: {  	v40 =	vadd.s32 $0x3080, v6;
	v8 =	vld.idx.msk [tilespmem:v35+s29+$0x0], $0xffff  }
0x1ab: {  	v41 =	vadd.s32 $0x3100, v6;
	v9 =	vld.idx.msk [tilespmem:v36+s29+$0x0], $0xffff  }
0x1ac: {  	v10 =	vld.idx.msk [tilespmem:v37+s29+$0x0], $0xffff  }
0x1ad: {  	v11 =	vld.idx.msk [tilespmem:v38+s29+$0x0], $0xffff  }
0x1ae: {  	v12 =	vld.idx.msk [tilespmem:v39+s29+$0x0], $0xffff  }
0x1af: {  	v13 =	vld.idx.msk [tilespmem:v40+s29+$0x0], $0xffff  }
0x1b0: {  	v14 =	vld.idx.msk [tilespmem:v41+s29+$0x0], $0xffff;
	[tilespmem:s11+$0x13400] =	vst v7  }
0x1b1: {  	[tilespmem:s11+$0x13480] =	vst v8  }
0x1b2: {  	[tilespmem:s11+$0x13500] =	vst v9  }
0x1b3: {  	v42 =	vadd.s32 $0x3180, v6;
	[tilespmem:s11+$0x13580] =	vst v10  }
0x1b4: {  	v43 =	vadd.s32 $0x3200, v6;
	[tilespmem:s11+$0x13600] =	vst v11  }
0x1b5: {  	v44 =	vadd.s32 $0x3280, v6;
	[tilespmem:s11+$0x13680] =	vst v12  }
0x1b6: {  	v45 =	vadd.s32 $0x3300, v6;
	[tilespmem:s11+$0x13700] =	vst v13  }
0x1b7: {  	v6 =	vadd.s32 $0x3380, v6;
	[tilespmem:s11+$0x13780] =	vst v14  }
0x1b8: {  	v7 =	vld.idx.msk [tilespmem:v42+s29+$0x0], $0xffff  }
0x1b9: {  	v46 =	vadd.s32 $0x80, v5;
	v8 =	vld.idx.msk [tilespmem:v43+s29+$0x0], $0xffff  }
0x1ba: {  	v47 =	vadd.s32 $0x100, v5;
	v9 =	vld.idx.msk [tilespmem:v44+s29+$0x0], $0xffff  }
0x1bb: {  	v10 =	vld.idx.msk [tilespmem:v45+s29+$0x0], $0xffff  }
0x1bc: {  	v6 =	vld.idx.msk [tilespmem:v6+s29+$0x0], $0xffff  }
0x1bd: {  	v13 =	vld.idx.msk [tilespmem:v5+s30+$0x0], $0xffff  }
0x1be: {  	v11 =	vld.idx.msk [tilespmem:v46+s30+$0x0], $0xffff  }
0x1bf: {  	v12 =	vld.idx.msk [tilespmem:v47+s30+$0x0], $0xffff;
	[tilespmem:s11+$0x13C00] =	vst v7  }
0x1c0: {  	[tilespmem:s11+$0x13C80] =	vst v8  }
0x1c1: {  	[tilespmem:s11+$0x13D00] =	vst v9  }
0x1c2: {  	v5 =	vadd.s32 $0x180, v5;
	[tilespmem:s11+$0x13D80] =	vst v10  }
0x1c3: {  	[tilespmem:s11+$0x13E00] =	vst v6  }
0x1c4: {  	v48 =	vadd.s32 $0x80, v4;
	[tilespmem:s11+$0x13E80] =	vst v13  }
0x1c5: {  	v49 =	vadd.s32 $0x100, v4;
	[tilespmem:s11+$0x13F00] =	vst v11  }
0x1c6: {  	v50 =	vadd.s32 $0x180, v4;
	[tilespmem:s11+$0x13F80] =	vst v12  }
0x1c7: {  	v51 =	vadd.s32 $0x200, v4;
	v5 =	vld.idx.msk [tilespmem:v5+s30+$0x0], $0xffff  }
0x1c8: {  	v52 =	vadd.s32 $0x280, v4;
	v10 =	vld.idx.msk [tilespmem:v4+s31+$0x0], $0xffff  }
0x1c9: {  	v53 =	vadd.s32 $0x300, v4;
	v6 =	vld.idx.msk [tilespmem:v48+s31+$0x0], $0xffff  }
0x1ca: {  	v7 =	vld.idx.msk [tilespmem:v49+s31+$0x0], $0xffff  }
0x1cb: {  	v8 =	vld.idx.msk [tilespmem:v50+s31+$0x0], $0xffff  }
0x1cc: {  	v9 =	vld.idx.msk [tilespmem:v51+s31+$0x0], $0xffff  }
0x1cd: {  	v11 =	vld.idx.msk [tilespmem:v52+s31+$0x0], $0xffff  }
0x1ce: {  	v12 =	vld.idx.msk [tilespmem:v53+s31+$0x0], $0xffff;
	[tilespmem:s11+$0x14400] =	vst v5  }
0x1cf: {  	[tilespmem:s11+$0x14480] =	vst v10  }
0x1d0: {  	[tilespmem:s11+$0x14500] =	vst v6  }
0x1d1: {  	v4 =	vadd.s32 $0x380, v4;
	[tilespmem:s11+$0x14580] =	vst v7  }
0x1d2: {  	[tilespmem:s11+$0x14600] =	vst v8  }
0x1d3: {  	v54 =	vadd.s32 $0x80, v3;
	[tilespmem:s11+$0x14680] =	vst v9  }
0x1d4: {  	[tilespmem:s11+$0x14700] =	vst v11  }
0x1d5: {  	v55 =	vadd.s32 $0x80, v2;
	[tilespmem:s11+$0x14780] =	vst v12  }
0x1d6: {  	v4 =	vld.idx.msk [tilespmem:v4+s31+$0x0], $0xffff  }
0x1d7: {  	v56 =	vadd.s32 $0x80, v1;
	v3 =	vld.idx.msk [tilespmem:v3+s6+$0x0], $0xffff  }
0x1d8: {  	v57 =	vadd.s32 $0x100, v1;
	v5 =	vld.idx.msk [tilespmem:v54+s6+$0x0], $0xffff  }
0x1d9: {  	v2 =	vld.idx.msk [tilespmem:v2+s18+$0x0], $0xffff  }
0x1da: {  	v6 =	vld.idx.msk [tilespmem:v55+s18+$0x0], $0xffff  }
0x1db: {  	v9 =	vld.idx.msk [tilespmem:v1+s0+$0x0], $0xffff  }
0x1dc: {  	v7 =	vld.idx.msk [tilespmem:v56+s0+$0x0], $0xffff  }
0x1dd: {  	v8 =	vld.idx.msk [tilespmem:v57+s0+$0x0], $0xffff;
	[tilespmem:s11+$0x14C00] =	vst v4  }
0x1de: {  	[tilespmem:s11+$0x14C80] =	vst v3  }
0x1df: {  	[tilespmem:s11+$0x14D00] =	vst v5  }
0x1e0: {  	v1 =	vadd.s32 $0x180, v1;
	[tilespmem:s11+$0x14D80] =	vst v2  }
0x1e1: {  	[tilespmem:s11+$0x14E00] =	vst v6  }
0x1e2: {  	v58 =	vadd.s32 $0x80, v0;
	[tilespmem:s11+$0x14E80] =	vst v9  }
0x1e3: {  	v59 =	vadd.s32 $0x100, v0;
	[tilespmem:s11+$0x14F00] =	vst v7  }
0x1e4: {  	v60 =	vadd.s32 $0x180, v0;
	[tilespmem:s11+$0x14F80] =	vst v8  }
0x1e5: {  	v61 =	vadd.s32 $0x200, v0;
	v1 =	vld.idx.msk [tilespmem:v1+s0+$0x0], $0xffff  }
0x1e6: {  	v62 =	vadd.s32 $0x280, v0;
	v6 =	vld.idx.msk [tilespmem:v0+s1+$0x0], $0xffff  }
0x1e7: {  	v63 =	vadd.s32 $0x300, v0;
	v2 =	vld.idx.msk [tilespmem:v58+s1+$0x0], $0xffff  }
0x1e8: {  	v3 =	vld.idx.msk [tilespmem:v59+s1+$0x0], $0xffff  }
0x1e9: {  	v4 =	vld.idx.msk [tilespmem:v60+s1+$0x0], $0xffff  }
0x1ea: {  	v5 =	vld.idx.msk [tilespmem:v61+s1+$0x0], $0xffff  }
0x1eb: {  	v7 =	vld.idx.msk [tilespmem:v62+s1+$0x0], $0xffff  }
0x1ec: {  	v8 =	vld.idx.msk [tilespmem:v63+s1+$0x0], $0xffff;
	[tilespmem:s11+$0x15400] =	vst v1  }
0x1ed: {  	[tilespmem:s11+$0x15480] =	vst v6  }
0x1ee: {  	[tilespmem:s11+$0x15500] =	vst v2  }
0x1ef: {  	v0 =	vadd.s32 $0x380, v0;
	[tilespmem:s11+$0x15580] =	vst v3  }
0x1f0: {  	[tilespmem:s11+$0x15600] =	vst v4  }
0x1f1: {  	[tilespmem:s11+$0x15680] =	vst v5  }
0x1f2: {  	[tilespmem:s11+$0x15700] =	vst v7  }
0x1f3: {  	[tilespmem:s11+$0x15780] =	vst v8  }
0x1f4: {  	p0 =	sne.s32 s8, $0x7C0;
	v0 =	vld.idx.msk [tilespmem:v0+s1+$0x0], $0xffff  }
.Ltmp1:
0x1f5: {  	_ = 	snop;
	(pc) =	sbr.rel @p0 .LBB3_4-.Ltmp1, $2  }
0x1f6: {  	_ =	sdelay $0x2  }
0x1f7: {  	s8 =	sadd.s32 $0x40, s8;
	s9 =	sadd.s32 $0x10, s9;
	s10 =	sadd.s32 $0x1, s10;
	[tilespmem:s11+$0x15C00] =	vst v0  }
0x1f8: {  	s8 =	simm.s32 $0x10400;
	s7 =	sadd.s32 $0x1, s7  }
0x1f9: {  	[hbm4b:s24+s26] =	stream.strided.scatter [tilespmem:s8], [sflag:$0x3], $0x6000, s28, s26, $0x38;
	[tilespmem:$0x16400] =	vst v63  }
0x1fa: {  	p0 =	sne.s32 s7, s25;
	_ =	swait.ge [sflag:s5], $0x6000  }
.Ltmp2:
0x1fb: {  	[sflag:s5] =	ssyncset.done $0x0;
	(pc) =	sbr.rel @p0 .LBB3_1-.Ltmp2, $4  }
0x1fc: {  	[sflag:s5] =	ssyncadd.s32 $0xFFFFA000  }
0x1fd: {  	_ =	swait.ge [sflag:s5], $0x6000  }
0x1fe: {  	[sflag:s5] =	ssyncset.done $0x0  }
0x1ff: {  	[sflag:s5] =	ssyncadd.s32 $0xFFFFA000  }
0x200: {  	_ =	sfence.sel $0x180000  }
0x201: {  	[bflag:$0x0] =	sbarrier.arrive $0xFFFF  }
0x202: {  	_ =	strace $0x90000047  }
0x203: {  	s0 =	stileid.u32;
	[bflag:$0x2] =	sbarrier.arrive $0xFFFF  }
0x204: {  	p0 =	sne.s32 s0, $0x0;
	s0 =	rddreg [dreg:$0x1a]  }
0x205: {  	s0 =	sadd.s32 @!p0 $0x100000, s0  }
0x206: {  	[sflag:s0] =	ssyncadd.tile.s32 @!p0 $0x1;
	_ =	shalt  }
.Lfunc_end3:
_tile_overlayer_lowered:
.L_overlay_start_3:
0x207: {  	(tag) =	ssettag $0x3  }
0x208: {  	s0 =	rddreg [dreg:$0x0];
	s2 =	stileid.u32  }
0x209: {  	s1 =	rddreg [dreg:$0x1];
	p0 =	sne.s32 s2, $0x0  }
0x20a: {  	s3 =	rddreg [dreg:$0x2];
	[bflag:$0x3] =	sbarrier.arrive $0xFFFF;
	s2 =	simm.s32 @!p0 $0x1C04  }
0x20b: {  	[timem:s3], [sflag:s2] =	dma.local @!p0 [hbm:s0], s1  }
0x20c: {  	s0 =	simm.s32 @!p0 $0x4  }
0x20d: {  	_ =	swait.ge @!p0 [sflag:s0], s1  }
0x20e: {  	s1 =	ssub.s32 @!p0 $0x0, s1;
	[sflag:s0] =	ssyncset.done @!p0 $0x0  }
0x20f: {  	[sflag:s0] =	ssyncadd.s32 @!p0 s1  }
0x210: {  	[bflag:$0x3] =	sbarrier.arrive $0xFFFF  }
0x211: {  	_ =	shalt  }

</sc_bundles>
